<compile_context>
chip_gen: v7x
topology: tpu7x:2x2x1
jax: 0.10.2.dev20260603
libtpu: 0.0.44.dev20260713+nightly
codegen_flags: <defaults>
</compile_context>

<pallas_src>
import jax
import jax.numpy as jnp
import numpy as np
from jax import lax
from jax.experimental import pallas as pl
from jax.experimental.pallas import tpu as pltpu
from jax.experimental.pallas import tpu_sc as plsc

N_ROWS = 1024
VOCAB = 100000
SMOOTH = 0.1
EPS = np.float32(SMOOTH / (VOCAB - 2))
COEF = np.float32((1.0 - SMOOTH) - SMOOTH / (VOCAB - 2))

NC = 2
NS = 16
NW = NC * NS
ROWS_PER_TILE = N_ROWS // NW
NB = 10
CH = VOCAB // NB
VECS = CH // 16
UNROLL = 25


def _chunk_sum(buf):
    zero = jnp.zeros((16,), jnp.float32)
    accs = (zero,) * 5

    def body(i, accs):
        base = i * (16 * UNROLL)
        new = list(accs)
        for j in range(UNROLL):
            v = buf[pl.ds(base + j * 16, 16)]
            new[j % 5] = new[j % 5] + v
        return tuple(new)

    accs = lax.fori_loop(0, VECS // UNROLL, body, accs)
    return ((accs[0] + accs[1]) + (accs[2] + accs[3])) + accs[4]


def _loss_kernel(pred_hbm, tgt_hbm, out_hbm, tgt_v, outv, *bufs_sems):
    bufs = bufs_sems[:NB]
    sems = bufs_sems[NB:]
    wid = lax.axis_index("s") * NC + lax.axis_index("c")
    base_row = wid * ROWS_PER_TILE

    def start(row, c, b):
        pltpu.async_copy(pred_hbm.at[pl.ds(row * VOCAB + c * CH, CH)],
                         bufs[b], sems[b])

    def wait(b):
        pltpu.make_async_copy(pred_hbm.at[pl.ds(0, CH)], bufs[b],
                              sems[b]).wait()

    pltpu.sync_copy(tgt_hbm.at[pl.ds(base_row, ROWS_PER_TILE)], tgt_v)
    for b in range(NB):
        start(base_row, b, b)

    lane = lax.iota(jnp.int32, 16)
    lane0 = lane == 0
    fzero = jnp.zeros((16,), jnp.float32)

    def body(r, carry):
        acc_s, acc_g = carry
        row = base_row + r
        t_b = plsc.load_gather(tgt_v, [jnp.full((16,), r, jnp.int32)])
        tmask = t_b != 0

        row_acc = fzero
        tv = fzero
        p0 = fzero
        for b in range(NB):
            wait(b)
            row_acc = row_acc + _chunk_sum(bufs[b])
            loc = jnp.clip(t_b - b * CH, 0, CH - 1)
            g = plsc.load_gather(bufs[b], [loc])
            in_b = (t_b >= b * CH) & (t_b < (b + 1) * CH)
            tv = jnp.where(in_b, g, tv)
            if b == 0:
                p0 = plsc.load_gather(bufs[0], [jnp.zeros((16,), jnp.int32)])

            @pl.when(r < ROWS_PER_TILE - 1)
            def _():
                start(row + 1, b, b)

        acc_s = acc_s + jnp.where(tmask, row_acc, fzero)
        acc_g = acc_g + jnp.where(tmask & lane0, COEF * tv - EPS * p0, fzero)
        return acc_s, acc_g

    acc_s, acc_g = lax.fori_loop(0, ROWS_PER_TILE, body, (fzero, fzero))
    outv[...] = (EPS * acc_s + acc_g) * np.float32(-1.0 / N_ROWS)
    pltpu.sync_copy(outv, out_hbm.at[wid])


@jax.jit
def kernel(pred, target):
    mesh = plsc.VectorSubcoreMesh(core_axis_name="c", subcore_axis_name="s")
    partials = pl.kernel(
        _loss_kernel,
        mesh=mesh,
        compiler_params=pltpu.CompilerParams(needs_layout_passes=False),
        out_type=jax.ShapeDtypeStruct((NW, 16), jnp.float32),
        scratch_types=(
            [pltpu.VMEM((ROWS_PER_TILE,), jnp.int32),
             pltpu.VMEM((16,), jnp.float32)]
            + [pltpu.VMEM((CH,), jnp.float32) for _ in range(NB)]
            + [pltpu.SemaphoreType.DMA for _ in range(NB)]
        ),
    )(pred.reshape(-1), target)
    return jnp.sum(partials)

# --- scband reference (transcript-rebuilt; emitter-appended) ---
"""Pipeline reference for scband-label-smoothing-loss-43439299232497 (READ-ONLY COPY).

The authoritative reference and input builder live on the scoring server;
editing this copy changes nothing except your own understanding.
"""

import jax, jax.numpy as jnp
import numpy as np

VOCAB = 100000
PAD = 0
SMOOTH = 0.1
CONF = 1.0 - SMOOTH


def setup_inputs(seed: int = 0) -> dict:
    key = jax.random.key(seed)
    k1, k2 = jax.random.split(key)
    pred = jax.random.normal(k1, (1024, VOCAB), dtype=jnp.float32)
    target = jax.random.randint(k2, (1024,), 0, VOCAB, dtype=jnp.int32)
    return {"pred": pred, "target": target}


def reference(pred, target):
    # pred: [N, VOCAB] (treated as log-probs), target: [N] int
    n = pred.shape[0]
    true_dist = jnp.full(pred.shape, SMOOTH / (VOCAB - 2), dtype=pred.dtype)
    # scatter_(1, target.unsqueeze(1), confidence)
    true_dist = true_dist.at[jnp.arange(n), target].set(CONF)
    # true_dist[:, padding_idx] = 0
    true_dist = true_dist.at[:, PAD].set(0.0)
    # zero out rows where target == padding_idx (index_fill_ over nonzero mask)
    pad_rows = (target == PAD)[:, None]
    true_dist = jnp.where(pad_rows, 0.0, true_dist)
    return jnp.mean(jnp.sum(-true_dist * pred, axis=1))

if __name__ == "__main__":
    import jax
    _d = setup_inputs()
    print(jax.jit(kernel)(*tuple(_d.values())))

</pallas_src>

<mosaic_0001>
#map = affine_map<(d0, d1) -> (0)>
#map1 = affine_map<(d0, d1) -> (0, 0)>
module attributes {stable_mosaic.version = 14 : i64} {
  func.func @_loss_kernel(%arg0: i32, %arg1: i32, %arg2: memref<102400000xf32, #tpu.memory_space<hbm>>, %arg3: memref<1024xi32, #tpu.memory_space<hbm>>, %arg4: memref<32x16xf32, #tpu.memory_space<hbm>>, %arg5: memref<32xi32, #tpu.memory_space<vmem>>, %arg6: memref<16xf32, #tpu.memory_space<vmem>>, %arg7: memref<10000xf32, #tpu.memory_space<vmem>>, %arg8: memref<10000xf32, #tpu.memory_space<vmem>>, %arg9: memref<10000xf32, #tpu.memory_space<vmem>>, %arg10: memref<10000xf32, #tpu.memory_space<vmem>>, %arg11: memref<10000xf32, #tpu.memory_space<vmem>>, %arg12: memref<10000xf32, #tpu.memory_space<vmem>>, %arg13: memref<10000xf32, #tpu.memory_space<vmem>>, %arg14: memref<10000xf32, #tpu.memory_space<vmem>>, %arg15: memref<10000xf32, #tpu.memory_space<vmem>>, %arg16: memref<10000xf32, #tpu.memory_space<vmem>>, %arg17: memref<!tpu.dma_semaphore, #tpu.memory_space<semaphore_mem>>, %arg18: memref<!tpu.dma_semaphore, #tpu.memory_space<semaphore_mem>>, %arg19: memref<!tpu.dma_semaphore, #tpu.memory_space<semaphore_mem>>, %arg20: memref<!tpu.dma_semaphore, #tpu.memory_space<semaphore_mem>>, %arg21: memref<!tpu.dma_semaphore, #tpu.memory_space<semaphore_mem>>, %arg22: memref<!tpu.dma_semaphore, #tpu.memory_space<semaphore_mem>>, %arg23: memref<!tpu.dma_semaphore, #tpu.memory_space<semaphore_mem>>, %arg24: memref<!tpu.dma_semaphore, #tpu.memory_space<semaphore_mem>>, %arg25: memref<!tpu.dma_semaphore, #tpu.memory_space<semaphore_mem>>, %arg26: memref<!tpu.dma_semaphore, #tpu.memory_space<semaphore_mem>>) attributes {dimension_semantics = [#tpu.dimension_semantics<core_parallel>, #tpu.dimension_semantics<subcore_parallel>], iteration_bounds = array<i64: 2, 16>, scalar_prefetch = 0 : i64, scratch_operands = 22 : i64, tpu.core_type = #tpu.core_type<sc_vector_subcore>, window_params = [{transform_indices = #map}, {transform_indices = #map}, {transform_indices = #map1}]} {
    %mul3A = arith.constant 2 : i32
    %mul3A_0 = arith.muli %arg1, %mul3A : i32
    %add3A = arith.addi %mul3A_0, %arg0 : i32
    %mul3A_1 = arith.constant 32 : i32
    %mul3A_2 = arith.muli %add3A, %mul3A_1 : i32
    "tpu.region"() ({
      %run_scoped3A = tpu.sem_alloc : memref<!tpu.dma_semaphore, #tpu.memory_space<semaphore_mem>>
      %dma_start3A_78 = tpu.memref_slice %arg3[%mul3A_2] : memref<1024xi32, #tpu.memory_space<hbm>> -> memref<32xi32, #tpu.memory_space<hbm>>
      %dma_start3A_79 = tpu.memref_slice %arg3[%mul3A_2] : memref<1024xi32, #tpu.memory_space<hbm>> -> memref<32xi32, #tpu.memory_space<hbm>>
      tpu.enqueue_dma source(%dma_start3A_79 : memref<32xi32, #tpu.memory_space<hbm>>) target(%arg5 : memref<32xi32, #tpu.memory_space<vmem>>) target_semaphore(%run_scoped3A : memref<!tpu.dma_semaphore, #tpu.memory_space<semaphore_mem>>)
      %dma_wait3A = tpu.memref_slice %arg3[%mul3A_2] : memref<1024xi32, #tpu.memory_space<hbm>> -> memref<32xi32, #tpu.memory_space<hbm>>
      %dma_wait3A_80 = tpu.memref_slice %arg3[%mul3A_2] : memref<1024xi32, #tpu.memory_space<hbm>> -> memref<32xi32, #tpu.memory_space<hbm>>
      tpu.wait_dma2 semaphore(%run_scoped3A : memref<!tpu.dma_semaphore, #tpu.memory_space<semaphore_mem>>) src(%dma_wait3A_80 : memref<32xi32, #tpu.memory_space<hbm>>) dst(%arg5 : memref<32xi32, #tpu.memory_space<vmem>>)
      tpu.yield
    }) : () -> ()
    %mul3A_3 = arith.constant 100000 : i32
    %mul3A_4 = arith.muli %mul3A_2, %mul3A_3 : i32
    %add3A_5 = arith.constant 0 : i32
    %add3A_6 = arith.addi %mul3A_4, %add3A_5 : i32
    %dma_start3A = tpu.memref_slice %arg2[%add3A_6] : memref<102400000xf32, #tpu.memory_space<hbm>> -> memref<10000xf32, #tpu.memory_space<hbm>>
    %dma_start3A_7 = tpu.memref_slice %arg2[%add3A_6] : memref<102400000xf32, #tpu.memory_space<hbm>> -> memref<10000xf32, #tpu.memory_space<hbm>>
    tpu.enqueue_dma source(%dma_start3A_7 : memref<10000xf32, #tpu.memory_space<hbm>>) target(%arg7 : memref<10000xf32, #tpu.memory_space<vmem>>) target_semaphore(%arg17 : memref<!tpu.dma_semaphore, #tpu.memory_space<semaphore_mem>>)
    %mul3A_8 = arith.constant 100000 : i32
    %mul3A_9 = arith.muli %mul3A_2, %mul3A_8 : i32
    %add3A_10 = arith.constant 10000 : i32
    %add3A_11 = arith.addi %mul3A_9, %add3A_10 : i32
    %dma_start3A_12 = tpu.memref_slice %arg2[%add3A_11] : memref<102400000xf32, #tpu.memory_space<hbm>> -> memref<10000xf32, #tpu.memory_space<hbm>>
    %dma_start3A_13 = tpu.memref_slice %arg2[%add3A_11] : memref<102400000xf32, #tpu.memory_space<hbm>> -> memref<10000xf32, #tpu.memory_space<hbm>>
    tpu.enqueue_dma source(%dma_start3A_13 : memref<10000xf32, #tpu.memory_space<hbm>>) target(%arg8 : memref<10000xf32, #tpu.memory_space<vmem>>) target_semaphore(%arg18 : memref<!tpu.dma_semaphore, #tpu.memory_space<semaphore_mem>>)
    %mul3A_14 = arith.constant 100000 : i32
    %mul3A_15 = arith.muli %mul3A_2, %mul3A_14 : i32
    %add3A_16 = arith.constant 20000 : i32
    %add3A_17 = arith.addi %mul3A_15, %add3A_16 : i32
    %dma_start3A_18 = tpu.memref_slice %arg2[%add3A_17] : memref<102400000xf32, #tpu.memory_space<hbm>> -> memref<10000xf32, #tpu.memory_space<hbm>>
    %dma_start3A_19 = tpu.memref_slice %arg2[%add3A_17] : memref<102400000xf32, #tpu.memory_space<hbm>> -> memref<10000xf32, #tpu.memory_space<hbm>>
    tpu.enqueue_dma source(%dma_start3A_19 : memref<10000xf32, #tpu.memory_space<hbm>>) target(%arg9 : memref<10000xf32, #tpu.memory_space<vmem>>) target_semaphore(%arg19 : memref<!tpu.dma_semaphore, #tpu.memory_space<semaphore_mem>>)
    %mul3A_20 = arith.constant 100000 : i32
    %mul3A_21 = arith.muli %mul3A_2, %mul3A_20 : i32
    %add3A_22 = arith.constant 30000 : i32
    %add3A_23 = arith.addi %mul3A_21, %add3A_22 : i32
    %dma_start3A_24 = tpu.memref_slice %arg2[%add3A_23] : memref<102400000xf32, #tpu.memory_space<hbm>> -> memref<10000xf32, #tpu.memory_space<hbm>>
    %dma_start3A_25 = tpu.memref_slice %arg2[%add3A_23] : memref<102400000xf32, #tpu.memory_space<hbm>> -> memref<10000xf32, #tpu.memory_space<hbm>>
    tpu.enqueue_dma source(%dma_start3A_25 : memref<10000xf32, #tpu.memory_space<hbm>>) target(%arg10 : memref<10000xf32, #tpu.memory_space<vmem>>) target_semaphore(%arg20 : memref<!tpu.dma_semaphore, #tpu.memory_space<semaphore_mem>>)
    %mul3A_26 = arith.constant 100000 : i32
    %mul3A_27 = arith.muli %mul3A_2, %mul3A_26 : i32
    %add3A_28 = arith.constant 40000 : i32
    %add3A_29 = arith.addi %mul3A_27, %add3A_28 : i32
    %dma_start3A_30 = tpu.memref_slice %arg2[%add3A_29] : memref<102400000xf32, #tpu.memory_space<hbm>> -> memref<10000xf32, #tpu.memory_space<hbm>>
    %dma_start3A_31 = tpu.memref_slice %arg2[%add3A_29] : memref<102400000xf32, #tpu.memory_space<hbm>> -> memref<10000xf32, #tpu.memory_space<hbm>>
    tpu.enqueue_dma source(%dma_start3A_31 : memref<10000xf32, #tpu.memory_space<hbm>>) target(%arg11 : memref<10000xf32, #tpu.memory_space<vmem>>) target_semaphore(%arg21 : memref<!tpu.dma_semaphore, #tpu.memory_space<semaphore_mem>>)
    %mul3A_32 = arith.constant 100000 : i32
    %mul3A_33 = arith.muli %mul3A_2, %mul3A_32 : i32
    %add3A_34 = arith.constant 50000 : i32
    %add3A_35 = arith.addi %mul3A_33, %add3A_34 : i32
    %dma_start3A_36 = tpu.memref_slice %arg2[%add3A_35] : memref<102400000xf32, #tpu.memory_space<hbm>> -> memref<10000xf32, #tpu.memory_space<hbm>>
    %dma_start3A_37 = tpu.memref_slice %arg2[%add3A_35] : memref<102400000xf32, #tpu.memory_space<hbm>> -> memref<10000xf32, #tpu.memory_space<hbm>>
    tpu.enqueue_dma source(%dma_start3A_37 : memref<10000xf32, #tpu.memory_space<hbm>>) target(%arg12 : memref<10000xf32, #tpu.memory_space<vmem>>) target_semaphore(%arg22 : memref<!tpu.dma_semaphore, #tpu.memory_space<semaphore_mem>>)
    %mul3A_38 = arith.constant 100000 : i32
    %mul3A_39 = arith.muli %mul3A_2, %mul3A_38 : i32
    %add3A_40 = arith.constant 60000 : i32
    %add3A_41 = arith.addi %mul3A_39, %add3A_40 : i32
    %dma_start3A_42 = tpu.memref_slice %arg2[%add3A_41] : memref<102400000xf32, #tpu.memory_space<hbm>> -> memref<10000xf32, #tpu.memory_space<hbm>>
    %dma_start3A_43 = tpu.memref_slice %arg2[%add3A_41] : memref<102400000xf32, #tpu.memory_space<hbm>> -> memref<10000xf32, #tpu.memory_space<hbm>>
    tpu.enqueue_dma source(%dma_start3A_43 : memref<10000xf32, #tpu.memory_space<hbm>>) target(%arg13 : memref<10000xf32, #tpu.memory_space<vmem>>) target_semaphore(%arg23 : memref<!tpu.dma_semaphore, #tpu.memory_space<semaphore_mem>>)
    %mul3A_44 = arith.constant 100000 : i32
    %mul3A_45 = arith.muli %mul3A_2, %mul3A_44 : i32
    %add3A_46 = arith.constant 70000 : i32
    %add3A_47 = arith.addi %mul3A_45, %add3A_46 : i32
    %dma_start3A_48 = tpu.memref_slice %arg2[%add3A_47] : memref<102400000xf32, #tpu.memory_space<hbm>> -> memref<10000xf32, #tpu.memory_space<hbm>>
    %dma_start3A_49 = tpu.memref_slice %arg2[%add3A_47] : memref<102400000xf32, #tpu.memory_space<hbm>> -> memref<10000xf32, #tpu.memory_space<hbm>>
    tpu.enqueue_dma source(%dma_start3A_49 : memref<10000xf32, #tpu.memory_space<hbm>>) target(%arg14 : memref<10000xf32, #tpu.memory_space<vmem>>) target_semaphore(%arg24 : memref<!tpu.dma_semaphore, #tpu.memory_space<semaphore_mem>>)
    %mul3A_50 = arith.constant 100000 : i32
    %mul3A_51 = arith.muli %mul3A_2, %mul3A_50 : i32
    %add3A_52 = arith.constant 80000 : i32
    %add3A_53 = arith.addi %mul3A_51, %add3A_52 : i32
    %dma_start3A_54 = tpu.memref_slice %arg2[%add3A_53] : memref<102400000xf32, #tpu.memory_space<hbm>> -> memref<10000xf32, #tpu.memory_space<hbm>>
    %dma_start3A_55 = tpu.memref_slice %arg2[%add3A_53] : memref<102400000xf32, #tpu.memory_space<hbm>> -> memref<10000xf32, #tpu.memory_space<hbm>>
    tpu.enqueue_dma source(%dma_start3A_55 : memref<10000xf32, #tpu.memory_space<hbm>>) target(%arg15 : memref<10000xf32, #tpu.memory_space<vmem>>) target_semaphore(%arg25 : memref<!tpu.dma_semaphore, #tpu.memory_space<semaphore_mem>>)
    %mul3A_56 = arith.constant 100000 : i32
    %mul3A_57 = arith.muli %mul3A_2, %mul3A_56 : i32
    %add3A_58 = arith.constant 90000 : i32
    %add3A_59 = arith.addi %mul3A_57, %add3A_58 : i32
    %dma_start3A_60 = tpu.memref_slice %arg2[%add3A_59] : memref<102400000xf32, #tpu.memory_space<hbm>> -> memref<10000xf32, #tpu.memory_space<hbm>>
    %dma_start3A_61 = tpu.memref_slice %arg2[%add3A_59] : memref<102400000xf32, #tpu.memory_space<hbm>> -> memref<10000xf32, #tpu.memory_space<hbm>>
    tpu.enqueue_dma source(%dma_start3A_61 : memref<10000xf32, #tpu.memory_space<hbm>>) target(%arg16 : memref<10000xf32, #tpu.memory_space<vmem>>) target_semaphore(%arg26 : memref<!tpu.dma_semaphore, #tpu.memory_space<semaphore_mem>>)
    %iota3A = tpu.iota {dimensions = array<i32: 0>} : vector<16xi32>
    %eq3A = arith.constant 0 : i32
    %eq3A_62 = vector.broadcast %eq3A : i32 to vector<16xi32>
    %eq3A_63 = arith.cmpi eq, %iota3A, %eq3A_62 : vector<16xi32>
    %broadcast_in_dim3A = arith.constant 0.000000e+00 : f32
    %broadcast_in_dim3A_64 = vector.broadcast %broadcast_in_dim3A : f32 to vector<16xf32>
    %scan3A = arith.constant 0 : i32
    %scan3A_65 = arith.constant 32 : i32
    %scan3A_66 = arith.addi %scan3A, %scan3A_65 : i32
    %scan3A_67 = arith.constant 1 : i32
    %scan3A_68:2 = scf.for %scan3A_78 = %scan3A to %scan3A_66 step %scan3A_67 iter_args(%scan3A_79 = %broadcast_in_dim3A_64, %scan3A_80 = %broadcast_in_dim3A_64) -> (vector<16xf32>, vector<16xf32>)  : i32 {
      %add3A_81 = arith.addi %mul3A_2, %scan3A_78 : i32
      %broadcast_in_dim3A_82 = vector.broadcast %scan3A_78 : i32 to vector<16xi32>
      %gather3A = tpu.vector_load_idx %arg5[%broadcast_in_dim3A_82] : memref<32xi32, #tpu.memory_space<vmem>>[vector<16xi32>], vector<16xi32>,
      %ne3A = arith.constant 0 : i32
      %ne3A_83 = vector.broadcast %ne3A : i32 to vector<16xi32>
      %ne3A_84 = arith.cmpi ne, %gather3A, %ne3A_83 : vector<16xi32>
      %dma_wait3A = arith.constant 0 : i32
      %dma_wait3A_85 = tpu.memref_slice %arg2[%dma_wait3A] : memref<102400000xf32, #tpu.memory_space<hbm>> -> memref<10000xf32, #tpu.memory_space<hbm>>
      %dma_wait3A_86 = arith.constant 0 : i32
      %dma_wait3A_87 = tpu.memref_slice %arg2[%dma_wait3A_86] : memref<102400000xf32, #tpu.memory_space<hbm>> -> memref<10000xf32, #tpu.memory_space<hbm>>
      tpu.wait_dma2 semaphore(%arg17 : memref<!tpu.dma_semaphore, #tpu.memory_space<semaphore_mem>>) src(%dma_wait3A_87 : memref<10000xf32, #tpu.memory_space<hbm>>) dst(%arg7 : memref<10000xf32, #tpu.memory_space<vmem>>)
      %broadcast_in_dim3A_88 = arith.constant 0.000000e+00 : f32
      %broadcast_in_dim3A_89 = vector.broadcast %broadcast_in_dim3A_88 : f32 to vector<16xf32>
      %scan3A_90 = arith.constant 0 : i32
      %scan3A_91 = arith.constant 25 : i32
      %scan3A_92 = arith.addi %scan3A_90, %scan3A_91 : i32
      %scan3A_93 = arith.constant 1 : i32
      %scan3A_94:5 = scf.for %scan3A_489 = %scan3A_90 to %scan3A_92 step %scan3A_93 iter_args(%scan3A_490 = %broadcast_in_dim3A_89, %scan3A_491 = %broadcast_in_dim3A_89, %scan3A_492 = %broadcast_in_dim3A_89, %scan3A_493 = %broadcast_in_dim3A_89, %scan3A_494 = %broadcast_in_dim3A_89) -> (vector<16xf32>, vector<16xf32>, vector<16xf32>, vector<16xf32>, vector<16xf32>)  : i32 {
        %mul3A_495 = arith.constant 400 : i32
        %mul3A_496 = arith.muli %scan3A_489, %mul3A_495 : i32
        %add3A_497 = arith.constant 0 : i32
        %add3A_498 = arith.addi %mul3A_496, %add3A_497 : i32
        %get3A = arith.index_cast %add3A_498 : i32 to index
        %get3A_499 = tpu.vector_load %arg7[%get3A] {strides = array<i32>} : memref<10000xf32, #tpu.memory_space<vmem>>, vector<16xf32>,
        %add3A_500 = arith.addf %scan3A_490, %get3A_499 : vector<16xf32>
        %add3A_501 = arith.constant 16 : i32
        %add3A_502 = arith.addi %mul3A_496, %add3A_501 : i32
        %get3A_503 = arith.index_cast %add3A_502 : i32 to index
        %get3A_504 = tpu.vector_load %arg7[%get3A_503] {strides = array<i32>} : memref<10000xf32, #tpu.memory_space<vmem>>, vector<16xf32>,
        %add3A_505 = arith.addf %scan3A_491, %get3A_504 : vector<16xf32>
        %add3A_506 = arith.constant 32 : i32
        %add3A_507 = arith.addi %mul3A_496, %add3A_506 : i32
        %get3A_508 = arith.index_cast %add3A_507 : i32 to index
        %get3A_509 = tpu.vector_load %arg7[%get3A_508] {strides = array<i32>} : memref<10000xf32, #tpu.memory_space<vmem>>, vector<16xf32>,
        %add3A_510 = arith.addf %scan3A_492, %get3A_509 : vector<16xf32>
        %add3A_511 = arith.constant 48 : i32
        %add3A_512 = arith.addi %mul3A_496, %add3A_511 : i32
        %get3A_513 = arith.index_cast %add3A_512 : i32 to index
        %get3A_514 = tpu.vector_load %arg7[%get3A_513] {strides = array<i32>} : memref<10000xf32, #tpu.memory_space<vmem>>, vector<16xf32>,
        %add3A_515 = arith.addf %scan3A_493, %get3A_514 : vector<16xf32>
        %add3A_516 = arith.constant 64 : i32
        %add3A_517 = arith.addi %mul3A_496, %add3A_516 : i32
        %get3A_518 = arith.index_cast %add3A_517 : i32 to index
        %get3A_519 = tpu.vector_load %arg7[%get3A_518] {strides = array<i32>} : memref<10000xf32, #tpu.memory_space<vmem>>, vector<16xf32>,
        %add3A_520 = arith.addf %scan3A_494, %get3A_519 : vector<16xf32>
        %add3A_521 = arith.constant 80 : i32
        %add3A_522 = arith.addi %mul3A_496, %add3A_521 : i32
        %get3A_523 = arith.index_cast %add3A_522 : i32 to index
        %get3A_524 = tpu.vector_load %arg7[%get3A_523] {strides = array<i32>} : memref<10000xf32, #tpu.memory_space<vmem>>, vector<16xf32>,
        %add3A_525 = arith.addf %add3A_500, %get3A_524 : vector<16xf32>
        %add3A_526 = arith.constant 96 : i32
        %add3A_527 = arith.addi %mul3A_496, %add3A_526 : i32
        %get3A_528 = arith.index_cast %add3A_527 : i32 to index
        %get3A_529 = tpu.vector_load %arg7[%get3A_528] {strides = array<i32>} : memref<10000xf32, #tpu.memory_space<vmem>>, vector<16xf32>,
        %add3A_530 = arith.addf %add3A_505, %get3A_529 : vector<16xf32>
        %add3A_531 = arith.constant 112 : i32
        %add3A_532 = arith.addi %mul3A_496, %add3A_531 : i32
        %get3A_533 = arith.index_cast %add3A_532 : i32 to index
        %get3A_534 = tpu.vector_load %arg7[%get3A_533] {strides = array<i32>} : memref<10000xf32, #tpu.memory_space<vmem>>, vector<16xf32>,
        %add3A_535 = arith.addf %add3A_510, %get3A_534 : vector<16xf32>
        %add3A_536 = arith.constant 128 : i32
        %add3A_537 = arith.addi %mul3A_496, %add3A_536 : i32
        %get3A_538 = arith.index_cast %add3A_537 : i32 to index
        %get3A_539 = tpu.vector_load %arg7[%get3A_538] {strides = array<i32>} : memref<10000xf32, #tpu.memory_space<vmem>>, vector<16xf32>,
        %add3A_540 = arith.addf %add3A_515, %get3A_539 : vector<16xf32>
        %add3A_541 = arith.constant 144 : i32
        %add3A_542 = arith.addi %mul3A_496, %add3A_541 : i32
        %get3A_543 = arith.index_cast %add3A_542 : i32 to index
        %get3A_544 = tpu.vector_load %arg7[%get3A_543] {strides = array<i32>} : memref<10000xf32, #tpu.memory_space<vmem>>, vector<16xf32>,
        %add3A_545 = arith.addf %add3A_520, %get3A_544 : vector<16xf32>
        %add3A_546 = arith.constant 160 : i32
        %add3A_547 = arith.addi %mul3A_496, %add3A_546 : i32
        %get3A_548 = arith.index_cast %add3A_547 : i32 to index
        %get3A_549 = tpu.vector_load %arg7[%get3A_548] {strides = array<i32>} : memref<10000xf32, #tpu.memory_space<vmem>>, vector<16xf32>,
        %add3A_550 = arith.addf %add3A_525, %get3A_549 : vector<16xf32>
        %add3A_551 = arith.constant 176 : i32
        %add3A_552 = arith.addi %mul3A_496, %add3A_551 : i32
        %get3A_553 = arith.index_cast %add3A_552 : i32 to index
        %get3A_554 = tpu.vector_load %arg7[%get3A_553] {strides = array<i32>} : memref<10000xf32, #tpu.memory_space<vmem>>, vector<16xf32>,
        %add3A_555 = arith.addf %add3A_530, %get3A_554 : vector<16xf32>
        %add3A_556 = arith.constant 192 : i32
        %add3A_557 = arith.addi %mul3A_496, %add3A_556 : i32
        %get3A_558 = arith.index_cast %add3A_557 : i32 to index
        %get3A_559 = tpu.vector_load %arg7[%get3A_558] {strides = array<i32>} : memref<10000xf32, #tpu.memory_space<vmem>>, vector<16xf32>,
        %add3A_560 = arith.addf %add3A_535, %get3A_559 : vector<16xf32>
        %add3A_561 = arith.constant 208 : i32
        %add3A_562 = arith.addi %mul3A_496, %add3A_561 : i32
        %get3A_563 = arith.index_cast %add3A_562 : i32 to index
        %get3A_564 = tpu.vector_load %arg7[%get3A_563] {strides = array<i32>} : memref<10000xf32, #tpu.memory_space<vmem>>, vector<16xf32>,
        %add3A_565 = arith.addf %add3A_540, %get3A_564 : vector<16xf32>
        %add3A_566 = arith.constant 224 : i32
        %add3A_567 = arith.addi %mul3A_496, %add3A_566 : i32
        %get3A_568 = arith.index_cast %add3A_567 : i32 to index
        %get3A_569 = tpu.vector_load %arg7[%get3A_568] {strides = array<i32>} : memref<10000xf32, #tpu.memory_space<vmem>>, vector<16xf32>,
        %add3A_570 = arith.addf %add3A_545, %get3A_569 : vector<16xf32>
        %add3A_571 = arith.constant 240 : i32
        %add3A_572 = arith.addi %mul3A_496, %add3A_571 : i32
        %get3A_573 = arith.index_cast %add3A_572 : i32 to index
        %get3A_574 = tpu.vector_load %arg7[%get3A_573] {strides = array<i32>} : memref<10000xf32, #tpu.memory_space<vmem>>, vector<16xf32>,
        %add3A_575 = arith.addf %add3A_550, %get3A_574 : vector<16xf32>
        %add3A_576 = arith.constant 256 : i32
        %add3A_577 = arith.addi %mul3A_496, %add3A_576 : i32
        %get3A_578 = arith.index_cast %add3A_577 : i32 to index
        %get3A_579 = tpu.vector_load %arg7[%get3A_578] {strides = array<i32>} : memref<10000xf32, #tpu.memory_space<vmem>>, vector<16xf32>,
        %add3A_580 = arith.addf %add3A_555, %get3A_579 : vector<16xf32>
        %add3A_581 = arith.constant 272 : i32
        %add3A_582 = arith.addi %mul3A_496, %add3A_581 : i32
        %get3A_583 = arith.index_cast %add3A_582 : i32 to index
        %get3A_584 = tpu.vector_load %arg7[%get3A_583] {strides = array<i32>} : memref<10000xf32, #tpu.memory_space<vmem>>, vector<16xf32>,
        %add3A_585 = arith.addf %add3A_560, %get3A_584 : vector<16xf32>
        %add3A_586 = arith.constant 288 : i32
        %add3A_587 = arith.addi %mul3A_496, %add3A_586 : i32
        %get3A_588 = arith.index_cast %add3A_587 : i32 to index
        %get3A_589 = tpu.vector_load %arg7[%get3A_588] {strides = array<i32>} : memref<10000xf32, #tpu.memory_space<vmem>>, vector<16xf32>,
        %add3A_590 = arith.addf %add3A_565, %get3A_589 : vector<16xf32>
        %add3A_591 = arith.constant 304 : i32
        %add3A_592 = arith.addi %mul3A_496, %add3A_591 : i32
        %get3A_593 = arith.index_cast %add3A_592 : i32 to index
        %get3A_594 = tpu.vector_load %arg7[%get3A_593] {strides = array<i32>} : memref<10000xf32, #tpu.memory_space<vmem>>, vector<16xf32>,
        %add3A_595 = arith.addf %add3A_570, %get3A_594 : vector<16xf32>
        %add3A_596 = arith.constant 320 : i32
        %add3A_597 = arith.addi %mul3A_496, %add3A_596 : i32
        %get3A_598 = arith.index_cast %add3A_597 : i32 to index
        %get3A_599 = tpu.vector_load %arg7[%get3A_598] {strides = array<i32>} : memref<10000xf32, #tpu.memory_space<vmem>>, vector<16xf32>,
        %add3A_600 = arith.addf %add3A_575, %get3A_599 : vector<16xf32>
        %add3A_601 = arith.constant 336 : i32
        %add3A_602 = arith.addi %mul3A_496, %add3A_601 : i32
        %get3A_603 = arith.index_cast %add3A_602 : i32 to index
        %get3A_604 = tpu.vector_load %arg7[%get3A_603] {strides = array<i32>} : memref<10000xf32, #tpu.memory_space<vmem>>, vector<16xf32>,
        %add3A_605 = arith.addf %add3A_580, %get3A_604 : vector<16xf32>
        %add3A_606 = arith.constant 352 : i32
        %add3A_607 = arith.addi %mul3A_496, %add3A_606 : i32
        %get3A_608 = arith.index_cast %add3A_607 : i32 to index
        %get3A_609 = tpu.vector_load %arg7[%get3A_608] {strides = array<i32>} : memref<10000xf32, #tpu.memory_space<vmem>>, vector<16xf32>,
        %add3A_610 = arith.addf %add3A_585, %get3A_609 : vector<16xf32>
        %add3A_611 = arith.constant 368 : i32
        %add3A_612 = arith.addi %mul3A_496, %add3A_611 : i32
        %get3A_613 = arith.index_cast %add3A_612 : i32 to index
        %get3A_614 = tpu.vector_load %arg7[%get3A_613] {strides = array<i32>} : memref<10000xf32, #tpu.memory_space<vmem>>, vector<16xf32>,
        %add3A_615 = arith.addf %add3A_590, %get3A_614 : vector<16xf32>
        %add3A_616 = arith.constant 384 : i32
        %add3A_617 = arith.addi %mul3A_496, %add3A_616 : i32
        %get3A_618 = arith.index_cast %add3A_617 : i32 to index
        %get3A_619 = tpu.vector_load %arg7[%get3A_618] {strides = array<i32>} : memref<10000xf32, #tpu.memory_space<vmem>>, vector<16xf32>,
        %add3A_620 = arith.addf %add3A_595, %get3A_619 : vector<16xf32>
        scf.yield %add3A_600, %add3A_605, %add3A_610, %add3A_615, %add3A_620 : vector<16xf32>, vector<16xf32>, vector<16xf32>, vector<16xf32>, vector<16xf32>
      }
      %scan3A_95 = arith.constant 25 : i32
      %add3A_96 = arith.addf %scan3A_94#0, %scan3A_94#1 : vector<16xf32>
      %add3A_97 = arith.addf %scan3A_94#2, %scan3A_94#3 : vector<16xf32>
      %add3A_98 = arith.addf %add3A_96, %add3A_97 : vector<16xf32>
      %add3A_99 = arith.addf %add3A_98, %scan3A_94#4 : vector<16xf32>
      %add3A_100 = arith.addf %broadcast_in_dim3A_64, %add3A_99 : vector<16xf32>
      %sub3A = arith.constant 0 : i32
      %sub3A_101 = vector.broadcast %sub3A : i32 to vector<16xi32>
      %sub3A_102 = arith.subi %gather3A, %sub3A_101 : vector<16xi32>
      %jit3A = arith.constant 0 : i32
      %jit3A_103 = arith.constant 9999 : i32
      %max3A = vector.broadcast %jit3A : i32 to vector<16xi32>
      %max3A_104 = arith.maxsi %max3A, %sub3A_102 : vector<16xi32>
      %min3A = vector.broadcast %jit3A_103 : i32 to vector<16xi32>
      %min3A_105 = arith.minsi %min3A, %max3A_104 : vector<16xi32>
      %gather3A_106 = tpu.vector_load_idx %arg7[%min3A_105] : memref<10000xf32, #tpu.memory_space<vmem>>[vector<16xi32>], vector<16xf32>,
      %ge3A = arith.constant 0 : i32
      %ge3A_107 = vector.broadcast %ge3A : i32 to vector<16xi32>
      %ge3A_108 = arith.cmpi sge, %gather3A, %ge3A_107 : vector<16xi32>
      %lt3A = arith.constant 10000 : i32
      %lt3A_109 = vector.broadcast %lt3A : i32 to vector<16xi32>
      %lt3A_110 = arith.cmpi slt, %gather3A, %lt3A_109 : vector<16xi32>
      %and3A = arith.andi %ge3A_108, %lt3A_110 : vector<16xi1>
      %select_n3A = arith.select %and3A, %gather3A_106, %broadcast_in_dim3A_64 : vector<16xi1>, vector<16xf32>
      %broadcast_in_dim3A_111 = arith.constant 0 : i32
      %broadcast_in_dim3A_112 = vector.broadcast %broadcast_in_dim3A_111 : i32 to vector<16xi32>
      %gather3A_113 = tpu.vector_load_idx %arg7[%broadcast_in_dim3A_112] : memref<10000xf32, #tpu.memory_space<vmem>>[vector<16xi32>], vector<16xf32>,
      %lt3A_114 = arith.constant 31 : i32
      %lt3A_115 = arith.cmpi slt, %scan3A_78, %lt3A_114 : i32
      %convert_element_type3A = arith.extui %lt3A_115 : i1 to i32
      %cond3A = arith.constant 0 : i32
      %cond3A_116 = arith.cmpi ne, %convert_element_type3A, %cond3A : i32
      scf.if %cond3A_116 {
        %add3A_489 = arith.constant 1 : i32
        %add3A_490 = arith.addi %add3A_81, %add3A_489 : i32
        %mul3A_491 = arith.constant 100000 : i32
        %mul3A_492 = arith.muli %add3A_490, %mul3A_491 : i32
        %add3A_493 = arith.constant 0 : i32
        %add3A_494 = arith.addi %mul3A_492, %add3A_493 : i32
        %dma_start3A_495 = tpu.memref_slice %arg2[%add3A_494] : memref<102400000xf32, #tpu.memory_space<hbm>> -> memref<10000xf32, #tpu.memory_space<hbm>>
        %dma_start3A_496 = tpu.memref_slice %arg2[%add3A_494] : memref<102400000xf32, #tpu.memory_space<hbm>> -> memref<10000xf32, #tpu.memory_space<hbm>>
        tpu.enqueue_dma source(%dma_start3A_496 : memref<10000xf32, #tpu.memory_space<hbm>>) target(%arg7 : memref<10000xf32, #tpu.memory_space<vmem>>) target_semaphore(%arg17 : memref<!tpu.dma_semaphore, #tpu.memory_space<semaphore_mem>>)
      } else {
      }
      %dma_wait3A_117 = arith.constant 0 : i32
      %dma_wait3A_118 = tpu.memref_slice %arg2[%dma_wait3A_117] : memref<102400000xf32, #tpu.memory_space<hbm>> -> memref<10000xf32, #tpu.memory_space<hbm>>
      %dma_wait3A_119 = arith.constant 0 : i32
      %dma_wait3A_120 = tpu.memref_slice %arg2[%dma_wait3A_119] : memref<102400000xf32, #tpu.memory_space<hbm>> -> memref<10000xf32, #tpu.memory_space<hbm>>
      tpu.wait_dma2 semaphore(%arg18 : memref<!tpu.dma_semaphore, #tpu.memory_space<semaphore_mem>>) src(%dma_wait3A_120 : memref<10000xf32, #tpu.memory_space<hbm>>) dst(%arg8 : memref<10000xf32, #tpu.memory_space<vmem>>)
      %broadcast_in_dim3A_121 = arith.constant 0.000000e+00 : f32
      %broadcast_in_dim3A_122 = vector.broadcast %broadcast_in_dim3A_121 : f32 to vector<16xf32>
      %scan3A_123 = arith.constant 0 : i32
      %scan3A_124 = arith.constant 25 : i32
      %scan3A_125 = arith.addi %scan3A_123, %scan3A_124 : i32
      %scan3A_126 = arith.constant 1 : i32
      %scan3A_127:5 = scf.for %scan3A_489 = %scan3A_123 to %scan3A_125 step %scan3A_126 iter_args(%scan3A_490 = %broadcast_in_dim3A_122, %scan3A_491 = %broadcast_in_dim3A_122, %scan3A_492 = %broadcast_in_dim3A_122, %scan3A_493 = %broadcast_in_dim3A_122, %scan3A_494 = %broadcast_in_dim3A_122) -> (vector<16xf32>, vector<16xf32>, vector<16xf32>, vector<16xf32>, vector<16xf32>)  : i32 {
        %mul3A_495 = arith.constant 400 : i32
        %mul3A_496 = arith.muli %scan3A_489, %mul3A_495 : i32
        %add3A_497 = arith.constant 0 : i32
        %add3A_498 = arith.addi %mul3A_496, %add3A_497 : i32
        %get3A = arith.index_cast %add3A_498 : i32 to index
        %get3A_499 = tpu.vector_load %arg8[%get3A] {strides = array<i32>} : memref<10000xf32, #tpu.memory_space<vmem>>, vector<16xf32>,
        %add3A_500 = arith.addf %scan3A_490, %get3A_499 : vector<16xf32>
        %add3A_501 = arith.constant 16 : i32
        %add3A_502 = arith.addi %mul3A_496, %add3A_501 : i32
        %get3A_503 = arith.index_cast %add3A_502 : i32 to index
        %get3A_504 = tpu.vector_load %arg8[%get3A_503] {strides = array<i32>} : memref<10000xf32, #tpu.memory_space<vmem>>, vector<16xf32>,
        %add3A_505 = arith.addf %scan3A_491, %get3A_504 : vector<16xf32>
        %add3A_506 = arith.constant 32 : i32
        %add3A_507 = arith.addi %mul3A_496, %add3A_506 : i32
        %get3A_508 = arith.index_cast %add3A_507 : i32 to index
        %get3A_509 = tpu.vector_load %arg8[%get3A_508] {strides = array<i32>} : memref<10000xf32, #tpu.memory_space<vmem>>, vector<16xf32>,
        %add3A_510 = arith.addf %scan3A_492, %get3A_509 : vector<16xf32>
        %add3A_511 = arith.constant 48 : i32
        %add3A_512 = arith.addi %mul3A_496, %add3A_511 : i32
        %get3A_513 = arith.index_cast %add3A_512 : i32 to index
        %get3A_514 = tpu.vector_load %arg8[%get3A_513] {strides = array<i32>} : memref<10000xf32, #tpu.memory_space<vmem>>, vector<16xf32>,
        %add3A_515 = arith.addf %scan3A_493, %get3A_514 : vector<16xf32>
        %add3A_516 = arith.constant 64 : i32
        %add3A_517 = arith.addi %mul3A_496, %add3A_516 : i32
        %get3A_518 = arith.index_cast %add3A_517 : i32 to index
        %get3A_519 = tpu.vector_load %arg8[%get3A_518] {strides = array<i32>} : memref<10000xf32, #tpu.memory_space<vmem>>, vector<16xf32>,
        %add3A_520 = arith.addf %scan3A_494, %get3A_519 : vector<16xf32>
        %add3A_521 = arith.constant 80 : i32
        %add3A_522 = arith.addi %mul3A_496, %add3A_521 : i32
        %get3A_523 = arith.index_cast %add3A_522 : i32 to index
        %get3A_524 = tpu.vector_load %arg8[%get3A_523] {strides = array<i32>} : memref<10000xf32, #tpu.memory_space<vmem>>, vector<16xf32>,
        %add3A_525 = arith.addf %add3A_500, %get3A_524 : vector<16xf32>
        %add3A_526 = arith.constant 96 : i32
        %add3A_527 = arith.addi %mul3A_496, %add3A_526 : i32
        %get3A_528 = arith.index_cast %add3A_527 : i32 to index
        %get3A_529 = tpu.vector_load %arg8[%get3A_528] {strides = array<i32>} : memref<10000xf32, #tpu.memory_space<vmem>>, vector<16xf32>,
        %add3A_530 = arith.addf %add3A_505, %get3A_529 : vector<16xf32>
        %add3A_531 = arith.constant 112 : i32
        %add3A_532 = arith.addi %mul3A_496, %add3A_531 : i32
        %get3A_533 = arith.index_cast %add3A_532 : i32 to index
        %get3A_534 = tpu.vector_load %arg8[%get3A_533] {strides = array<i32>} : memref<10000xf32, #tpu.memory_space<vmem>>, vector<16xf32>,
        %add3A_535 = arith.addf %add3A_510, %get3A_534 : vector<16xf32>
        %add3A_536 = arith.constant 128 : i32
        %add3A_537 = arith.addi %mul3A_496, %add3A_536 : i32
        %get3A_538 = arith.index_cast %add3A_537 : i32 to index
        %get3A_539 = tpu.vector_load %arg8[%get3A_538] {strides = array<i32>} : memref<10000xf32, #tpu.memory_space<vmem>>, vector<16xf32>,
        %add3A_540 = arith.addf %add3A_515, %get3A_539 : vector<16xf32>
        %add3A_541 = arith.constant 144 : i32
        %add3A_542 = arith.addi %mul3A_496, %add3A_541 : i32
        %get3A_543 = arith.index_cast %add3A_542 : i32 to index
        %get3A_544 = tpu.vector_load %arg8[%get3A_543] {strides = array<i32>} : memref<10000xf32, #tpu.memory_space<vmem>>, vector<16xf32>,
        %add3A_545 = arith.addf %add3A_520, %get3A_544 : vector<16xf32>
        %add3A_546 = arith.constant 160 : i32
        %add3A_547 = arith.addi %mul3A_496, %add3A_546 : i32
        %get3A_548 = arith.index_cast %add3A_547 : i32 to index
        %get3A_549 = tpu.vector_load %arg8[%get3A_548] {strides = array<i32>} : memref<10000xf32, #tpu.memory_space<vmem>>, vector<16xf32>,
        %add3A_550 = arith.addf %add3A_525, %get3A_549 : vector<16xf32>
        %add3A_551 = arith.constant 176 : i32
        %add3A_552 = arith.addi %mul3A_496, %add3A_551 : i32
        %get3A_553 = arith.index_cast %add3A_552 : i32 to index
        %get3A_554 = tpu.vector_load %arg8[%get3A_553] {strides = array<i32>} : memref<10000xf32, #tpu.memory_space<vmem>>, vector<16xf32>,
        %add3A_555 = arith.addf %add3A_530, %get3A_554 : vector<16xf32>
        %add3A_556 = arith.constant 192 : i32
        %add3A_557 = arith.addi %mul3A_496, %add3A_556 : i32
        %get3A_558 = arith.index_cast %add3A_557 : i32 to index
        %get3A_559 = tpu.vector_load %arg8[%get3A_558] {strides = array<i32>} : memref<10000xf32, #tpu.memory_space<vmem>>, vector<16xf32>,
        %add3A_560 = arith.addf %add3A_535, %get3A_559 : vector<16xf32>
        %add3A_561 = arith.constant 208 : i32
        %add3A_562 = arith.addi %mul3A_496, %add3A_561 : i32
        %get3A_563 = arith.index_cast %add3A_562 : i32 to index
        %get3A_564 = tpu.vector_load %arg8[%get3A_563] {strides = array<i32>} : memref<10000xf32, #tpu.memory_space<vmem>>, vector<16xf32>,
        %add3A_565 = arith.addf %add3A_540, %get3A_564 : vector<16xf32>
        %add3A_566 = arith.constant 224 : i32
        %add3A_567 = arith.addi %mul3A_496, %add3A_566 : i32
        %get3A_568 = arith.index_cast %add3A_567 : i32 to index
        %get3A_569 = tpu.vector_load %arg8[%get3A_568] {strides = array<i32>} : memref<10000xf32, #tpu.memory_space<vmem>>, vector<16xf32>,
        %add3A_570 = arith.addf %add3A_545, %get3A_569 : vector<16xf32>
        %add3A_571 = arith.constant 240 : i32
        %add3A_572 = arith.addi %mul3A_496, %add3A_571 : i32
        %get3A_573 = arith.index_cast %add3A_572 : i32 to index
        %get3A_574 = tpu.vector_load %arg8[%get3A_573] {strides = array<i32>} : memref<10000xf32, #tpu.memory_space<vmem>>, vector<16xf32>,
        %add3A_575 = arith.addf %add3A_550, %get3A_574 : vector<16xf32>
        %add3A_576 = arith.constant 256 : i32
        %add3A_577 = arith.addi %mul3A_496, %add3A_576 : i32
        %get3A_578 = arith.index_cast %add3A_577 : i32 to index
        %get3A_579 = tpu.vector_load %arg8[%get3A_578] {strides = array<i32>} : memref<10000xf32, #tpu.memory_space<vmem>>, vector<16xf32>,
        %add3A_580 = arith.addf %add3A_555, %get3A_579 : vector<16xf32>
        %add3A_581 = arith.constant 272 : i32
        %add3A_582 = arith.addi %mul3A_496, %add3A_581 : i32
        %get3A_583 = arith.index_cast %add3A_582 : i32 to index
        %get3A_584 = tpu.vector_load %arg8[%get3A_583] {strides = array<i32>} : memref<10000xf32, #tpu.memory_space<vmem>>, vector<16xf32>,
        %add3A_585 = arith.addf %add3A_560, %get3A_584 : vector<16xf32>
        %add3A_586 = arith.constant 288 : i32
        %add3A_587 = arith.addi %mul3A_496, %add3A_586 : i32
        %get3A_588 = arith.index_cast %add3A_587 : i32 to index
        %get3A_589 = tpu.vector_load %arg8[%get3A_588] {strides = array<i32>} : memref<10000xf32, #tpu.memory_space<vmem>>, vector<16xf32>,
        %add3A_590 = arith.addf %add3A_565, %get3A_589 : vector<16xf32>
        %add3A_591 = arith.constant 304 : i32
        %add3A_592 = arith.addi %mul3A_496, %add3A_591 : i32
        %get3A_593 = arith.index_cast %add3A_592 : i32 to index
        %get3A_594 = tpu.vector_load %arg8[%get3A_593] {strides = array<i32>} : memref<10000xf32, #tpu.memory_space<vmem>>, vector<16xf32>,
        %add3A_595 = arith.addf %add3A_570, %get3A_594 : vector<16xf32>
        %add3A_596 = arith.constant 320 : i32
        %add3A_597 = arith.addi %mul3A_496, %add3A_596 : i32
        %get3A_598 = arith.index_cast %add3A_597 : i32 to index
        %get3A_599 = tpu.vector_load %arg8[%get3A_598] {strides = array<i32>} : memref<10000xf32, #tpu.memory_space<vmem>>, vector<16xf32>,
        %add3A_600 = arith.addf %add3A_575, %get3A_599 : vector<16xf32>
        %add3A_601 = arith.constant 336 : i32
        %add3A_602 = arith.addi %mul3A_496, %add3A_601 : i32
        %get3A_603 = arith.index_cast %add3A_602 : i32 to index
        %get3A_604 = tpu.vector_load %arg8[%get3A_603] {strides = array<i32>} : memref<10000xf32, #tpu.memory_space<vmem>>, vector<16xf32>,
        %add3A_605 = arith.addf %add3A_580, %get3A_604 : vector<16xf32>
        %add3A_606 = arith.constant 352 : i32
        %add3A_607 = arith.addi %mul3A_496, %add3A_606 : i32
        %get3A_608 = arith.index_cast %add3A_607 : i32 to index
        %get3A_609 = tpu.vector_load %arg8[%get3A_608] {strides = array<i32>} : memref<10000xf32, #tpu.memory_space<vmem>>, vector<16xf32>,
        %add3A_610 = arith.addf %add3A_585, %get3A_609 : vector<16xf32>
        %add3A_611 = arith.constant 368 : i32
        %add3A_612 = arith.addi %mul3A_496, %add3A_611 : i32
        %get3A_613 = arith.index_cast %add3A_612 : i32 to index
        %get3A_614 = tpu.vector_load %arg8[%get3A_613] {strides = array<i32>} : memref<10000xf32, #tpu.memory_space<vmem>>, vector<16xf32>,
        %add3A_615 = arith.addf %add3A_590, %get3A_614 : vector<16xf32>
        %add3A_616 = arith.constant 384 : i32
        %add3A_617 = arith.addi %mul3A_496, %add3A_616 : i32
        %get3A_618 = arith.index_cast %add3A_617 : i32 to index
        %get3A_619 = tpu.vector_load %arg8[%get3A_618] {strides = array<i32>} : memref<10000xf32, #tpu.memory_space<vmem>>, vector<16xf32>,
        %add3A_620 = arith.addf %add3A_595, %get3A_619 : vector<16xf32>
        scf.yield %add3A_600, %add3A_605, %add3A_610, %add3A_615, %add3A_620 : vector<16xf32>, vector<16xf32>, vector<16xf32>, vector<16xf32>, vector<16xf32>
      }
      %scan3A_128 = arith.constant 25 : i32
      %add3A_129 = arith.addf %scan3A_127#0, %scan3A_127#1 : vector<16xf32>
      %add3A_130 = arith.addf %scan3A_127#2, %scan3A_127#3 : vector<16xf32>
      %add3A_131 = arith.addf %add3A_129, %add3A_130 : vector<16xf32>
      %add3A_132 = arith.addf %add3A_131, %scan3A_127#4 : vector<16xf32>
      %add3A_133 = arith.addf %add3A_100, %add3A_132 : vector<16xf32>
      %sub3A_134 = arith.constant 10000 : i32
      %sub3A_135 = vector.broadcast %sub3A_134 : i32 to vector<16xi32>
      %sub3A_136 = arith.subi %gather3A, %sub3A_135 : vector<16xi32>
      %jit3A_137 = arith.constant 0 : i32
      %jit3A_138 = arith.constant 9999 : i32
      %max3A_139 = vector.broadcast %jit3A_137 : i32 to vector<16xi32>
      %max3A_140 = arith.maxsi %max3A_139, %sub3A_136 : vector<16xi32>
      %min3A_141 = vector.broadcast %jit3A_138 : i32 to vector<16xi32>
      %min3A_142 = arith.minsi %min3A_141, %max3A_140 : vector<16xi32>
      %gather3A_143 = tpu.vector_load_idx %arg8[%min3A_142] : memref<10000xf32, #tpu.memory_space<vmem>>[vector<16xi32>], vector<16xf32>,
      %ge3A_144 = arith.constant 10000 : i32
      %ge3A_145 = vector.broadcast %ge3A_144 : i32 to vector<16xi32>
      %ge3A_146 = arith.cmpi sge, %gather3A, %ge3A_145 : vector<16xi32>
      %lt3A_147 = arith.constant 20000 : i32
      %lt3A_148 = vector.broadcast %lt3A_147 : i32 to vector<16xi32>
      %lt3A_149 = arith.cmpi slt, %gather3A, %lt3A_148 : vector<16xi32>
      %and3A_150 = arith.andi %ge3A_146, %lt3A_149 : vector<16xi1>
      %select_n3A_151 = arith.select %and3A_150, %gather3A_143, %select_n3A : vector<16xi1>, vector<16xf32>
      %lt3A_152 = arith.constant 31 : i32
      %lt3A_153 = arith.cmpi slt, %scan3A_78, %lt3A_152 : i32
      %convert_element_type3A_154 = arith.extui %lt3A_153 : i1 to i32
      %cond3A_155 = arith.constant 0 : i32
      %cond3A_156 = arith.cmpi ne, %convert_element_type3A_154, %cond3A_155 : i32
      scf.if %cond3A_156 {
        %add3A_489 = arith.constant 1 : i32
        %add3A_490 = arith.addi %add3A_81, %add3A_489 : i32
        %mul3A_491 = arith.constant 100000 : i32
        %mul3A_492 = arith.muli %add3A_490, %mul3A_491 : i32
        %add3A_493 = arith.constant 10000 : i32
        %add3A_494 = arith.addi %mul3A_492, %add3A_493 : i32
        %dma_start3A_495 = tpu.memref_slice %arg2[%add3A_494] : memref<102400000xf32, #tpu.memory_space<hbm>> -> memref<10000xf32, #tpu.memory_space<hbm>>
        %dma_start3A_496 = tpu.memref_slice %arg2[%add3A_494] : memref<102400000xf32, #tpu.memory_space<hbm>> -> memref<10000xf32, #tpu.memory_space<hbm>>
        tpu.enqueue_dma source(%dma_start3A_496 : memref<10000xf32, #tpu.memory_space<hbm>>) target(%arg8 : memref<10000xf32, #tpu.memory_space<vmem>>) target_semaphore(%arg18 : memref<!tpu.dma_semaphore, #tpu.memory_space<semaphore_mem>>)
      } else {
      }
      %dma_wait3A_157 = arith.constant 0 : i32
      %dma_wait3A_158 = tpu.memref_slice %arg2[%dma_wait3A_157] : memref<102400000xf32, #tpu.memory_space<hbm>> -> memref<10000xf32, #tpu.memory_space<hbm>>
      %dma_wait3A_159 = arith.constant 0 : i32
      %dma_wait3A_160 = tpu.memref_slice %arg2[%dma_wait3A_159] : memref<102400000xf32, #tpu.memory_space<hbm>> -> memref<10000xf32, #tpu.memory_space<hbm>>
      tpu.wait_dma2 semaphore(%arg19 : memref<!tpu.dma_semaphore, #tpu.memory_space<semaphore_mem>>) src(%dma_wait3A_160 : memref<10000xf32, #tpu.memory_space<hbm>>) dst(%arg9 : memref<10000xf32, #tpu.memory_space<vmem>>)
      %broadcast_in_dim3A_161 = arith.constant 0.000000e+00 : f32
      %broadcast_in_dim3A_162 = vector.broadcast %broadcast_in_dim3A_161 : f32 to vector<16xf32>
      %scan3A_163 = arith.constant 0 : i32
      %scan3A_164 = arith.constant 25 : i32
      %scan3A_165 = arith.addi %scan3A_163, %scan3A_164 : i32
      %scan3A_166 = arith.constant 1 : i32
      %scan3A_167:5 = scf.for %scan3A_489 = %scan3A_163 to %scan3A_165 step %scan3A_166 iter_args(%scan3A_490 = %broadcast_in_dim3A_162, %scan3A_491 = %broadcast_in_dim3A_162, %scan3A_492 = %broadcast_in_dim3A_162, %scan3A_493 = %broadcast_in_dim3A_162, %scan3A_494 = %broadcast_in_dim3A_162) -> (vector<16xf32>, vector<16xf32>, vector<16xf32>, vector<16xf32>, vector<16xf32>)  : i32 {
        %mul3A_495 = arith.constant 400 : i32
        %mul3A_496 = arith.muli %scan3A_489, %mul3A_495 : i32
        %add3A_497 = arith.constant 0 : i32
        %add3A_498 = arith.addi %mul3A_496, %add3A_497 : i32
        %get3A = arith.index_cast %add3A_498 : i32 to index
        %get3A_499 = tpu.vector_load %arg9[%get3A] {strides = array<i32>} : memref<10000xf32, #tpu.memory_space<vmem>>, vector<16xf32>,
        %add3A_500 = arith.addf %scan3A_490, %get3A_499 : vector<16xf32>
        %add3A_501 = arith.constant 16 : i32
        %add3A_502 = arith.addi %mul3A_496, %add3A_501 : i32
        %get3A_503 = arith.index_cast %add3A_502 : i32 to index
        %get3A_504 = tpu.vector_load %arg9[%get3A_503] {strides = array<i32>} : memref<10000xf32, #tpu.memory_space<vmem>>, vector<16xf32>,
        %add3A_505 = arith.addf %scan3A_491, %get3A_504 : vector<16xf32>
        %add3A_506 = arith.constant 32 : i32
        %add3A_507 = arith.addi %mul3A_496, %add3A_506 : i32
        %get3A_508 = arith.index_cast %add3A_507 : i32 to index
        %get3A_509 = tpu.vector_load %arg9[%get3A_508] {strides = array<i32>} : memref<10000xf32, #tpu.memory_space<vmem>>, vector<16xf32>,
        %add3A_510 = arith.addf %scan3A_492, %get3A_509 : vector<16xf32>
        %add3A_511 = arith.constant 48 : i32
        %add3A_512 = arith.addi %mul3A_496, %add3A_511 : i32
        %get3A_513 = arith.index_cast %add3A_512 : i32 to index
        %get3A_514 = tpu.vector_load %arg9[%get3A_513] {strides = array<i32>} : memref<10000xf32, #tpu.memory_space<vmem>>, vector<16xf32>,
        %add3A_515 = arith.addf %scan3A_493, %get3A_514 : vector<16xf32>
        %add3A_516 = arith.constant 64 : i32
        %add3A_517 = arith.addi %mul3A_496, %add3A_516 : i32
        %get3A_518 = arith.index_cast %add3A_517 : i32 to index
        %get3A_519 = tpu.vector_load %arg9[%get3A_518] {strides = array<i32>} : memref<10000xf32, #tpu.memory_space<vmem>>, vector<16xf32>,
        %add3A_520 = arith.addf %scan3A_494, %get3A_519 : vector<16xf32>
        %add3A_521 = arith.constant 80 : i32
        %add3A_522 = arith.addi %mul3A_496, %add3A_521 : i32
        %get3A_523 = arith.index_cast %add3A_522 : i32 to index
        %get3A_524 = tpu.vector_load %arg9[%get3A_523] {strides = array<i32>} : memref<10000xf32, #tpu.memory_space<vmem>>, vector<16xf32>,
        %add3A_525 = arith.addf %add3A_500, %get3A_524 : vector<16xf32>
        %add3A_526 = arith.constant 96 : i32
        %add3A_527 = arith.addi %mul3A_496, %add3A_526 : i32
        %get3A_528 = arith.index_cast %add3A_527 : i32 to index
        %get3A_529 = tpu.vector_load %arg9[%get3A_528] {strides = array<i32>} : memref<10000xf32, #tpu.memory_space<vmem>>, vector<16xf32>,
        %add3A_530 = arith.addf %add3A_505, %get3A_529 : vector<16xf32>
        %add3A_531 = arith.constant 112 : i32
        %add3A_532 = arith.addi %mul3A_496, %add3A_531 : i32
        %get3A_533 = arith.index_cast %add3A_532 : i32 to index
        %get3A_534 = tpu.vector_load %arg9[%get3A_533] {strides = array<i32>} : memref<10000xf32, #tpu.memory_space<vmem>>, vector<16xf32>,
        %add3A_535 = arith.addf %add3A_510, %get3A_534 : vector<16xf32>
        %add3A_536 = arith.constant 128 : i32
        %add3A_537 = arith.addi %mul3A_496, %add3A_536 : i32
        %get3A_538 = arith.index_cast %add3A_537 : i32 to index
        %get3A_539 = tpu.vector_load %arg9[%get3A_538] {strides = array<i32>} : memref<10000xf32, #tpu.memory_space<vmem>>, vector<16xf32>,
        %add3A_540 = arith.addf %add3A_515, %get3A_539 : vector<16xf32>
        %add3A_541 = arith.constant 144 : i32
        %add3A_542 = arith.addi %mul3A_496, %add3A_541 : i32
        %get3A_543 = arith.index_cast %add3A_542 : i32 to index
        %get3A_544 = tpu.vector_load %arg9[%get3A_543] {strides = array<i32>} : memref<10000xf32, #tpu.memory_space<vmem>>, vector<16xf32>,
        %add3A_545 = arith.addf %add3A_520, %get3A_544 : vector<16xf32>
        %add3A_546 = arith.constant 160 : i32
        %add3A_547 = arith.addi %mul3A_496, %add3A_546 : i32
        %get3A_548 = arith.index_cast %add3A_547 : i32 to index
        %get3A_549 = tpu.vector_load %arg9[%get3A_548] {strides = array<i32>} : memref<10000xf32, #tpu.memory_space<vmem>>, vector<16xf32>,
        %add3A_550 = arith.addf %add3A_525, %get3A_549 : vector<16xf32>
        %add3A_551 = arith.constant 176 : i32
        %add3A_552 = arith.addi %mul3A_496, %add3A_551 : i32
        %get3A_553 = arith.index_cast %add3A_552 : i32 to index
        %get3A_554 = tpu.vector_load %arg9[%get3A_553] {strides = array<i32>} : memref<10000xf32, #tpu.memory_space<vmem>>, vector<16xf32>,
        %add3A_555 = arith.addf %add3A_530, %get3A_554 : vector<16xf32>
        %add3A_556 = arith.constant 192 : i32
        %add3A_557 = arith.addi %mul3A_496, %add3A_556 : i32
        %get3A_558 = arith.index_cast %add3A_557 : i32 to index
        %get3A_559 = tpu.vector_load %arg9[%get3A_558] {strides = array<i32>} : memref<10000xf32, #tpu.memory_space<vmem>>, vector<16xf32>,
        %add3A_560 = arith.addf %add3A_535, %get3A_559 : vector<16xf32>
        %add3A_561 = arith.constant 208 : i32
        %add3A_562 = arith.addi %mul3A_496, %add3A_561 : i32
        %get3A_563 = arith.index_cast %add3A_562 : i32 to index
        %get3A_564 = tpu.vector_load %arg9[%get3A_563] {strides = array<i32>} : memref<10000xf32, #tpu.memory_space<vmem>>, vector<16xf32>,
        %add3A_565 = arith.addf %add3A_540, %get3A_564 : vector<16xf32>
        %add3A_566 = arith.constant 224 : i32
        %add3A_567 = arith.addi %mul3A_496, %add3A_566 : i32
        %get3A_568 = arith.index_cast %add3A_567 : i32 to index
        %get3A_569 = tpu.vector_load %arg9[%get3A_568] {strides = array<i32>} : memref<10000xf32, #tpu.memory_space<vmem>>, vector<16xf32>,
        %add3A_570 = arith.addf %add3A_545, %get3A_569 : vector<16xf32>
        %add3A_571 = arith.constant 240 : i32
        %add3A_572 = arith.addi %mul3A_496, %add3A_571 : i32
        %get3A_573 = arith.index_cast %add3A_572 : i32 to index
        %get3A_574 = tpu.vector_load %arg9[%get3A_573] {strides = array<i32>} : memref<10000xf32, #tpu.memory_space<vmem>>, vector<16xf32>,
        %add3A_575 = arith.addf %add3A_550, %get3A_574 : vector<16xf32>
        %add3A_576 = arith.constant 256 : i32
        %add3A_577 = arith.addi %mul3A_496, %add3A_576 : i32
        %get3A_578 = arith.index_cast %add3A_577 : i32 to index
        %get3A_579 = tpu.vector_load %arg9[%get3A_578] {strides = array<i32>} : memref<10000xf32, #tpu.memory_space<vmem>>, vector<16xf32>,
        %add3A_580 = arith.addf %add3A_555, %get3A_579 : vector<16xf32>
        %add3A_581 = arith.constant 272 : i32
        %add3A_582 = arith.addi %mul3A_496, %add3A_581 : i32
        %get3A_583 = arith.index_cast %add3A_582 : i32 to index
        %get3A_584 = tpu.vector_load %arg9[%get3A_583] {strides = array<i32>} : memref<10000xf32, #tpu.memory_space<vmem>>, vector<16xf32>,
        %add3A_585 = arith.addf %add3A_560, %get3A_584 : vector<16xf32>
        %add3A_586 = arith.constant 288 : i32
        %add3A_587 = arith.addi %mul3A_496, %add3A_586 : i32
        %get3A_588 = arith.index_cast %add3A_587 : i32 to index
        %get3A_589 = tpu.vector_load %arg9[%get3A_588] {strides = array<i32>} : memref<10000xf32, #tpu.memory_space<vmem>>, vector<16xf32>,
        %add3A_590 = arith.addf %add3A_565, %get3A_589 : vector<16xf32>
        %add3A_591 = arith.constant 304 : i32
        %add3A_592 = arith.addi %mul3A_496, %add3A_591 : i32
        %get3A_593 = arith.index_cast %add3A_592 : i32 to index
        %get3A_594 = tpu.vector_load %arg9[%get3A_593] {strides = array<i32>} : memref<10000xf32, #tpu.memory_space<vmem>>, vector<16xf32>,
        %add3A_595 = arith.addf %add3A_570, %get3A_594 : vector<16xf32>
        %add3A_596 = arith.constant 320 : i32
        %add3A_597 = arith.addi %mul3A_496, %add3A_596 : i32
        %get3A_598 = arith.index_cast %add3A_597 : i32 to index
        %get3A_599 = tpu.vector_load %arg9[%get3A_598] {strides = array<i32>} : memref<10000xf32, #tpu.memory_space<vmem>>, vector<16xf32>,
        %add3A_600 = arith.addf %add3A_575, %get3A_599 : vector<16xf32>
        %add3A_601 = arith.constant 336 : i32
        %add3A_602 = arith.addi %mul3A_496, %add3A_601 : i32
        %get3A_603 = arith.index_cast %add3A_602 : i32 to index
        %get3A_604 = tpu.vector_load %arg9[%get3A_603] {strides = array<i32>} : memref<10000xf32, #tpu.memory_space<vmem>>, vector<16xf32>,
        %add3A_605 = arith.addf %add3A_580, %get3A_604 : vector<16xf32>
        %add3A_606 = arith.constant 352 : i32
        %add3A_607 = arith.addi %mul3A_496, %add3A_606 : i32
        %get3A_608 = arith.index_cast %add3A_607 : i32 to index
        %get3A_609 = tpu.vector_load %arg9[%get3A_608] {strides = array<i32>} : memref<10000xf32, #tpu.memory_space<vmem>>, vector<16xf32>,
        %add3A_610 = arith.addf %add3A_585, %get3A_609 : vector<16xf32>
        %add3A_611 = arith.constant 368 : i32
        %add3A_612 = arith.addi %mul3A_496, %add3A_611 : i32
        %get3A_613 = arith.index_cast %add3A_612 : i32 to index
        %get3A_614 = tpu.vector_load %arg9[%get3A_613] {strides = array<i32>} : memref<10000xf32, #tpu.memory_space<vmem>>, vector<16xf32>,
        %add3A_615 = arith.addf %add3A_590, %get3A_614 : vector<16xf32>
        %add3A_616 = arith.constant 384 : i32
        %add3A_617 = arith.addi %mul3A_496, %add3A_616 : i32
        %get3A_618 = arith.index_cast %add3A_617 : i32 to index
        %get3A_619 = tpu.vector_load %arg9[%get3A_618] {strides = array<i32>} : memref<10000xf32, #tpu.memory_space<vmem>>, vector<16xf32>,
        %add3A_620 = arith.addf %add3A_595, %get3A_619 : vector<16xf32>
        scf.yield %add3A_600, %add3A_605, %add3A_610, %add3A_615, %add3A_620 : vector<16xf32>, vector<16xf32>, vector<16xf32>, vector<16xf32>, vector<16xf32>
      }
      %scan3A_168 = arith.constant 25 : i32
      %add3A_169 = arith.addf %scan3A_167#0, %scan3A_167#1 : vector<16xf32>
      %add3A_170 = arith.addf %scan3A_167#2, %scan3A_167#3 : vector<16xf32>
      %add3A_171 = arith.addf %add3A_169, %add3A_170 : vector<16xf32>
      %add3A_172 = arith.addf %add3A_171, %scan3A_167#4 : vector<16xf32>
      %add3A_173 = arith.addf %add3A_133, %add3A_172 : vector<16xf32>
      %sub3A_174 = arith.constant 20000 : i32
      %sub3A_175 = vector.broadcast %sub3A_174 : i32 to vector<16xi32>
      %sub3A_176 = arith.subi %gather3A, %sub3A_175 : vector<16xi32>
      %jit3A_177 = arith.constant 0 : i32
      %jit3A_178 = arith.constant 9999 : i32
      %max3A_179 = vector.broadcast %jit3A_177 : i32 to vector<16xi32>
      %max3A_180 = arith.maxsi %max3A_179, %sub3A_176 : vector<16xi32>
      %min3A_181 = vector.broadcast %jit3A_178 : i32 to vector<16xi32>
      %min3A_182 = arith.minsi %min3A_181, %max3A_180 : vector<16xi32>
      %gather3A_183 = tpu.vector_load_idx %arg9[%min3A_182] : memref<10000xf32, #tpu.memory_space<vmem>>[vector<16xi32>], vector<16xf32>,
      %ge3A_184 = arith.constant 20000 : i32
      %ge3A_185 = vector.broadcast %ge3A_184 : i32 to vector<16xi32>
      %ge3A_186 = arith.cmpi sge, %gather3A, %ge3A_185 : vector<16xi32>
      %lt3A_187 = arith.constant 30000 : i32
      %lt3A_188 = vector.broadcast %lt3A_187 : i32 to vector<16xi32>
      %lt3A_189 = arith.cmpi slt, %gather3A, %lt3A_188 : vector<16xi32>
      %and3A_190 = arith.andi %ge3A_186, %lt3A_189 : vector<16xi1>
      %select_n3A_191 = arith.select %and3A_190, %gather3A_183, %select_n3A_151 : vector<16xi1>, vector<16xf32>
      %lt3A_192 = arith.constant 31 : i32
      %lt3A_193 = arith.cmpi slt, %scan3A_78, %lt3A_192 : i32
      %convert_element_type3A_194 = arith.extui %lt3A_193 : i1 to i32
      %cond3A_195 = arith.constant 0 : i32
      %cond3A_196 = arith.cmpi ne, %convert_element_type3A_194, %cond3A_195 : i32
      scf.if %cond3A_196 {
        %add3A_489 = arith.constant 1 : i32
        %add3A_490 = arith.addi %add3A_81, %add3A_489 : i32
        %mul3A_491 = arith.constant 100000 : i32
        %mul3A_492 = arith.muli %add3A_490, %mul3A_491 : i32
        %add3A_493 = arith.constant 20000 : i32
        %add3A_494 = arith.addi %mul3A_492, %add3A_493 : i32
        %dma_start3A_495 = tpu.memref_slice %arg2[%add3A_494] : memref<102400000xf32, #tpu.memory_space<hbm>> -> memref<10000xf32, #tpu.memory_space<hbm>>
        %dma_start3A_496 = tpu.memref_slice %arg2[%add3A_494] : memref<102400000xf32, #tpu.memory_space<hbm>> -> memref<10000xf32, #tpu.memory_space<hbm>>
        tpu.enqueue_dma source(%dma_start3A_496 : memref<10000xf32, #tpu.memory_space<hbm>>) target(%arg9 : memref<10000xf32, #tpu.memory_space<vmem>>) target_semaphore(%arg19 : memref<!tpu.dma_semaphore, #tpu.memory_space<semaphore_mem>>)
      } else {
      }
      %dma_wait3A_197 = arith.constant 0 : i32
      %dma_wait3A_198 = tpu.memref_slice %arg2[%dma_wait3A_197] : memref<102400000xf32, #tpu.memory_space<hbm>> -> memref<10000xf32, #tpu.memory_space<hbm>>
      %dma_wait3A_199 = arith.constant 0 : i32
      %dma_wait3A_200 = tpu.memref_slice %arg2[%dma_wait3A_199] : memref<102400000xf32, #tpu.memory_space<hbm>> -> memref<10000xf32, #tpu.memory_space<hbm>>
      tpu.wait_dma2 semaphore(%arg20 : memref<!tpu.dma_semaphore, #tpu.memory_space<semaphore_mem>>) src(%dma_wait3A_200 : memref<10000xf32, #tpu.memory_space<hbm>>) dst(%arg10 : memref<10000xf32, #tpu.memory_space<vmem>>)
      %broadcast_in_dim3A_201 = arith.constant 0.000000e+00 : f32
      %broadcast_in_dim3A_202 = vector.broadcast %broadcast_in_dim3A_201 : f32 to vector<16xf32>
      %scan3A_203 = arith.constant 0 : i32
      %scan3A_204 = arith.constant 25 : i32
      %scan3A_205 = arith.addi %scan3A_203, %scan3A_204 : i32
      %scan3A_206 = arith.constant 1 : i32
      %scan3A_207:5 = scf.for %scan3A_489 = %scan3A_203 to %scan3A_205 step %scan3A_206 iter_args(%scan3A_490 = %broadcast_in_dim3A_202, %scan3A_491 = %broadcast_in_dim3A_202, %scan3A_492 = %broadcast_in_dim3A_202, %scan3A_493 = %broadcast_in_dim3A_202, %scan3A_494 = %broadcast_in_dim3A_202) -> (vector<16xf32>, vector<16xf32>, vector<16xf32>, vector<16xf32>, vector<16xf32>)  : i32 {
        %mul3A_495 = arith.constant 400 : i32
        %mul3A_496 = arith.muli %scan3A_489, %mul3A_495 : i32
        %add3A_497 = arith.constant 0 : i32
        %add3A_498 = arith.addi %mul3A_496, %add3A_497 : i32
        %get3A = arith.index_cast %add3A_498 : i32 to index
        %get3A_499 = tpu.vector_load %arg10[%get3A] {strides = array<i32>} : memref<10000xf32, #tpu.memory_space<vmem>>, vector<16xf32>,
        %add3A_500 = arith.addf %scan3A_490, %get3A_499 : vector<16xf32>
        %add3A_501 = arith.constant 16 : i32
        %add3A_502 = arith.addi %mul3A_496, %add3A_501 : i32
        %get3A_503 = arith.index_cast %add3A_502 : i32 to index
        %get3A_504 = tpu.vector_load %arg10[%get3A_503] {strides = array<i32>} : memref<10000xf32, #tpu.memory_space<vmem>>, vector<16xf32>,
        %add3A_505 = arith.addf %scan3A_491, %get3A_504 : vector<16xf32>
        %add3A_506 = arith.constant 32 : i32
        %add3A_507 = arith.addi %mul3A_496, %add3A_506 : i32
        %get3A_508 = arith.index_cast %add3A_507 : i32 to index
        %get3A_509 = tpu.vector_load %arg10[%get3A_508] {strides = array<i32>} : memref<10000xf32, #tpu.memory_space<vmem>>, vector<16xf32>,
        %add3A_510 = arith.addf %scan3A_492, %get3A_509 : vector<16xf32>
        %add3A_511 = arith.constant 48 : i32
        %add3A_512 = arith.addi %mul3A_496, %add3A_511 : i32
        %get3A_513 = arith.index_cast %add3A_512 : i32 to index
        %get3A_514 = tpu.vector_load %arg10[%get3A_513] {strides = array<i32>} : memref<10000xf32, #tpu.memory_space<vmem>>, vector<16xf32>,
        %add3A_515 = arith.addf %scan3A_493, %get3A_514 : vector<16xf32>
        %add3A_516 = arith.constant 64 : i32
        %add3A_517 = arith.addi %mul3A_496, %add3A_516 : i32
        %get3A_518 = arith.index_cast %add3A_517 : i32 to index
        %get3A_519 = tpu.vector_load %arg10[%get3A_518] {strides = array<i32>} : memref<10000xf32, #tpu.memory_space<vmem>>, vector<16xf32>,
        %add3A_520 = arith.addf %scan3A_494, %get3A_519 : vector<16xf32>
        %add3A_521 = arith.constant 80 : i32
        %add3A_522 = arith.addi %mul3A_496, %add3A_521 : i32
        %get3A_523 = arith.index_cast %add3A_522 : i32 to index
        %get3A_524 = tpu.vector_load %arg10[%get3A_523] {strides = array<i32>} : memref<10000xf32, #tpu.memory_space<vmem>>, vector<16xf32>,
        %add3A_525 = arith.addf %add3A_500, %get3A_524 : vector<16xf32>
        %add3A_526 = arith.constant 96 : i32
        %add3A_527 = arith.addi %mul3A_496, %add3A_526 : i32
        %get3A_528 = arith.index_cast %add3A_527 : i32 to index
        %get3A_529 = tpu.vector_load %arg10[%get3A_528] {strides = array<i32>} : memref<10000xf32, #tpu.memory_space<vmem>>, vector<16xf32>,
        %add3A_530 = arith.addf %add3A_505, %get3A_529 : vector<16xf32>
        %add3A_531 = arith.constant 112 : i32
        %add3A_532 = arith.addi %mul3A_496, %add3A_531 : i32
        %get3A_533 = arith.index_cast %add3A_532 : i32 to index
        %get3A_534 = tpu.vector_load %arg10[%get3A_533] {strides = array<i32>} : memref<10000xf32, #tpu.memory_space<vmem>>, vector<16xf32>,
        %add3A_535 = arith.addf %add3A_510, %get3A_534 : vector<16xf32>
        %add3A_536 = arith.constant 128 : i32
        %add3A_537 = arith.addi %mul3A_496, %add3A_536 : i32
        %get3A_538 = arith.index_cast %add3A_537 : i32 to index
        %get3A_539 = tpu.vector_load %arg10[%get3A_538] {strides = array<i32>} : memref<10000xf32, #tpu.memory_space<vmem>>, vector<16xf32>,
        %add3A_540 = arith.addf %add3A_515, %get3A_539 : vector<16xf32>
        %add3A_541 = arith.constant 144 : i32
        %add3A_542 = arith.addi %mul3A_496, %add3A_541 : i32
        %get3A_543 = arith.index_cast %add3A_542 : i32 to index
        %get3A_544 = tpu.vector_load %arg10[%get3A_543] {strides = array<i32>} : memref<10000xf32, #tpu.memory_space<vmem>>, vector<16xf32>,
        %add3A_545 = arith.addf %add3A_520, %get3A_544 : vector<16xf32>
        %add3A_546 = arith.constant 160 : i32
        %add3A_547 = arith.addi %mul3A_496, %add3A_546 : i32
        %get3A_548 = arith.index_cast %add3A_547 : i32 to index
        %get3A_549 = tpu.vector_load %arg10[%get3A_548] {strides = array<i32>} : memref<10000xf32, #tpu.memory_space<vmem>>, vector<16xf32>,
        %add3A_550 = arith.addf %add3A_525, %get3A_549 : vector<16xf32>
        %add3A_551 = arith.constant 176 : i32
        %add3A_552 = arith.addi %mul3A_496, %add3A_551 : i32
        %get3A_553 = arith.index_cast %add3A_552 : i32 to index
        %get3A_554 = tpu.vector_load %arg10[%get3A_553] {strides = array<i32>} : memref<10000xf32, #tpu.memory_space<vmem>>, vector<16xf32>,
        %add3A_555 = arith.addf %add3A_530, %get3A_554 : vector<16xf32>
        %add3A_556 = arith.constant 192 : i32
        %add3A_557 = arith.addi %mul3A_496, %add3A_556 : i32
        %get3A_558 = arith.index_cast %add3A_557 : i32 to index
        %get3A_559 = tpu.vector_load %arg10[%get3A_558] {strides = array<i32>} : memref<10000xf32, #tpu.memory_space<vmem>>, vector<16xf32>,
        %add3A_560 = arith.addf %add3A_535, %get3A_559 : vector<16xf32>
        %add3A_561 = arith.constant 208 : i32
        %add3A_562 = arith.addi %mul3A_496, %add3A_561 : i32
        %get3A_563 = arith.index_cast %add3A_562 : i32 to index
        %get3A_564 = tpu.vector_load %arg10[%get3A_563] {strides = array<i32>} : memref<10000xf32, #tpu.memory_space<vmem>>, vector<16xf32>,
        %add3A_565 = arith.addf %add3A_540, %get3A_564 : vector<16xf32>
        %add3A_566 = arith.constant 224 : i32
        %add3A_567 = arith.addi %mul3A_496, %add3A_566 : i32
        %get3A_568 = arith.index_cast %add3A_567 : i32 to index
        %get3A_569 = tpu.vector_load %arg10[%get3A_568] {strides = array<i32>} : memref<10000xf32, #tpu.memory_space<vmem>>, vector<16xf32>,
        %add3A_570 = arith.addf %add3A_545, %get3A_569 : vector<16xf32>
        %add3A_571 = arith.constant 240 : i32
        %add3A_572 = arith.addi %mul3A_496, %add3A_571 : i32
        %get3A_573 = arith.index_cast %add3A_572 : i32 to index
        %get3A_574 = tpu.vector_load %arg10[%get3A_573] {strides = array<i32>} : memref<10000xf32, #tpu.memory_space<vmem>>, vector<16xf32>,
        %add3A_575 = arith.addf %add3A_550, %get3A_574 : vector<16xf32>
        %add3A_576 = arith.constant 256 : i32
        %add3A_577 = arith.addi %mul3A_496, %add3A_576 : i32
        %get3A_578 = arith.index_cast %add3A_577 : i32 to index
        %get3A_579 = tpu.vector_load %arg10[%get3A_578] {strides = array<i32>} : memref<10000xf32, #tpu.memory_space<vmem>>, vector<16xf32>,
        %add3A_580 = arith.addf %add3A_555, %get3A_579 : vector<16xf32>
        %add3A_581 = arith.constant 272 : i32
        %add3A_582 = arith.addi %mul3A_496, %add3A_581 : i32
        %get3A_583 = arith.index_cast %add3A_582 : i32 to index
        %get3A_584 = tpu.vector_load %arg10[%get3A_583] {strides = array<i32>} : memref<10000xf32, #tpu.memory_space<vmem>>, vector<16xf32>,
        %add3A_585 = arith.addf %add3A_560, %get3A_584 : vector<16xf32>
        %add3A_586 = arith.constant 288 : i32
        %add3A_587 = arith.addi %mul3A_496, %add3A_586 : i32
        %get3A_588 = arith.index_cast %add3A_587 : i32 to index
        %get3A_589 = tpu.vector_load %arg10[%get3A_588] {strides = array<i32>} : memref<10000xf32, #tpu.memory_space<vmem>>, vector<16xf32>,
        %add3A_590 = arith.addf %add3A_565, %get3A_589 : vector<16xf32>
        %add3A_591 = arith.constant 304 : i32
        %add3A_592 = arith.addi %mul3A_496, %add3A_591 : i32
        %get3A_593 = arith.index_cast %add3A_592 : i32 to index
        %get3A_594 = tpu.vector_load %arg10[%get3A_593] {strides = array<i32>} : memref<10000xf32, #tpu.memory_space<vmem>>, vector<16xf32>,
        %add3A_595 = arith.addf %add3A_570, %get3A_594 : vector<16xf32>
        %add3A_596 = arith.constant 320 : i32
        %add3A_597 = arith.addi %mul3A_496, %add3A_596 : i32
        %get3A_598 = arith.index_cast %add3A_597 : i32 to index
        %get3A_599 = tpu.vector_load %arg10[%get3A_598] {strides = array<i32>} : memref<10000xf32, #tpu.memory_space<vmem>>, vector<16xf32>,
        %add3A_600 = arith.addf %add3A_575, %get3A_599 : vector<16xf32>
        %add3A_601 = arith.constant 336 : i32
        %add3A_602 = arith.addi %mul3A_496, %add3A_601 : i32
        %get3A_603 = arith.index_cast %add3A_602 : i32 to index
        %get3A_604 = tpu.vector_load %arg10[%get3A_603] {strides = array<i32>} : memref<10000xf32, #tpu.memory_space<vmem>>, vector<16xf32>,
        %add3A_605 = arith.addf %add3A_580, %get3A_604 : vector<16xf32>
        %add3A_606 = arith.constant 352 : i32
        %add3A_607 = arith.addi %mul3A_496, %add3A_606 : i32
        %get3A_608 = arith.index_cast %add3A_607 : i32 to index
        %get3A_609 = tpu.vector_load %arg10[%get3A_608] {strides = array<i32>} : memref<10000xf32, #tpu.memory_space<vmem>>, vector<16xf32>,
        %add3A_610 = arith.addf %add3A_585, %get3A_609 : vector<16xf32>
        %add3A_611 = arith.constant 368 : i32
        %add3A_612 = arith.addi %mul3A_496, %add3A_611 : i32
        %get3A_613 = arith.index_cast %add3A_612 : i32 to index
        %get3A_614 = tpu.vector_load %arg10[%get3A_613] {strides = array<i32>} : memref<10000xf32, #tpu.memory_space<vmem>>, vector<16xf32>,
        %add3A_615 = arith.addf %add3A_590, %get3A_614 : vector<16xf32>
        %add3A_616 = arith.constant 384 : i32
        %add3A_617 = arith.addi %mul3A_496, %add3A_616 : i32
        %get3A_618 = arith.index_cast %add3A_617 : i32 to index
        %get3A_619 = tpu.vector_load %arg10[%get3A_618] {strides = array<i32>} : memref<10000xf32, #tpu.memory_space<vmem>>, vector<16xf32>,
        %add3A_620 = arith.addf %add3A_595, %get3A_619 : vector<16xf32>
        scf.yield %add3A_600, %add3A_605, %add3A_610, %add3A_615, %add3A_620 : vector<16xf32>, vector<16xf32>, vector<16xf32>, vector<16xf32>, vector<16xf32>
      }
      %scan3A_208 = arith.constant 25 : i32
      %add3A_209 = arith.addf %scan3A_207#0, %scan3A_207#1 : vector<16xf32>
      %add3A_210 = arith.addf %scan3A_207#2, %scan3A_207#3 : vector<16xf32>
      %add3A_211 = arith.addf %add3A_209, %add3A_210 : vector<16xf32>
      %add3A_212 = arith.addf %add3A_211, %scan3A_207#4 : vector<16xf32>
      %add3A_213 = arith.addf %add3A_173, %add3A_212 : vector<16xf32>
      %sub3A_214 = arith.constant 30000 : i32
      %sub3A_215 = vector.broadcast %sub3A_214 : i32 to vector<16xi32>
      %sub3A_216 = arith.subi %gather3A, %sub3A_215 : vector<16xi32>
      %jit3A_217 = arith.constant 0 : i32
      %jit3A_218 = arith.constant 9999 : i32
      %max3A_219 = vector.broadcast %jit3A_217 : i32 to vector<16xi32>
      %max3A_220 = arith.maxsi %max3A_219, %sub3A_216 : vector<16xi32>
      %min3A_221 = vector.broadcast %jit3A_218 : i32 to vector<16xi32>
      %min3A_222 = arith.minsi %min3A_221, %max3A_220 : vector<16xi32>
      %gather3A_223 = tpu.vector_load_idx %arg10[%min3A_222] : memref<10000xf32, #tpu.memory_space<vmem>>[vector<16xi32>], vector<16xf32>,
      %ge3A_224 = arith.constant 30000 : i32
      %ge3A_225 = vector.broadcast %ge3A_224 : i32 to vector<16xi32>
      %ge3A_226 = arith.cmpi sge, %gather3A, %ge3A_225 : vector<16xi32>
      %lt3A_227 = arith.constant 40000 : i32
      %lt3A_228 = vector.broadcast %lt3A_227 : i32 to vector<16xi32>
      %lt3A_229 = arith.cmpi slt, %gather3A, %lt3A_228 : vector<16xi32>
      %and3A_230 = arith.andi %ge3A_226, %lt3A_229 : vector<16xi1>
      %select_n3A_231 = arith.select %and3A_230, %gather3A_223, %select_n3A_191 : vector<16xi1>, vector<16xf32>
      %lt3A_232 = arith.constant 31 : i32
      %lt3A_233 = arith.cmpi slt, %scan3A_78, %lt3A_232 : i32
      %convert_element_type3A_234 = arith.extui %lt3A_233 : i1 to i32
      %cond3A_235 = arith.constant 0 : i32
      %cond3A_236 = arith.cmpi ne, %convert_element_type3A_234, %cond3A_235 : i32
      scf.if %cond3A_236 {
        %add3A_489 = arith.constant 1 : i32
        %add3A_490 = arith.addi %add3A_81, %add3A_489 : i32
        %mul3A_491 = arith.constant 100000 : i32
        %mul3A_492 = arith.muli %add3A_490, %mul3A_491 : i32
        %add3A_493 = arith.constant 30000 : i32
        %add3A_494 = arith.addi %mul3A_492, %add3A_493 : i32
        %dma_start3A_495 = tpu.memref_slice %arg2[%add3A_494] : memref<102400000xf32, #tpu.memory_space<hbm>> -> memref<10000xf32, #tpu.memory_space<hbm>>
        %dma_start3A_496 = tpu.memref_slice %arg2[%add3A_494] : memref<102400000xf32, #tpu.memory_space<hbm>> -> memref<10000xf32, #tpu.memory_space<hbm>>
        tpu.enqueue_dma source(%dma_start3A_496 : memref<10000xf32, #tpu.memory_space<hbm>>) target(%arg10 : memref<10000xf32, #tpu.memory_space<vmem>>) target_semaphore(%arg20 : memref<!tpu.dma_semaphore, #tpu.memory_space<semaphore_mem>>)
      } else {
      }
      %dma_wait3A_237 = arith.constant 0 : i32
      %dma_wait3A_238 = tpu.memref_slice %arg2[%dma_wait3A_237] : memref<102400000xf32, #tpu.memory_space<hbm>> -> memref<10000xf32, #tpu.memory_space<hbm>>
      %dma_wait3A_239 = arith.constant 0 : i32
      %dma_wait3A_240 = tpu.memref_slice %arg2[%dma_wait3A_239] : memref<102400000xf32, #tpu.memory_space<hbm>> -> memref<10000xf32, #tpu.memory_space<hbm>>
      tpu.wait_dma2 semaphore(%arg21 : memref<!tpu.dma_semaphore, #tpu.memory_space<semaphore_mem>>) src(%dma_wait3A_240 : memref<10000xf32, #tpu.memory_space<hbm>>) dst(%arg11 : memref<10000xf32, #tpu.memory_space<vmem>>)
      %broadcast_in_dim3A_241 = arith.constant 0.000000e+00 : f32
      %broadcast_in_dim3A_242 = vector.broadcast %broadcast_in_dim3A_241 : f32 to vector<16xf32>
      %scan3A_243 = arith.constant 0 : i32
      %scan3A_244 = arith.constant 25 : i32
      %scan3A_245 = arith.addi %scan3A_243, %scan3A_244 : i32
      %scan3A_246 = arith.constant 1 : i32
      %scan3A_247:5 = scf.for %scan3A_489 = %scan3A_243 to %scan3A_245 step %scan3A_246 iter_args(%scan3A_490 = %broadcast_in_dim3A_242, %scan3A_491 = %broadcast_in_dim3A_242, %scan3A_492 = %broadcast_in_dim3A_242, %scan3A_493 = %broadcast_in_dim3A_242, %scan3A_494 = %broadcast_in_dim3A_242) -> (vector<16xf32>, vector<16xf32>, vector<16xf32>, vector<16xf32>, vector<16xf32>)  : i32 {
        %mul3A_495 = arith.constant 400 : i32
        %mul3A_496 = arith.muli %scan3A_489, %mul3A_495 : i32
        %add3A_497 = arith.constant 0 : i32
        %add3A_498 = arith.addi %mul3A_496, %add3A_497 : i32
        %get3A = arith.index_cast %add3A_498 : i32 to index
        %get3A_499 = tpu.vector_load %arg11[%get3A] {strides = array<i32>} : memref<10000xf32, #tpu.memory_space<vmem>>, vector<16xf32>,
        %add3A_500 = arith.addf %scan3A_490, %get3A_499 : vector<16xf32>
        %add3A_501 = arith.constant 16 : i32
        %add3A_502 = arith.addi %mul3A_496, %add3A_501 : i32
        %get3A_503 = arith.index_cast %add3A_502 : i32 to index
        %get3A_504 = tpu.vector_load %arg11[%get3A_503] {strides = array<i32>} : memref<10000xf32, #tpu.memory_space<vmem>>, vector<16xf32>,
        %add3A_505 = arith.addf %scan3A_491, %get3A_504 : vector<16xf32>
        %add3A_506 = arith.constant 32 : i32
        %add3A_507 = arith.addi %mul3A_496, %add3A_506 : i32
        %get3A_508 = arith.index_cast %add3A_507 : i32 to index
        %get3A_509 = tpu.vector_load %arg11[%get3A_508] {strides = array<i32>} : memref<10000xf32, #tpu.memory_space<vmem>>, vector<16xf32>,
        %add3A_510 = arith.addf %scan3A_492, %get3A_509 : vector<16xf32>
        %add3A_511 = arith.constant 48 : i32
        %add3A_512 = arith.addi %mul3A_496, %add3A_511 : i32
        %get3A_513 = arith.index_cast %add3A_512 : i32 to index
        %get3A_514 = tpu.vector_load %arg11[%get3A_513] {strides = array<i32>} : memref<10000xf32, #tpu.memory_space<vmem>>, vector<16xf32>,
        %add3A_515 = arith.addf %scan3A_493, %get3A_514 : vector<16xf32>
        %add3A_516 = arith.constant 64 : i32
        %add3A_517 = arith.addi %mul3A_496, %add3A_516 : i32
        %get3A_518 = arith.index_cast %add3A_517 : i32 to index
        %get3A_519 = tpu.vector_load %arg11[%get3A_518] {strides = array<i32>} : memref<10000xf32, #tpu.memory_space<vmem>>, vector<16xf32>,
        %add3A_520 = arith.addf %scan3A_494, %get3A_519 : vector<16xf32>
        %add3A_521 = arith.constant 80 : i32
        %add3A_522 = arith.addi %mul3A_496, %add3A_521 : i32
        %get3A_523 = arith.index_cast %add3A_522 : i32 to index
        %get3A_524 = tpu.vector_load %arg11[%get3A_523] {strides = array<i32>} : memref<10000xf32, #tpu.memory_space<vmem>>, vector<16xf32>,
        %add3A_525 = arith.addf %add3A_500, %get3A_524 : vector<16xf32>
        %add3A_526 = arith.constant 96 : i32
        %add3A_527 = arith.addi %mul3A_496, %add3A_526 : i32
        %get3A_528 = arith.index_cast %add3A_527 : i32 to index
        %get3A_529 = tpu.vector_load %arg11[%get3A_528] {strides = array<i32>} : memref<10000xf32, #tpu.memory_space<vmem>>, vector<16xf32>,
        %add3A_530 = arith.addf %add3A_505, %get3A_529 : vector<16xf32>
        %add3A_531 = arith.constant 112 : i32
        %add3A_532 = arith.addi %mul3A_496, %add3A_531 : i32
        %get3A_533 = arith.index_cast %add3A_532 : i32 to index
        %get3A_534 = tpu.vector_load %arg11[%get3A_533] {strides = array<i32>} : memref<10000xf32, #tpu.memory_space<vmem>>, vector<16xf32>,
        %add3A_535 = arith.addf %add3A_510, %get3A_534 : vector<16xf32>
        %add3A_536 = arith.constant 128 : i32
        %add3A_537 = arith.addi %mul3A_496, %add3A_536 : i32
        %get3A_538 = arith.index_cast %add3A_537 : i32 to index
        %get3A_539 = tpu.vector_load %arg11[%get3A_538] {strides = array<i32>} : memref<10000xf32, #tpu.memory_space<vmem>>, vector<16xf32>,
        %add3A_540 = arith.addf %add3A_515, %get3A_539 : vector<16xf32>
        %add3A_541 = arith.constant 144 : i32
        %add3A_542 = arith.addi %mul3A_496, %add3A_541 : i32
        %get3A_543 = arith.index_cast %add3A_542 : i32 to index
        %get3A_544 = tpu.vector_load %arg11[%get3A_543] {strides = array<i32>} : memref<10000xf32, #tpu.memory_space<vmem>>, vector<16xf32>,
        %add3A_545 = arith.addf %add3A_520, %get3A_544 : vector<16xf32>
        %add3A_546 = arith.constant 160 : i32
        %add3A_547 = arith.addi %mul3A_496, %add3A_546 : i32
        %get3A_548 = arith.index_cast %add3A_547 : i32 to index
        %get3A_549 = tpu.vector_load %arg11[%get3A_548] {strides = array<i32>} : memref<10000xf32, #tpu.memory_space<vmem>>, vector<16xf32>,
        %add3A_550 = arith.addf %add3A_525, %get3A_549 : vector<16xf32>
        %add3A_551 = arith.constant 176 : i32
        %add3A_552 = arith.addi %mul3A_496, %add3A_551 : i32
        %get3A_553 = arith.index_cast %add3A_552 : i32 to index
        %get3A_554 = tpu.vector_load %arg11[%get3A_553] {strides = array<i32>} : memref<10000xf32, #tpu.memory_space<vmem>>, vector<16xf32>,
        %add3A_555 = arith.addf %add3A_530, %get3A_554 : vector<16xf32>
        %add3A_556 = arith.constant 192 : i32
        %add3A_557 = arith.addi %mul3A_496, %add3A_556 : i32
        %get3A_558 = arith.index_cast %add3A_557 : i32 to index
        %get3A_559 = tpu.vector_load %arg11[%get3A_558] {strides = array<i32>} : memref<10000xf32, #tpu.memory_space<vmem>>, vector<16xf32>,
        %add3A_560 = arith.addf %add3A_535, %get3A_559 : vector<16xf32>
        %add3A_561 = arith.constant 208 : i32
        %add3A_562 = arith.addi %mul3A_496, %add3A_561 : i32
        %get3A_563 = arith.index_cast %add3A_562 : i32 to index
        %get3A_564 = tpu.vector_load %arg11[%get3A_563] {strides = array<i32>} : memref<10000xf32, #tpu.memory_space<vmem>>, vector<16xf32>,
        %add3A_565 = arith.addf %add3A_540, %get3A_564 : vector<16xf32>
        %add3A_566 = arith.constant 224 : i32
        %add3A_567 = arith.addi %mul3A_496, %add3A_566 : i32
        %get3A_568 = arith.index_cast %add3A_567 : i32 to index
        %get3A_569 = tpu.vector_load %arg11[%get3A_568] {strides = array<i32>} : memref<10000xf32, #tpu.memory_space<vmem>>, vector<16xf32>,
        %add3A_570 = arith.addf %add3A_545, %get3A_569 : vector<16xf32>
        %add3A_571 = arith.constant 240 : i32
        %add3A_572 = arith.addi %mul3A_496, %add3A_571 : i32
        %get3A_573 = arith.index_cast %add3A_572 : i32 to index
        %get3A_574 = tpu.vector_load %arg11[%get3A_573] {strides = array<i32>} : memref<10000xf32, #tpu.memory_space<vmem>>, vector<16xf32>,
        %add3A_575 = arith.addf %add3A_550, %get3A_574 : vector<16xf32>
        %add3A_576 = arith.constant 256 : i32
        %add3A_577 = arith.addi %mul3A_496, %add3A_576 : i32
        %get3A_578 = arith.index_cast %add3A_577 : i32 to index
        %get3A_579 = tpu.vector_load %arg11[%get3A_578] {strides = array<i32>} : memref<10000xf32, #tpu.memory_space<vmem>>, vector<16xf32>,
        %add3A_580 = arith.addf %add3A_555, %get3A_579 : vector<16xf32>
        %add3A_581 = arith.constant 272 : i32
        %add3A_582 = arith.addi %mul3A_496, %add3A_581 : i32
        %get3A_583 = arith.index_cast %add3A_582 : i32 to index
        %get3A_584 = tpu.vector_load %arg11[%get3A_583] {strides = array<i32>} : memref<10000xf32, #tpu.memory_space<vmem>>, vector<16xf32>,
        %add3A_585 = arith.addf %add3A_560, %get3A_584 : vector<16xf32>
        %add3A_586 = arith.constant 288 : i32
        %add3A_587 = arith.addi %mul3A_496, %add3A_586 : i32
        %get3A_588 = arith.index_cast %add3A_587 : i32 to index
        %get3A_589 = tpu.vector_load %arg11[%get3A_588] {strides = array<i32>} : memref<10000xf32, #tpu.memory_space<vmem>>, vector<16xf32>,
        %add3A_590 = arith.addf %add3A_565, %get3A_589 : vector<16xf32>
        %add3A_591 = arith.constant 304 : i32
        %add3A_592 = arith.addi %mul3A_496, %add3A_591 : i32
        %get3A_593 = arith.index_cast %add3A_592 : i32 to index
        %get3A_594 = tpu.vector_load %arg11[%get3A_593] {strides = array<i32>} : memref<10000xf32, #tpu.memory_space<vmem>>, vector<16xf32>,
        %add3A_595 = arith.addf %add3A_570, %get3A_594 : vector<16xf32>
        %add3A_596 = arith.constant 320 : i32
        %add3A_597 = arith.addi %mul3A_496, %add3A_596 : i32
        %get3A_598 = arith.index_cast %add3A_597 : i32 to index
        %get3A_599 = tpu.vector_load %arg11[%get3A_598] {strides = array<i32>} : memref<10000xf32, #tpu.memory_space<vmem>>, vector<16xf32>,
        %add3A_600 = arith.addf %add3A_575, %get3A_599 : vector<16xf32>
        %add3A_601 = arith.constant 336 : i32
        %add3A_602 = arith.addi %mul3A_496, %add3A_601 : i32
        %get3A_603 = arith.index_cast %add3A_602 : i32 to index
        %get3A_604 = tpu.vector_load %arg11[%get3A_603] {strides = array<i32>} : memref<10000xf32, #tpu.memory_space<vmem>>, vector<16xf32>,
        %add3A_605 = arith.addf %add3A_580, %get3A_604 : vector<16xf32>
        %add3A_606 = arith.constant 352 : i32
        %add3A_607 = arith.addi %mul3A_496, %add3A_606 : i32
        %get3A_608 = arith.index_cast %add3A_607 : i32 to index
        %get3A_609 = tpu.vector_load %arg11[%get3A_608] {strides = array<i32>} : memref<10000xf32, #tpu.memory_space<vmem>>, vector<16xf32>,
        %add3A_610 = arith.addf %add3A_585, %get3A_609 : vector<16xf32>
        %add3A_611 = arith.constant 368 : i32
        %add3A_612 = arith.addi %mul3A_496, %add3A_611 : i32
        %get3A_613 = arith.index_cast %add3A_612 : i32 to index
        %get3A_614 = tpu.vector_load %arg11[%get3A_613] {strides = array<i32>} : memref<10000xf32, #tpu.memory_space<vmem>>, vector<16xf32>,
        %add3A_615 = arith.addf %add3A_590, %get3A_614 : vector<16xf32>
        %add3A_616 = arith.constant 384 : i32
        %add3A_617 = arith.addi %mul3A_496, %add3A_616 : i32
        %get3A_618 = arith.index_cast %add3A_617 : i32 to index
        %get3A_619 = tpu.vector_load %arg11[%get3A_618] {strides = array<i32>} : memref<10000xf32, #tpu.memory_space<vmem>>, vector<16xf32>,
        %add3A_620 = arith.addf %add3A_595, %get3A_619 : vector<16xf32>
        scf.yield %add3A_600, %add3A_605, %add3A_610, %add3A_615, %add3A_620 : vector<16xf32>, vector<16xf32>, vector<16xf32>, vector<16xf32>, vector<16xf32>
      }
      %scan3A_248 = arith.constant 25 : i32
      %add3A_249 = arith.addf %scan3A_247#0, %scan3A_247#1 : vector<16xf32>
      %add3A_250 = arith.addf %scan3A_247#2, %scan3A_247#3 : vector<16xf32>
      %add3A_251 = arith.addf %add3A_249, %add3A_250 : vector<16xf32>
      %add3A_252 = arith.addf %add3A_251, %scan3A_247#4 : vector<16xf32>
      %add3A_253 = arith.addf %add3A_213, %add3A_252 : vector<16xf32>
      %sub3A_254 = arith.constant 40000 : i32
      %sub3A_255 = vector.broadcast %sub3A_254 : i32 to vector<16xi32>
      %sub3A_256 = arith.subi %gather3A, %sub3A_255 : vector<16xi32>
      %jit3A_257 = arith.constant 0 : i32
      %jit3A_258 = arith.constant 9999 : i32
      %max3A_259 = vector.broadcast %jit3A_257 : i32 to vector<16xi32>
      %max3A_260 = arith.maxsi %max3A_259, %sub3A_256 : vector<16xi32>
      %min3A_261 = vector.broadcast %jit3A_258 : i32 to vector<16xi32>
      %min3A_262 = arith.minsi %min3A_261, %max3A_260 : vector<16xi32>
      %gather3A_263 = tpu.vector_load_idx %arg11[%min3A_262] : memref<10000xf32, #tpu.memory_space<vmem>>[vector<16xi32>], vector<16xf32>,
      %ge3A_264 = arith.constant 40000 : i32
      %ge3A_265 = vector.broadcast %ge3A_264 : i32 to vector<16xi32>
      %ge3A_266 = arith.cmpi sge, %gather3A, %ge3A_265 : vector<16xi32>
      %lt3A_267 = arith.constant 50000 : i32
      %lt3A_268 = vector.broadcast %lt3A_267 : i32 to vector<16xi32>
      %lt3A_269 = arith.cmpi slt, %gather3A, %lt3A_268 : vector<16xi32>
      %and3A_270 = arith.andi %ge3A_266, %lt3A_269 : vector<16xi1>
      %select_n3A_271 = arith.select %and3A_270, %gather3A_263, %select_n3A_231 : vector<16xi1>, vector<16xf32>
      %lt3A_272 = arith.constant 31 : i32
      %lt3A_273 = arith.cmpi slt, %scan3A_78, %lt3A_272 : i32
      %convert_element_type3A_274 = arith.extui %lt3A_273 : i1 to i32
      %cond3A_275 = arith.constant 0 : i32
      %cond3A_276 = arith.cmpi ne, %convert_element_type3A_274, %cond3A_275 : i32
      scf.if %cond3A_276 {
        %add3A_489 = arith.constant 1 : i32
        %add3A_490 = arith.addi %add3A_81, %add3A_489 : i32
        %mul3A_491 = arith.constant 100000 : i32
        %mul3A_492 = arith.muli %add3A_490, %mul3A_491 : i32
        %add3A_493 = arith.constant 40000 : i32
        %add3A_494 = arith.addi %mul3A_492, %add3A_493 : i32
        %dma_start3A_495 = tpu.memref_slice %arg2[%add3A_494] : memref<102400000xf32, #tpu.memory_space<hbm>> -> memref<10000xf32, #tpu.memory_space<hbm>>
        %dma_start3A_496 = tpu.memref_slice %arg2[%add3A_494] : memref<102400000xf32, #tpu.memory_space<hbm>> -> memref<10000xf32, #tpu.memory_space<hbm>>
        tpu.enqueue_dma source(%dma_start3A_496 : memref<10000xf32, #tpu.memory_space<hbm>>) target(%arg11 : memref<10000xf32, #tpu.memory_space<vmem>>) target_semaphore(%arg21 : memref<!tpu.dma_semaphore, #tpu.memory_space<semaphore_mem>>)
      } else {
      }
      %dma_wait3A_277 = arith.constant 0 : i32
      %dma_wait3A_278 = tpu.memref_slice %arg2[%dma_wait3A_277] : memref<102400000xf32, #tpu.memory_space<hbm>> -> memref<10000xf32, #tpu.memory_space<hbm>>
      %dma_wait3A_279 = arith.constant 0 : i32
      %dma_wait3A_280 = tpu.memref_slice %arg2[%dma_wait3A_279] : memref<102400000xf32, #tpu.memory_space<hbm>> -> memref<10000xf32, #tpu.memory_space<hbm>>
      tpu.wait_dma2 semaphore(%arg22 : memref<!tpu.dma_semaphore, #tpu.memory_space<semaphore_mem>>) src(%dma_wait3A_280 : memref<10000xf32, #tpu.memory_space<hbm>>) dst(%arg12 : memref<10000xf32, #tpu.memory_space<vmem>>)
      %broadcast_in_dim3A_281 = arith.constant 0.000000e+00 : f32
      %broadcast_in_dim3A_282 = vector.broadcast %broadcast_in_dim3A_281 : f32 to vector<16xf32>
      %scan3A_283 = arith.constant 0 : i32
      %scan3A_284 = arith.constant 25 : i32
      %scan3A_285 = arith.addi %scan3A_283, %scan3A_284 : i32
      %scan3A_286 = arith.constant 1 : i32
      %scan3A_287:5 = scf.for %scan3A_489 = %scan3A_283 to %scan3A_285 step %scan3A_286 iter_args(%scan3A_490 = %broadcast_in_dim3A_282, %scan3A_491 = %broadcast_in_dim3A_282, %scan3A_492 = %broadcast_in_dim3A_282, %scan3A_493 = %broadcast_in_dim3A_282, %scan3A_494 = %broadcast_in_dim3A_282) -> (vector<16xf32>, vector<16xf32>, vector<16xf32>, vector<16xf32>, vector<16xf32>)  : i32 {
        %mul3A_495 = arith.constant 400 : i32
        %mul3A_496 = arith.muli %scan3A_489, %mul3A_495 : i32
        %add3A_497 = arith.constant 0 : i32
        %add3A_498 = arith.addi %mul3A_496, %add3A_497 : i32
        %get3A = arith.index_cast %add3A_498 : i32 to index
        %get3A_499 = tpu.vector_load %arg12[%get3A] {strides = array<i32>} : memref<10000xf32, #tpu.memory_space<vmem>>, vector<16xf32>,
        %add3A_500 = arith.addf %scan3A_490, %get3A_499 : vector<16xf32>
        %add3A_501 = arith.constant 16 : i32
        %add3A_502 = arith.addi %mul3A_496, %add3A_501 : i32
        %get3A_503 = arith.index_cast %add3A_502 : i32 to index
        %get3A_504 = tpu.vector_load %arg12[%get3A_503] {strides = array<i32>} : memref<10000xf32, #tpu.memory_space<vmem>>, vector<16xf32>,
        %add3A_505 = arith.addf %scan3A_491, %get3A_504 : vector<16xf32>
        %add3A_506 = arith.constant 32 : i32
        %add3A_507 = arith.addi %mul3A_496, %add3A_506 : i32
        %get3A_508 = arith.index_cast %add3A_507 : i32 to index
        %get3A_509 = tpu.vector_load %arg12[%get3A_508] {strides = array<i32>} : memref<10000xf32, #tpu.memory_space<vmem>>, vector<16xf32>,
        %add3A_510 = arith.addf %scan3A_492, %get3A_509 : vector<16xf32>
        %add3A_511 = arith.constant 48 : i32
        %add3A_512 = arith.addi %mul3A_496, %add3A_511 : i32
        %get3A_513 = arith.index_cast %add3A_512 : i32 to index
        %get3A_514 = tpu.vector_load %arg12[%get3A_513] {strides = array<i32>} : memref<10000xf32, #tpu.memory_space<vmem>>, vector<16xf32>,
        %add3A_515 = arith.addf %scan3A_493, %get3A_514 : vector<16xf32>
        %add3A_516 = arith.constant 64 : i32
        %add3A_517 = arith.addi %mul3A_496, %add3A_516 : i32
        %get3A_518 = arith.index_cast %add3A_517 : i32 to index
        %get3A_519 = tpu.vector_load %arg12[%get3A_518] {strides = array<i32>} : memref<10000xf32, #tpu.memory_space<vmem>>, vector<16xf32>,
        %add3A_520 = arith.addf %scan3A_494, %get3A_519 : vector<16xf32>
        %add3A_521 = arith.constant 80 : i32
        %add3A_522 = arith.addi %mul3A_496, %add3A_521 : i32
        %get3A_523 = arith.index_cast %add3A_522 : i32 to index
        %get3A_524 = tpu.vector_load %arg12[%get3A_523] {strides = array<i32>} : memref<10000xf32, #tpu.memory_space<vmem>>, vector<16xf32>,
        %add3A_525 = arith.addf %add3A_500, %get3A_524 : vector<16xf32>
        %add3A_526 = arith.constant 96 : i32
        %add3A_527 = arith.addi %mul3A_496, %add3A_526 : i32
        %get3A_528 = arith.index_cast %add3A_527 : i32 to index
        %get3A_529 = tpu.vector_load %arg12[%get3A_528] {strides = array<i32>} : memref<10000xf32, #tpu.memory_space<vmem>>, vector<16xf32>,
        %add3A_530 = arith.addf %add3A_505, %get3A_529 : vector<16xf32>
        %add3A_531 = arith.constant 112 : i32
        %add3A_532 = arith.addi %mul3A_496, %add3A_531 : i32
        %get3A_533 = arith.index_cast %add3A_532 : i32 to index
        %get3A_534 = tpu.vector_load %arg12[%get3A_533] {strides = array<i32>} : memref<10000xf32, #tpu.memory_space<vmem>>, vector<16xf32>,
        %add3A_535 = arith.addf %add3A_510, %get3A_534 : vector<16xf32>
        %add3A_536 = arith.constant 128 : i32
        %add3A_537 = arith.addi %mul3A_496, %add3A_536 : i32
        %get3A_538 = arith.index_cast %add3A_537 : i32 to index
        %get3A_539 = tpu.vector_load %arg12[%get3A_538] {strides = array<i32>} : memref<10000xf32, #tpu.memory_space<vmem>>, vector<16xf32>,
        %add3A_540 = arith.addf %add3A_515, %get3A_539 : vector<16xf32>
        %add3A_541 = arith.constant 144 : i32
        %add3A_542 = arith.addi %mul3A_496, %add3A_541 : i32
        %get3A_543 = arith.index_cast %add3A_542 : i32 to index
        %get3A_544 = tpu.vector_load %arg12[%get3A_543] {strides = array<i32>} : memref<10000xf32, #tpu.memory_space<vmem>>, vector<16xf32>,
        %add3A_545 = arith.addf %add3A_520, %get3A_544 : vector<16xf32>
        %add3A_546 = arith.constant 160 : i32
        %add3A_547 = arith.addi %mul3A_496, %add3A_546 : i32
        %get3A_548 = arith.index_cast %add3A_547 : i32 to index
        %get3A_549 = tpu.vector_load %arg12[%get3A_548] {strides = array<i32>} : memref<10000xf32, #tpu.memory_space<vmem>>, vector<16xf32>,
        %add3A_550 = arith.addf %add3A_525, %get3A_549 : vector<16xf32>
        %add3A_551 = arith.constant 176 : i32
        %add3A_552 = arith.addi %mul3A_496, %add3A_551 : i32
        %get3A_553 = arith.index_cast %add3A_552 : i32 to index
        %get3A_554 = tpu.vector_load %arg12[%get3A_553] {strides = array<i32>} : memref<10000xf32, #tpu.memory_space<vmem>>, vector<16xf32>,
        %add3A_555 = arith.addf %add3A_530, %get3A_554 : vector<16xf32>
        %add3A_556 = arith.constant 192 : i32
        %add3A_557 = arith.addi %mul3A_496, %add3A_556 : i32
        %get3A_558 = arith.index_cast %add3A_557 : i32 to index
        %get3A_559 = tpu.vector_load %arg12[%get3A_558] {strides = array<i32>} : memref<10000xf32, #tpu.memory_space<vmem>>, vector<16xf32>,
        %add3A_560 = arith.addf %add3A_535, %get3A_559 : vector<16xf32>
        %add3A_561 = arith.constant 208 : i32
        %add3A_562 = arith.addi %mul3A_496, %add3A_561 : i32
        %get3A_563 = arith.index_cast %add3A_562 : i32 to index
        %get3A_564 = tpu.vector_load %arg12[%get3A_563] {strides = array<i32>} : memref<10000xf32, #tpu.memory_space<vmem>>, vector<16xf32>,
        %add3A_565 = arith.addf %add3A_540, %get3A_564 : vector<16xf32>
        %add3A_566 = arith.constant 224 : i32
        %add3A_567 = arith.addi %mul3A_496, %add3A_566 : i32
        %get3A_568 = arith.index_cast %add3A_567 : i32 to index
        %get3A_569 = tpu.vector_load %arg12[%get3A_568] {strides = array<i32>} : memref<10000xf32, #tpu.memory_space<vmem>>, vector<16xf32>,
        %add3A_570 = arith.addf %add3A_545, %get3A_569 : vector<16xf32>
        %add3A_571 = arith.constant 240 : i32
        %add3A_572 = arith.addi %mul3A_496, %add3A_571 : i32
        %get3A_573 = arith.index_cast %add3A_572 : i32 to index
        %get3A_574 = tpu.vector_load %arg12[%get3A_573] {strides = array<i32>} : memref<10000xf32, #tpu.memory_space<vmem>>, vector<16xf32>,
        %add3A_575 = arith.addf %add3A_550, %get3A_574 : vector<16xf32>
        %add3A_576 = arith.constant 256 : i32
        %add3A_577 = arith.addi %mul3A_496, %add3A_576 : i32
        %get3A_578 = arith.index_cast %add3A_577 : i32 to index
        %get3A_579 = tpu.vector_load %arg12[%get3A_578] {strides = array<i32>} : memref<10000xf32, #tpu.memory_space<vmem>>, vector<16xf32>,
        %add3A_580 = arith.addf %add3A_555, %get3A_579 : vector<16xf32>
        %add3A_581 = arith.constant 272 : i32
        %add3A_582 = arith.addi %mul3A_496, %add3A_581 : i32
        %get3A_583 = arith.index_cast %add3A_582 : i32 to index
        %get3A_584 = tpu.vector_load %arg12[%get3A_583] {strides = array<i32>} : memref<10000xf32, #tpu.memory_space<vmem>>, vector<16xf32>,
        %add3A_585 = arith.addf %add3A_560, %get3A_584 : vector<16xf32>
        %add3A_586 = arith.constant 288 : i32
        %add3A_587 = arith.addi %mul3A_496, %add3A_586 : i32
        %get3A_588 = arith.index_cast %add3A_587 : i32 to index
        %get3A_589 = tpu.vector_load %arg12[%get3A_588] {strides = array<i32>} : memref<10000xf32, #tpu.memory_space<vmem>>, vector<16xf32>,
        %add3A_590 = arith.addf %add3A_565, %get3A_589 : vector<16xf32>
        %add3A_591 = arith.constant 304 : i32
        %add3A_592 = arith.addi %mul3A_496, %add3A_591 : i32
        %get3A_593 = arith.index_cast %add3A_592 : i32 to index
        %get3A_594 = tpu.vector_load %arg12[%get3A_593] {strides = array<i32>} : memref<10000xf32, #tpu.memory_space<vmem>>, vector<16xf32>,
        %add3A_595 = arith.addf %add3A_570, %get3A_594 : vector<16xf32>
        %add3A_596 = arith.constant 320 : i32
        %add3A_597 = arith.addi %mul3A_496, %add3A_596 : i32
        %get3A_598 = arith.index_cast %add3A_597 : i32 to index
        %get3A_599 = tpu.vector_load %arg12[%get3A_598] {strides = array<i32>} : memref<10000xf32, #tpu.memory_space<vmem>>, vector<16xf32>,
        %add3A_600 = arith.addf %add3A_575, %get3A_599 : vector<16xf32>
        %add3A_601 = arith.constant 336 : i32
        %add3A_602 = arith.addi %mul3A_496, %add3A_601 : i32
        %get3A_603 = arith.index_cast %add3A_602 : i32 to index
        %get3A_604 = tpu.vector_load %arg12[%get3A_603] {strides = array<i32>} : memref<10000xf32, #tpu.memory_space<vmem>>, vector<16xf32>,
        %add3A_605 = arith.addf %add3A_580, %get3A_604 : vector<16xf32>
        %add3A_606 = arith.constant 352 : i32
        %add3A_607 = arith.addi %mul3A_496, %add3A_606 : i32
        %get3A_608 = arith.index_cast %add3A_607 : i32 to index
        %get3A_609 = tpu.vector_load %arg12[%get3A_608] {strides = array<i32>} : memref<10000xf32, #tpu.memory_space<vmem>>, vector<16xf32>,
        %add3A_610 = arith.addf %add3A_585, %get3A_609 : vector<16xf32>
        %add3A_611 = arith.constant 368 : i32
        %add3A_612 = arith.addi %mul3A_496, %add3A_611 : i32
        %get3A_613 = arith.index_cast %add3A_612 : i32 to index
        %get3A_614 = tpu.vector_load %arg12[%get3A_613] {strides = array<i32>} : memref<10000xf32, #tpu.memory_space<vmem>>, vector<16xf32>,
        %add3A_615 = arith.addf %add3A_590, %get3A_614 : vector<16xf32>
        %add3A_616 = arith.constant 384 : i32
        %add3A_617 = arith.addi %mul3A_496, %add3A_616 : i32
        %get3A_618 = arith.index_cast %add3A_617 : i32 to index
        %get3A_619 = tpu.vector_load %arg12[%get3A_618] {strides = array<i32>} : memref<10000xf32, #tpu.memory_space<vmem>>, vector<16xf32>,
        %add3A_620 = arith.addf %add3A_595, %get3A_619 : vector<16xf32>
        scf.yield %add3A_600, %add3A_605, %add3A_610, %add3A_615, %add3A_620 : vector<16xf32>, vector<16xf32>, vector<16xf32>, vector<16xf32>, vector<16xf32>
      }
      %scan3A_288 = arith.constant 25 : i32
      %add3A_289 = arith.addf %scan3A_287#0, %scan3A_287#1 : vector<16xf32>
      %add3A_290 = arith.addf %scan3A_287#2, %scan3A_287#3 : vector<16xf32>
      %add3A_291 = arith.addf %add3A_289, %add3A_290 : vector<16xf32>
      %add3A_292 = arith.addf %add3A_291, %scan3A_287#4 : vector<16xf32>
      %add3A_293 = arith.addf %add3A_253, %add3A_292 : vector<16xf32>
      %sub3A_294 = arith.constant 50000 : i32
      %sub3A_295 = vector.broadcast %sub3A_294 : i32 to vector<16xi32>
      %sub3A_296 = arith.subi %gather3A, %sub3A_295 : vector<16xi32>
      %jit3A_297 = arith.constant 0 : i32
      %jit3A_298 = arith.constant 9999 : i32
      %max3A_299 = vector.broadcast %jit3A_297 : i32 to vector<16xi32>
      %max3A_300 = arith.maxsi %max3A_299, %sub3A_296 : vector<16xi32>
      %min3A_301 = vector.broadcast %jit3A_298 : i32 to vector<16xi32>
      %min3A_302 = arith.minsi %min3A_301, %max3A_300 : vector<16xi32>
      %gather3A_303 = tpu.vector_load_idx %arg12[%min3A_302] : memref<10000xf32, #tpu.memory_space<vmem>>[vector<16xi32>], vector<16xf32>,
      %ge3A_304 = arith.constant 50000 : i32
      %ge3A_305 = vector.broadcast %ge3A_304 : i32 to vector<16xi32>
      %ge3A_306 = arith.cmpi sge, %gather3A, %ge3A_305 : vector<16xi32>
      %lt3A_307 = arith.constant 60000 : i32
      %lt3A_308 = vector.broadcast %lt3A_307 : i32 to vector<16xi32>
      %lt3A_309 = arith.cmpi slt, %gather3A, %lt3A_308 : vector<16xi32>
      %and3A_310 = arith.andi %ge3A_306, %lt3A_309 : vector<16xi1>
      %select_n3A_311 = arith.select %and3A_310, %gather3A_303, %select_n3A_271 : vector<16xi1>, vector<16xf32>
      %lt3A_312 = arith.constant 31 : i32
      %lt3A_313 = arith.cmpi slt, %scan3A_78, %lt3A_312 : i32
      %convert_element_type3A_314 = arith.extui %lt3A_313 : i1 to i32
      %cond3A_315 = arith.constant 0 : i32
      %cond3A_316 = arith.cmpi ne, %convert_element_type3A_314, %cond3A_315 : i32
      scf.if %cond3A_316 {
        %add3A_489 = arith.constant 1 : i32
        %add3A_490 = arith.addi %add3A_81, %add3A_489 : i32
        %mul3A_491 = arith.constant 100000 : i32
        %mul3A_492 = arith.muli %add3A_490, %mul3A_491 : i32
        %add3A_493 = arith.constant 50000 : i32
        %add3A_494 = arith.addi %mul3A_492, %add3A_493 : i32
        %dma_start3A_495 = tpu.memref_slice %arg2[%add3A_494] : memref<102400000xf32, #tpu.memory_space<hbm>> -> memref<10000xf32, #tpu.memory_space<hbm>>
        %dma_start3A_496 = tpu.memref_slice %arg2[%add3A_494] : memref<102400000xf32, #tpu.memory_space<hbm>> -> memref<10000xf32, #tpu.memory_space<hbm>>
        tpu.enqueue_dma source(%dma_start3A_496 : memref<10000xf32, #tpu.memory_space<hbm>>) target(%arg12 : memref<10000xf32, #tpu.memory_space<vmem>>) target_semaphore(%arg22 : memref<!tpu.dma_semaphore, #tpu.memory_space<semaphore_mem>>)
      } else {
      }
      %dma_wait3A_317 = arith.constant 0 : i32
      %dma_wait3A_318 = tpu.memref_slice %arg2[%dma_wait3A_317] : memref<102400000xf32, #tpu.memory_space<hbm>> -> memref<10000xf32, #tpu.memory_space<hbm>>
      %dma_wait3A_319 = arith.constant 0 : i32
      %dma_wait3A_320 = tpu.memref_slice %arg2[%dma_wait3A_319] : memref<102400000xf32, #tpu.memory_space<hbm>> -> memref<10000xf32, #tpu.memory_space<hbm>>
      tpu.wait_dma2 semaphore(%arg23 : memref<!tpu.dma_semaphore, #tpu.memory_space<semaphore_mem>>) src(%dma_wait3A_320 : memref<10000xf32, #tpu.memory_space<hbm>>) dst(%arg13 : memref<10000xf32, #tpu.memory_space<vmem>>)
      %broadcast_in_dim3A_321 = arith.constant 0.000000e+00 : f32
      %broadcast_in_dim3A_322 = vector.broadcast %broadcast_in_dim3A_321 : f32 to vector<16xf32>
      %scan3A_323 = arith.constant 0 : i32
      %scan3A_324 = arith.constant 25 : i32
      %scan3A_325 = arith.addi %scan3A_323, %scan3A_324 : i32
      %scan3A_326 = arith.constant 1 : i32
      %scan3A_327:5 = scf.for %scan3A_489 = %scan3A_323 to %scan3A_325 step %scan3A_326 iter_args(%scan3A_490 = %broadcast_in_dim3A_322, %scan3A_491 = %broadcast_in_dim3A_322, %scan3A_492 = %broadcast_in_dim3A_322, %scan3A_493 = %broadcast_in_dim3A_322, %scan3A_494 = %broadcast_in_dim3A_322) -> (vector<16xf32>, vector<16xf32>, vector<16xf32>, vector<16xf32>, vector<16xf32>)  : i32 {
        %mul3A_495 = arith.constant 400 : i32
        %mul3A_496 = arith.muli %scan3A_489, %mul3A_495 : i32
        %add3A_497 = arith.constant 0 : i32
        %add3A_498 = arith.addi %mul3A_496, %add3A_497 : i32
        %get3A = arith.index_cast %add3A_498 : i32 to index
        %get3A_499 = tpu.vector_load %arg13[%get3A] {strides = array<i32>} : memref<10000xf32, #tpu.memory_space<vmem>>, vector<16xf32>,
        %add3A_500 = arith.addf %scan3A_490, %get3A_499 : vector<16xf32>
        %add3A_501 = arith.constant 16 : i32
        %add3A_502 = arith.addi %mul3A_496, %add3A_501 : i32
        %get3A_503 = arith.index_cast %add3A_502 : i32 to index
        %get3A_504 = tpu.vector_load %arg13[%get3A_503] {strides = array<i32>} : memref<10000xf32, #tpu.memory_space<vmem>>, vector<16xf32>,
        %add3A_505 = arith.addf %scan3A_491, %get3A_504 : vector<16xf32>
        %add3A_506 = arith.constant 32 : i32
        %add3A_507 = arith.addi %mul3A_496, %add3A_506 : i32
        %get3A_508 = arith.index_cast %add3A_507 : i32 to index
        %get3A_509 = tpu.vector_load %arg13[%get3A_508] {strides = array<i32>} : memref<10000xf32, #tpu.memory_space<vmem>>, vector<16xf32>,
        %add3A_510 = arith.addf %scan3A_492, %get3A_509 : vector<16xf32>
        %add3A_511 = arith.constant 48 : i32
        %add3A_512 = arith.addi %mul3A_496, %add3A_511 : i32
        %get3A_513 = arith.index_cast %add3A_512 : i32 to index
        %get3A_514 = tpu.vector_load %arg13[%get3A_513] {strides = array<i32>} : memref<10000xf32, #tpu.memory_space<vmem>>, vector<16xf32>,
        %add3A_515 = arith.addf %scan3A_493, %get3A_514 : vector<16xf32>
        %add3A_516 = arith.constant 64 : i32
        %add3A_517 = arith.addi %mul3A_496, %add3A_516 : i32
        %get3A_518 = arith.index_cast %add3A_517 : i32 to index
        %get3A_519 = tpu.vector_load %arg13[%get3A_518] {strides = array<i32>} : memref<10000xf32, #tpu.memory_space<vmem>>, vector<16xf32>,
        %add3A_520 = arith.addf %scan3A_494, %get3A_519 : vector<16xf32>
        %add3A_521 = arith.constant 80 : i32
        %add3A_522 = arith.addi %mul3A_496, %add3A_521 : i32
        %get3A_523 = arith.index_cast %add3A_522 : i32 to index
        %get3A_524 = tpu.vector_load %arg13[%get3A_523] {strides = array<i32>} : memref<10000xf32, #tpu.memory_space<vmem>>, vector<16xf32>,
        %add3A_525 = arith.addf %add3A_500, %get3A_524 : vector<16xf32>
        %add3A_526 = arith.constant 96 : i32
        %add3A_527 = arith.addi %mul3A_496, %add3A_526 : i32
        %get3A_528 = arith.index_cast %add3A_527 : i32 to index
        %get3A_529 = tpu.vector_load %arg13[%get3A_528] {strides = array<i32>} : memref<10000xf32, #tpu.memory_space<vmem>>, vector<16xf32>,
        %add3A_530 = arith.addf %add3A_505, %get3A_529 : vector<16xf32>
        %add3A_531 = arith.constant 112 : i32
        %add3A_532 = arith.addi %mul3A_496, %add3A_531 : i32
        %get3A_533 = arith.index_cast %add3A_532 : i32 to index
        %get3A_534 = tpu.vector_load %arg13[%get3A_533] {strides = array<i32>} : memref<10000xf32, #tpu.memory_space<vmem>>, vector<16xf32>,
        %add3A_535 = arith.addf %add3A_510, %get3A_534 : vector<16xf32>
        %add3A_536 = arith.constant 128 : i32
        %add3A_537 = arith.addi %mul3A_496, %add3A_536 : i32
        %get3A_538 = arith.index_cast %add3A_537 : i32 to index
        %get3A_539 = tpu.vector_load %arg13[%get3A_538] {strides = array<i32>} : memref<10000xf32, #tpu.memory_space<vmem>>, vector<16xf32>,
        %add3A_540 = arith.addf %add3A_515, %get3A_539 : vector<16xf32>
        %add3A_541 = arith.constant 144 : i32
        %add3A_542 = arith.addi %mul3A_496, %add3A_541 : i32
        %get3A_543 = arith.index_cast %add3A_542 : i32 to index
        %get3A_544 = tpu.vector_load %arg13[%get3A_543] {strides = array<i32>} : memref<10000xf32, #tpu.memory_space<vmem>>, vector<16xf32>,
        %add3A_545 = arith.addf %add3A_520, %get3A_544 : vector<16xf32>
        %add3A_546 = arith.constant 160 : i32
        %add3A_547 = arith.addi %mul3A_496, %add3A_546 : i32
        %get3A_548 = arith.index_cast %add3A_547 : i32 to index
        %get3A_549 = tpu.vector_load %arg13[%get3A_548] {strides = array<i32>} : memref<10000xf32, #tpu.memory_space<vmem>>, vector<16xf32>,
        %add3A_550 = arith.addf %add3A_525, %get3A_549 : vector<16xf32>
        %add3A_551 = arith.constant 176 : i32
        %add3A_552 = arith.addi %mul3A_496, %add3A_551 : i32
        %get3A_553 = arith.index_cast %add3A_552 : i32 to index
        %get3A_554 = tpu.vector_load %arg13[%get3A_553] {strides = array<i32>} : memref<10000xf32, #tpu.memory_space<vmem>>, vector<16xf32>,
        %add3A_555 = arith.addf %add3A_530, %get3A_554 : vector<16xf32>
        %add3A_556 = arith.constant 192 : i32
        %add3A_557 = arith.addi %mul3A_496, %add3A_556 : i32
        %get3A_558 = arith.index_cast %add3A_557 : i32 to index
        %get3A_559 = tpu.vector_load %arg13[%get3A_558] {strides = array<i32>} : memref<10000xf32, #tpu.memory_space<vmem>>, vector<16xf32>,
        %add3A_560 = arith.addf %add3A_535, %get3A_559 : vector<16xf32>
        %add3A_561 = arith.constant 208 : i32
        %add3A_562 = arith.addi %mul3A_496, %add3A_561 : i32
        %get3A_563 = arith.index_cast %add3A_562 : i32 to index
        %get3A_564 = tpu.vector_load %arg13[%get3A_563] {strides = array<i32>} : memref<10000xf32, #tpu.memory_space<vmem>>, vector<16xf32>,
        %add3A_565 = arith.addf %add3A_540, %get3A_564 : vector<16xf32>
        %add3A_566 = arith.constant 224 : i32
        %add3A_567 = arith.addi %mul3A_496, %add3A_566 : i32
        %get3A_568 = arith.index_cast %add3A_567 : i32 to index
        %get3A_569 = tpu.vector_load %arg13[%get3A_568] {strides = array<i32>} : memref<10000xf32, #tpu.memory_space<vmem>>, vector<16xf32>,
        %add3A_570 = arith.addf %add3A_545, %get3A_569 : vector<16xf32>
        %add3A_571 = arith.constant 240 : i32
        %add3A_572 = arith.addi %mul3A_496, %add3A_571 : i32
        %get3A_573 = arith.index_cast %add3A_572 : i32 to index
        %get3A_574 = tpu.vector_load %arg13[%get3A_573] {strides = array<i32>} : memref<10000xf32, #tpu.memory_space<vmem>>, vector<16xf32>,
        %add3A_575 = arith.addf %add3A_550, %get3A_574 : vector<16xf32>
        %add3A_576 = arith.constant 256 : i32
        %add3A_577 = arith.addi %mul3A_496, %add3A_576 : i32
        %get3A_578 = arith.index_cast %add3A_577 : i32 to index
        %get3A_579 = tpu.vector_load %arg13[%get3A_578] {strides = array<i32>} : memref<10000xf32, #tpu.memory_space<vmem>>, vector<16xf32>,
        %add3A_580 = arith.addf %add3A_555, %get3A_579 : vector<16xf32>
        %add3A_581 = arith.constant 272 : i32
        %add3A_582 = arith.addi %mul3A_496, %add3A_581 : i32
        %get3A_583 = arith.index_cast %add3A_582 : i32 to index
        %get3A_584 = tpu.vector_load %arg13[%get3A_583] {strides = array<i32>} : memref<10000xf32, #tpu.memory_space<vmem>>, vector<16xf32>,
        %add3A_585 = arith.addf %add3A_560, %get3A_584 : vector<16xf32>
        %add3A_586 = arith.constant 288 : i32
        %add3A_587 = arith.addi %mul3A_496, %add3A_586 : i32
        %get3A_588 = arith.index_cast %add3A_587 : i32 to index
        %get3A_589 = tpu.vector_load %arg13[%get3A_588] {strides = array<i32>} : memref<10000xf32, #tpu.memory_space<vmem>>, vector<16xf32>,
        %add3A_590 = arith.addf %add3A_565, %get3A_589 : vector<16xf32>
        %add3A_591 = arith.constant 304 : i32
        %add3A_592 = arith.addi %mul3A_496, %add3A_591 : i32
        %get3A_593 = arith.index_cast %add3A_592 : i32 to index
        %get3A_594 = tpu.vector_load %arg13[%get3A_593] {strides = array<i32>} : memref<10000xf32, #tpu.memory_space<vmem>>, vector<16xf32>,
        %add3A_595 = arith.addf %add3A_570, %get3A_594 : vector<16xf32>
        %add3A_596 = arith.constant 320 : i32
        %add3A_597 = arith.addi %mul3A_496, %add3A_596 : i32
        %get3A_598 = arith.index_cast %add3A_597 : i32 to index
        %get3A_599 = tpu.vector_load %arg13[%get3A_598] {strides = array<i32>} : memref<10000xf32, #tpu.memory_space<vmem>>, vector<16xf32>,
        %add3A_600 = arith.addf %add3A_575, %get3A_599 : vector<16xf32>
        %add3A_601 = arith.constant 336 : i32
        %add3A_602 = arith.addi %mul3A_496, %add3A_601 : i32
        %get3A_603 = arith.index_cast %add3A_602 : i32 to index
        %get3A_604 = tpu.vector_load %arg13[%get3A_603] {strides = array<i32>} : memref<10000xf32, #tpu.memory_space<vmem>>, vector<16xf32>,
        %add3A_605 = arith.addf %add3A_580, %get3A_604 : vector<16xf32>
        %add3A_606 = arith.constant 352 : i32
        %add3A_607 = arith.addi %mul3A_496, %add3A_606 : i32
        %get3A_608 = arith.index_cast %add3A_607 : i32 to index
        %get3A_609 = tpu.vector_load %arg13[%get3A_608] {strides = array<i32>} : memref<10000xf32, #tpu.memory_space<vmem>>, vector<16xf32>,
        %add3A_610 = arith.addf %add3A_585, %get3A_609 : vector<16xf32>
        %add3A_611 = arith.constant 368 : i32
        %add3A_612 = arith.addi %mul3A_496, %add3A_611 : i32
        %get3A_613 = arith.index_cast %add3A_612 : i32 to index
        %get3A_614 = tpu.vector_load %arg13[%get3A_613] {strides = array<i32>} : memref<10000xf32, #tpu.memory_space<vmem>>, vector<16xf32>,
        %add3A_615 = arith.addf %add3A_590, %get3A_614 : vector<16xf32>
        %add3A_616 = arith.constant 384 : i32
        %add3A_617 = arith.addi %mul3A_496, %add3A_616 : i32
        %get3A_618 = arith.index_cast %add3A_617 : i32 to index
        %get3A_619 = tpu.vector_load %arg13[%get3A_618] {strides = array<i32>} : memref<10000xf32, #tpu.memory_space<vmem>>, vector<16xf32>,
        %add3A_620 = arith.addf %add3A_595, %get3A_619 : vector<16xf32>
        scf.yield %add3A_600, %add3A_605, %add3A_610, %add3A_615, %add3A_620 : vector<16xf32>, vector<16xf32>, vector<16xf32>, vector<16xf32>, vector<16xf32>
      }
      %scan3A_328 = arith.constant 25 : i32
      %add3A_329 = arith.addf %scan3A_327#0, %scan3A_327#1 : vector<16xf32>
      %add3A_330 = arith.addf %scan3A_327#2, %scan3A_327#3 : vector<16xf32>
      %add3A_331 = arith.addf %add3A_329, %add3A_330 : vector<16xf32>
      %add3A_332 = arith.addf %add3A_331, %scan3A_327#4 : vector<16xf32>
      %add3A_333 = arith.addf %add3A_293, %add3A_332 : vector<16xf32>
      %sub3A_334 = arith.constant 60000 : i32
      %sub3A_335 = vector.broadcast %sub3A_334 : i32 to vector<16xi32>
      %sub3A_336 = arith.subi %gather3A, %sub3A_335 : vector<16xi32>
      %jit3A_337 = arith.constant 0 : i32
      %jit3A_338 = arith.constant 9999 : i32
      %max3A_339 = vector.broadcast %jit3A_337 : i32 to vector<16xi32>
      %max3A_340 = arith.maxsi %max3A_339, %sub3A_336 : vector<16xi32>
      %min3A_341 = vector.broadcast %jit3A_338 : i32 to vector<16xi32>
      %min3A_342 = arith.minsi %min3A_341, %max3A_340 : vector<16xi32>
      %gather3A_343 = tpu.vector_load_idx %arg13[%min3A_342] : memref<10000xf32, #tpu.memory_space<vmem>>[vector<16xi32>], vector<16xf32>,
      %ge3A_344 = arith.constant 60000 : i32
      %ge3A_345 = vector.broadcast %ge3A_344 : i32 to vector<16xi32>
      %ge3A_346 = arith.cmpi sge, %gather3A, %ge3A_345 : vector<16xi32>
      %lt3A_347 = arith.constant 70000 : i32
      %lt3A_348 = vector.broadcast %lt3A_347 : i32 to vector<16xi32>
      %lt3A_349 = arith.cmpi slt, %gather3A, %lt3A_348 : vector<16xi32>
      %and3A_350 = arith.andi %ge3A_346, %lt3A_349 : vector<16xi1>
      %select_n3A_351 = arith.select %and3A_350, %gather3A_343, %select_n3A_311 : vector<16xi1>, vector<16xf32>
      %lt3A_352 = arith.constant 31 : i32
      %lt3A_353 = arith.cmpi slt, %scan3A_78, %lt3A_352 : i32
      %convert_element_type3A_354 = arith.extui %lt3A_353 : i1 to i32
      %cond3A_355 = arith.constant 0 : i32
      %cond3A_356 = arith.cmpi ne, %convert_element_type3A_354, %cond3A_355 : i32
      scf.if %cond3A_356 {
        %add3A_489 = arith.constant 1 : i32
        %add3A_490 = arith.addi %add3A_81, %add3A_489 : i32
        %mul3A_491 = arith.constant 100000 : i32
        %mul3A_492 = arith.muli %add3A_490, %mul3A_491 : i32
        %add3A_493 = arith.constant 60000 : i32
        %add3A_494 = arith.addi %mul3A_492, %add3A_493 : i32
        %dma_start3A_495 = tpu.memref_slice %arg2[%add3A_494] : memref<102400000xf32, #tpu.memory_space<hbm>> -> memref<10000xf32, #tpu.memory_space<hbm>>
        %dma_start3A_496 = tpu.memref_slice %arg2[%add3A_494] : memref<102400000xf32, #tpu.memory_space<hbm>> -> memref<10000xf32, #tpu.memory_space<hbm>>
        tpu.enqueue_dma source(%dma_start3A_496 : memref<10000xf32, #tpu.memory_space<hbm>>) target(%arg13 : memref<10000xf32, #tpu.memory_space<vmem>>) target_semaphore(%arg23 : memref<!tpu.dma_semaphore, #tpu.memory_space<semaphore_mem>>)
      } else {
      }
      %dma_wait3A_357 = arith.constant 0 : i32
      %dma_wait3A_358 = tpu.memref_slice %arg2[%dma_wait3A_357] : memref<102400000xf32, #tpu.memory_space<hbm>> -> memref<10000xf32, #tpu.memory_space<hbm>>
      %dma_wait3A_359 = arith.constant 0 : i32
      %dma_wait3A_360 = tpu.memref_slice %arg2[%dma_wait3A_359] : memref<102400000xf32, #tpu.memory_space<hbm>> -> memref<10000xf32, #tpu.memory_space<hbm>>
      tpu.wait_dma2 semaphore(%arg24 : memref<!tpu.dma_semaphore, #tpu.memory_space<semaphore_mem>>) src(%dma_wait3A_360 : memref<10000xf32, #tpu.memory_space<hbm>>) dst(%arg14 : memref<10000xf32, #tpu.memory_space<vmem>>)
      %broadcast_in_dim3A_361 = arith.constant 0.000000e+00 : f32
      %broadcast_in_dim3A_362 = vector.broadcast %broadcast_in_dim3A_361 : f32 to vector<16xf32>
      %scan3A_363 = arith.constant 0 : i32
      %scan3A_364 = arith.constant 25 : i32
      %scan3A_365 = arith.addi %scan3A_363, %scan3A_364 : i32
      %scan3A_366 = arith.constant 1 : i32
      %scan3A_367:5 = scf.for %scan3A_489 = %scan3A_363 to %scan3A_365 step %scan3A_366 iter_args(%scan3A_490 = %broadcast_in_dim3A_362, %scan3A_491 = %broadcast_in_dim3A_362, %scan3A_492 = %broadcast_in_dim3A_362, %scan3A_493 = %broadcast_in_dim3A_362, %scan3A_494 = %broadcast_in_dim3A_362) -> (vector<16xf32>, vector<16xf32>, vector<16xf32>, vector<16xf32>, vector<16xf32>)  : i32 {
        %mul3A_495 = arith.constant 400 : i32
        %mul3A_496 = arith.muli %scan3A_489, %mul3A_495 : i32
        %add3A_497 = arith.constant 0 : i32
        %add3A_498 = arith.addi %mul3A_496, %add3A_497 : i32
        %get3A = arith.index_cast %add3A_498 : i32 to index
        %get3A_499 = tpu.vector_load %arg14[%get3A] {strides = array<i32>} : memref<10000xf32, #tpu.memory_space<vmem>>, vector<16xf32>,
        %add3A_500 = arith.addf %scan3A_490, %get3A_499 : vector<16xf32>
        %add3A_501 = arith.constant 16 : i32
        %add3A_502 = arith.addi %mul3A_496, %add3A_501 : i32
        %get3A_503 = arith.index_cast %add3A_502 : i32 to index
        %get3A_504 = tpu.vector_load %arg14[%get3A_503] {strides = array<i32>} : memref<10000xf32, #tpu.memory_space<vmem>>, vector<16xf32>,
        %add3A_505 = arith.addf %scan3A_491, %get3A_504 : vector<16xf32>
        %add3A_506 = arith.constant 32 : i32
        %add3A_507 = arith.addi %mul3A_496, %add3A_506 : i32
        %get3A_508 = arith.index_cast %add3A_507 : i32 to index
        %get3A_509 = tpu.vector_load %arg14[%get3A_508] {strides = array<i32>} : memref<10000xf32, #tpu.memory_space<vmem>>, vector<16xf32>,
        %add3A_510 = arith.addf %scan3A_492, %get3A_509 : vector<16xf32>
        %add3A_511 = arith.constant 48 : i32
        %add3A_512 = arith.addi %mul3A_496, %add3A_511 : i32
        %get3A_513 = arith.index_cast %add3A_512 : i32 to index
        %get3A_514 = tpu.vector_load %arg14[%get3A_513] {strides = array<i32>} : memref<10000xf32, #tpu.memory_space<vmem>>, vector<16xf32>,
        %add3A_515 = arith.addf %scan3A_493, %get3A_514 : vector<16xf32>
        %add3A_516 = arith.constant 64 : i32
        %add3A_517 = arith.addi %mul3A_496, %add3A_516 : i32
        %get3A_518 = arith.index_cast %add3A_517 : i32 to index
        %get3A_519 = tpu.vector_load %arg14[%get3A_518] {strides = array<i32>} : memref<10000xf32, #tpu.memory_space<vmem>>, vector<16xf32>,
        %add3A_520 = arith.addf %scan3A_494, %get3A_519 : vector<16xf32>
        %add3A_521 = arith.constant 80 : i32
        %add3A_522 = arith.addi %mul3A_496, %add3A_521 : i32
        %get3A_523 = arith.index_cast %add3A_522 : i32 to index
        %get3A_524 = tpu.vector_load %arg14[%get3A_523] {strides = array<i32>} : memref<10000xf32, #tpu.memory_space<vmem>>, vector<16xf32>,
        %add3A_525 = arith.addf %add3A_500, %get3A_524 : vector<16xf32>
        %add3A_526 = arith.constant 96 : i32
        %add3A_527 = arith.addi %mul3A_496, %add3A_526 : i32
        %get3A_528 = arith.index_cast %add3A_527 : i32 to index
        %get3A_529 = tpu.vector_load %arg14[%get3A_528] {strides = array<i32>} : memref<10000xf32, #tpu.memory_space<vmem>>, vector<16xf32>,
        %add3A_530 = arith.addf %add3A_505, %get3A_529 : vector<16xf32>
        %add3A_531 = arith.constant 112 : i32
        %add3A_532 = arith.addi %mul3A_496, %add3A_531 : i32
        %get3A_533 = arith.index_cast %add3A_532 : i32 to index
        %get3A_534 = tpu.vector_load %arg14[%get3A_533] {strides = array<i32>} : memref<10000xf32, #tpu.memory_space<vmem>>, vector<16xf32>,
        %add3A_535 = arith.addf %add3A_510, %get3A_534 : vector<16xf32>
        %add3A_536 = arith.constant 128 : i32
        %add3A_537 = arith.addi %mul3A_496, %add3A_536 : i32
        %get3A_538 = arith.index_cast %add3A_537 : i32 to index
        %get3A_539 = tpu.vector_load %arg14[%get3A_538] {strides = array<i32>} : memref<10000xf32, #tpu.memory_space<vmem>>, vector<16xf32>,
        %add3A_540 = arith.addf %add3A_515, %get3A_539 : vector<16xf32>
        %add3A_541 = arith.constant 144 : i32
        %add3A_542 = arith.addi %mul3A_496, %add3A_541 : i32
        %get3A_543 = arith.index_cast %add3A_542 : i32 to index
        %get3A_544 = tpu.vector_load %arg14[%get3A_543] {strides = array<i32>} : memref<10000xf32, #tpu.memory_space<vmem>>, vector<16xf32>,
        %add3A_545 = arith.addf %add3A_520, %get3A_544 : vector<16xf32>
        %add3A_546 = arith.constant 160 : i32
        %add3A_547 = arith.addi %mul3A_496, %add3A_546 : i32
        %get3A_548 = arith.index_cast %add3A_547 : i32 to index
        %get3A_549 = tpu.vector_load %arg14[%get3A_548] {strides = array<i32>} : memref<10000xf32, #tpu.memory_space<vmem>>, vector<16xf32>,
        %add3A_550 = arith.addf %add3A_525, %get3A_549 : vector<16xf32>
        %add3A_551 = arith.constant 176 : i32
        %add3A_552 = arith.addi %mul3A_496, %add3A_551 : i32
        %get3A_553 = arith.index_cast %add3A_552 : i32 to index
        %get3A_554 = tpu.vector_load %arg14[%get3A_553] {strides = array<i32>} : memref<10000xf32, #tpu.memory_space<vmem>>, vector<16xf32>,
        %add3A_555 = arith.addf %add3A_530, %get3A_554 : vector<16xf32>
        %add3A_556 = arith.constant 192 : i32
        %add3A_557 = arith.addi %mul3A_496, %add3A_556 : i32
        %get3A_558 = arith.index_cast %add3A_557 : i32 to index
        %get3A_559 = tpu.vector_load %arg14[%get3A_558] {strides = array<i32>} : memref<10000xf32, #tpu.memory_space<vmem>>, vector<16xf32>,
        %add3A_560 = arith.addf %add3A_535, %get3A_559 : vector<16xf32>
        %add3A_561 = arith.constant 208 : i32
        %add3A_562 = arith.addi %mul3A_496, %add3A_561 : i32
        %get3A_563 = arith.index_cast %add3A_562 : i32 to index
        %get3A_564 = tpu.vector_load %arg14[%get3A_563] {strides = array<i32>} : memref<10000xf32, #tpu.memory_space<vmem>>, vector<16xf32>,
        %add3A_565 = arith.addf %add3A_540, %get3A_564 : vector<16xf32>
        %add3A_566 = arith.constant 224 : i32
        %add3A_567 = arith.addi %mul3A_496, %add3A_566 : i32
        %get3A_568 = arith.index_cast %add3A_567 : i32 to index
        %get3A_569 = tpu.vector_load %arg14[%get3A_568] {strides = array<i32>} : memref<10000xf32, #tpu.memory_space<vmem>>, vector<16xf32>,
        %add3A_570 = arith.addf %add3A_545, %get3A_569 : vector<16xf32>
        %add3A_571 = arith.constant 240 : i32
        %add3A_572 = arith.addi %mul3A_496, %add3A_571 : i32
        %get3A_573 = arith.index_cast %add3A_572 : i32 to index
        %get3A_574 = tpu.vector_load %arg14[%get3A_573] {strides = array<i32>} : memref<10000xf32, #tpu.memory_space<vmem>>, vector<16xf32>,
        %add3A_575 = arith.addf %add3A_550, %get3A_574 : vector<16xf32>
        %add3A_576 = arith.constant 256 : i32
        %add3A_577 = arith.addi %mul3A_496, %add3A_576 : i32
        %get3A_578 = arith.index_cast %add3A_577 : i32 to index
        %get3A_579 = tpu.vector_load %arg14[%get3A_578] {strides = array<i32>} : memref<10000xf32, #tpu.memory_space<vmem>>, vector<16xf32>,
        %add3A_580 = arith.addf %add3A_555, %get3A_579 : vector<16xf32>
        %add3A_581 = arith.constant 272 : i32
        %add3A_582 = arith.addi %mul3A_496, %add3A_581 : i32
        %get3A_583 = arith.index_cast %add3A_582 : i32 to index
        %get3A_584 = tpu.vector_load %arg14[%get3A_583] {strides = array<i32>} : memref<10000xf32, #tpu.memory_space<vmem>>, vector<16xf32>,
        %add3A_585 = arith.addf %add3A_560, %get3A_584 : vector<16xf32>
        %add3A_586 = arith.constant 288 : i32
        %add3A_587 = arith.addi %mul3A_496, %add3A_586 : i32
        %get3A_588 = arith.index_cast %add3A_587 : i32 to index
        %get3A_589 = tpu.vector_load %arg14[%get3A_588] {strides = array<i32>} : memref<10000xf32, #tpu.memory_space<vmem>>, vector<16xf32>,
        %add3A_590 = arith.addf %add3A_565, %get3A_589 : vector<16xf32>
        %add3A_591 = arith.constant 304 : i32
        %add3A_592 = arith.addi %mul3A_496, %add3A_591 : i32
        %get3A_593 = arith.index_cast %add3A_592 : i32 to index
        %get3A_594 = tpu.vector_load %arg14[%get3A_593] {strides = array<i32>} : memref<10000xf32, #tpu.memory_space<vmem>>, vector<16xf32>,
        %add3A_595 = arith.addf %add3A_570, %get3A_594 : vector<16xf32>
        %add3A_596 = arith.constant 320 : i32
        %add3A_597 = arith.addi %mul3A_496, %add3A_596 : i32
        %get3A_598 = arith.index_cast %add3A_597 : i32 to index
        %get3A_599 = tpu.vector_load %arg14[%get3A_598] {strides = array<i32>} : memref<10000xf32, #tpu.memory_space<vmem>>, vector<16xf32>,
        %add3A_600 = arith.addf %add3A_575, %get3A_599 : vector<16xf32>
        %add3A_601 = arith.constant 336 : i32
        %add3A_602 = arith.addi %mul3A_496, %add3A_601 : i32
        %get3A_603 = arith.index_cast %add3A_602 : i32 to index
        %get3A_604 = tpu.vector_load %arg14[%get3A_603] {strides = array<i32>} : memref<10000xf32, #tpu.memory_space<vmem>>, vector<16xf32>,
        %add3A_605 = arith.addf %add3A_580, %get3A_604 : vector<16xf32>
        %add3A_606 = arith.constant 352 : i32
        %add3A_607 = arith.addi %mul3A_496, %add3A_606 : i32
        %get3A_608 = arith.index_cast %add3A_607 : i32 to index
        %get3A_609 = tpu.vector_load %arg14[%get3A_608] {strides = array<i32>} : memref<10000xf32, #tpu.memory_space<vmem>>, vector<16xf32>,
        %add3A_610 = arith.addf %add3A_585, %get3A_609 : vector<16xf32>
        %add3A_611 = arith.constant 368 : i32
        %add3A_612 = arith.addi %mul3A_496, %add3A_611 : i32
        %get3A_613 = arith.index_cast %add3A_612 : i32 to index
        %get3A_614 = tpu.vector_load %arg14[%get3A_613] {strides = array<i32>} : memref<10000xf32, #tpu.memory_space<vmem>>, vector<16xf32>,
        %add3A_615 = arith.addf %add3A_590, %get3A_614 : vector<16xf32>
        %add3A_616 = arith.constant 384 : i32
        %add3A_617 = arith.addi %mul3A_496, %add3A_616 : i32
        %get3A_618 = arith.index_cast %add3A_617 : i32 to index
        %get3A_619 = tpu.vector_load %arg14[%get3A_618] {strides = array<i32>} : memref<10000xf32, #tpu.memory_space<vmem>>, vector<16xf32>,
        %add3A_620 = arith.addf %add3A_595, %get3A_619 : vector<16xf32>
        scf.yield %add3A_600, %add3A_605, %add3A_610, %add3A_615, %add3A_620 : vector<16xf32>, vector<16xf32>, vector<16xf32>, vector<16xf32>, vector<16xf32>
      }
      %scan3A_368 = arith.constant 25 : i32
      %add3A_369 = arith.addf %scan3A_367#0, %scan3A_367#1 : vector<16xf32>
      %add3A_370 = arith.addf %scan3A_367#2, %scan3A_367#3 : vector<16xf32>
      %add3A_371 = arith.addf %add3A_369, %add3A_370 : vector<16xf32>
      %add3A_372 = arith.addf %add3A_371, %scan3A_367#4 : vector<16xf32>
      %add3A_373 = arith.addf %add3A_333, %add3A_372 : vector<16xf32>
      %sub3A_374 = arith.constant 70000 : i32
      %sub3A_375 = vector.broadcast %sub3A_374 : i32 to vector<16xi32>
      %sub3A_376 = arith.subi %gather3A, %sub3A_375 : vector<16xi32>
      %jit3A_377 = arith.constant 0 : i32
      %jit3A_378 = arith.constant 9999 : i32
      %max3A_379 = vector.broadcast %jit3A_377 : i32 to vector<16xi32>
      %max3A_380 = arith.maxsi %max3A_379, %sub3A_376 : vector<16xi32>
      %min3A_381 = vector.broadcast %jit3A_378 : i32 to vector<16xi32>
      %min3A_382 = arith.minsi %min3A_381, %max3A_380 : vector<16xi32>
      %gather3A_383 = tpu.vector_load_idx %arg14[%min3A_382] : memref<10000xf32, #tpu.memory_space<vmem>>[vector<16xi32>], vector<16xf32>,
      %ge3A_384 = arith.constant 70000 : i32
      %ge3A_385 = vector.broadcast %ge3A_384 : i32 to vector<16xi32>
      %ge3A_386 = arith.cmpi sge, %gather3A, %ge3A_385 : vector<16xi32>
      %lt3A_387 = arith.constant 80000 : i32
      %lt3A_388 = vector.broadcast %lt3A_387 : i32 to vector<16xi32>
      %lt3A_389 = arith.cmpi slt, %gather3A, %lt3A_388 : vector<16xi32>
      %and3A_390 = arith.andi %ge3A_386, %lt3A_389 : vector<16xi1>
      %select_n3A_391 = arith.select %and3A_390, %gather3A_383, %select_n3A_351 : vector<16xi1>, vector<16xf32>
      %lt3A_392 = arith.constant 31 : i32
      %lt3A_393 = arith.cmpi slt, %scan3A_78, %lt3A_392 : i32
      %convert_element_type3A_394 = arith.extui %lt3A_393 : i1 to i32
      %cond3A_395 = arith.constant 0 : i32
      %cond3A_396 = arith.cmpi ne, %convert_element_type3A_394, %cond3A_395 : i32
      scf.if %cond3A_396 {
        %add3A_489 = arith.constant 1 : i32
        %add3A_490 = arith.addi %add3A_81, %add3A_489 : i32
        %mul3A_491 = arith.constant 100000 : i32
        %mul3A_492 = arith.muli %add3A_490, %mul3A_491 : i32
        %add3A_493 = arith.constant 70000 : i32
        %add3A_494 = arith.addi %mul3A_492, %add3A_493 : i32
        %dma_start3A_495 = tpu.memref_slice %arg2[%add3A_494] : memref<102400000xf32, #tpu.memory_space<hbm>> -> memref<10000xf32, #tpu.memory_space<hbm>>
        %dma_start3A_496 = tpu.memref_slice %arg2[%add3A_494] : memref<102400000xf32, #tpu.memory_space<hbm>> -> memref<10000xf32, #tpu.memory_space<hbm>>
        tpu.enqueue_dma source(%dma_start3A_496 : memref<10000xf32, #tpu.memory_space<hbm>>) target(%arg14 : memref<10000xf32, #tpu.memory_space<vmem>>) target_semaphore(%arg24 : memref<!tpu.dma_semaphore, #tpu.memory_space<semaphore_mem>>)
      } else {
      }
      %dma_wait3A_397 = arith.constant 0 : i32
      %dma_wait3A_398 = tpu.memref_slice %arg2[%dma_wait3A_397] : memref<102400000xf32, #tpu.memory_space<hbm>> -> memref<10000xf32, #tpu.memory_space<hbm>>
      %dma_wait3A_399 = arith.constant 0 : i32
      %dma_wait3A_400 = tpu.memref_slice %arg2[%dma_wait3A_399] : memref<102400000xf32, #tpu.memory_space<hbm>> -> memref<10000xf32, #tpu.memory_space<hbm>>
      tpu.wait_dma2 semaphore(%arg25 : memref<!tpu.dma_semaphore, #tpu.memory_space<semaphore_mem>>) src(%dma_wait3A_400 : memref<10000xf32, #tpu.memory_space<hbm>>) dst(%arg15 : memref<10000xf32, #tpu.memory_space<vmem>>)
      %broadcast_in_dim3A_401 = arith.constant 0.000000e+00 : f32
      %broadcast_in_dim3A_402 = vector.broadcast %broadcast_in_dim3A_401 : f32 to vector<16xf32>
      %scan3A_403 = arith.constant 0 : i32
      %scan3A_404 = arith.constant 25 : i32
      %scan3A_405 = arith.addi %scan3A_403, %scan3A_404 : i32
      %scan3A_406 = arith.constant 1 : i32
      %scan3A_407:5 = scf.for %scan3A_489 = %scan3A_403 to %scan3A_405 step %scan3A_406 iter_args(%scan3A_490 = %broadcast_in_dim3A_402, %scan3A_491 = %broadcast_in_dim3A_402, %scan3A_492 = %broadcast_in_dim3A_402, %scan3A_493 = %broadcast_in_dim3A_402, %scan3A_494 = %broadcast_in_dim3A_402) -> (vector<16xf32>, vector<16xf32>, vector<16xf32>, vector<16xf32>, vector<16xf32>)  : i32 {
        %mul3A_495 = arith.constant 400 : i32
        %mul3A_496 = arith.muli %scan3A_489, %mul3A_495 : i32
        %add3A_497 = arith.constant 0 : i32
        %add3A_498 = arith.addi %mul3A_496, %add3A_497 : i32
        %get3A = arith.index_cast %add3A_498 : i32 to index
        %get3A_499 = tpu.vector_load %arg15[%get3A] {strides = array<i32>} : memref<10000xf32, #tpu.memory_space<vmem>>, vector<16xf32>,
        %add3A_500 = arith.addf %scan3A_490, %get3A_499 : vector<16xf32>
        %add3A_501 = arith.constant 16 : i32
        %add3A_502 = arith.addi %mul3A_496, %add3A_501 : i32
        %get3A_503 = arith.index_cast %add3A_502 : i32 to index
        %get3A_504 = tpu.vector_load %arg15[%get3A_503] {strides = array<i32>} : memref<10000xf32, #tpu.memory_space<vmem>>, vector<16xf32>,
        %add3A_505 = arith.addf %scan3A_491, %get3A_504 : vector<16xf32>
        %add3A_506 = arith.constant 32 : i32
        %add3A_507 = arith.addi %mul3A_496, %add3A_506 : i32
        %get3A_508 = arith.index_cast %add3A_507 : i32 to index
        %get3A_509 = tpu.vector_load %arg15[%get3A_508] {strides = array<i32>} : memref<10000xf32, #tpu.memory_space<vmem>>, vector<16xf32>,
        %add3A_510 = arith.addf %scan3A_492, %get3A_509 : vector<16xf32>
        %add3A_511 = arith.constant 48 : i32
        %add3A_512 = arith.addi %mul3A_496, %add3A_511 : i32
        %get3A_513 = arith.index_cast %add3A_512 : i32 to index
        %get3A_514 = tpu.vector_load %arg15[%get3A_513] {strides = array<i32>} : memref<10000xf32, #tpu.memory_space<vmem>>, vector<16xf32>,
        %add3A_515 = arith.addf %scan3A_493, %get3A_514 : vector<16xf32>
        %add3A_516 = arith.constant 64 : i32
        %add3A_517 = arith.addi %mul3A_496, %add3A_516 : i32
        %get3A_518 = arith.index_cast %add3A_517 : i32 to index
        %get3A_519 = tpu.vector_load %arg15[%get3A_518] {strides = array<i32>} : memref<10000xf32, #tpu.memory_space<vmem>>, vector<16xf32>,
        %add3A_520 = arith.addf %scan3A_494, %get3A_519 : vector<16xf32>
        %add3A_521 = arith.constant 80 : i32
        %add3A_522 = arith.addi %mul3A_496, %add3A_521 : i32
        %get3A_523 = arith.index_cast %add3A_522 : i32 to index
        %get3A_524 = tpu.vector_load %arg15[%get3A_523] {strides = array<i32>} : memref<10000xf32, #tpu.memory_space<vmem>>, vector<16xf32>,
        %add3A_525 = arith.addf %add3A_500, %get3A_524 : vector<16xf32>
        %add3A_526 = arith.constant 96 : i32
        %add3A_527 = arith.addi %mul3A_496, %add3A_526 : i32
        %get3A_528 = arith.index_cast %add3A_527 : i32 to index
        %get3A_529 = tpu.vector_load %arg15[%get3A_528] {strides = array<i32>} : memref<10000xf32, #tpu.memory_space<vmem>>, vector<16xf32>,
        %add3A_530 = arith.addf %add3A_505, %get3A_529 : vector<16xf32>
        %add3A_531 = arith.constant 112 : i32
        %add3A_532 = arith.addi %mul3A_496, %add3A_531 : i32
        %get3A_533 = arith.index_cast %add3A_532 : i32 to index
        %get3A_534 = tpu.vector_load %arg15[%get3A_533] {strides = array<i32>} : memref<10000xf32, #tpu.memory_space<vmem>>, vector<16xf32>,
        %add3A_535 = arith.addf %add3A_510, %get3A_534 : vector<16xf32>
        %add3A_536 = arith.constant 128 : i32
        %add3A_537 = arith.addi %mul3A_496, %add3A_536 : i32
        %get3A_538 = arith.index_cast %add3A_537 : i32 to index
        %get3A_539 = tpu.vector_load %arg15[%get3A_538] {strides = array<i32>} : memref<10000xf32, #tpu.memory_space<vmem>>, vector<16xf32>,
        %add3A_540 = arith.addf %add3A_515, %get3A_539 : vector<16xf32>
        %add3A_541 = arith.constant 144 : i32
        %add3A_542 = arith.addi %mul3A_496, %add3A_541 : i32
        %get3A_543 = arith.index_cast %add3A_542 : i32 to index
        %get3A_544 = tpu.vector_load %arg15[%get3A_543] {strides = array<i32>} : memref<10000xf32, #tpu.memory_space<vmem>>, vector<16xf32>,
        %add3A_545 = arith.addf %add3A_520, %get3A_544 : vector<16xf32>
        %add3A_546 = arith.constant 160 : i32
        %add3A_547 = arith.addi %mul3A_496, %add3A_546 : i32
        %get3A_548 = arith.index_cast %add3A_547 : i32 to index
        %get3A_549 = tpu.vector_load %arg15[%get3A_548] {strides = array<i32>} : memref<10000xf32, #tpu.memory_space<vmem>>, vector<16xf32>,
        %add3A_550 = arith.addf %add3A_525, %get3A_549 : vector<16xf32>
        %add3A_551 = arith.constant 176 : i32
        %add3A_552 = arith.addi %mul3A_496, %add3A_551 : i32
        %get3A_553 = arith.index_cast %add3A_552 : i32 to index
        %get3A_554 = tpu.vector_load %arg15[%get3A_553] {strides = array<i32>} : memref<10000xf32, #tpu.memory_space<vmem>>, vector<16xf32>,
        %add3A_555 = arith.addf %add3A_530, %get3A_554 : vector<16xf32>
        %add3A_556 = arith.constant 192 : i32
        %add3A_557 = arith.addi %mul3A_496, %add3A_556 : i32
        %get3A_558 = arith.index_cast %add3A_557 : i32 to index
        %get3A_559 = tpu.vector_load %arg15[%get3A_558] {strides = array<i32>} : memref<10000xf32, #tpu.memory_space<vmem>>, vector<16xf32>,
        %add3A_560 = arith.addf %add3A_535, %get3A_559 : vector<16xf32>
        %add3A_561 = arith.constant 208 : i32
        %add3A_562 = arith.addi %mul3A_496, %add3A_561 : i32
        %get3A_563 = arith.index_cast %add3A_562 : i32 to index
        %get3A_564 = tpu.vector_load %arg15[%get3A_563] {strides = array<i32>} : memref<10000xf32, #tpu.memory_space<vmem>>, vector<16xf32>,
        %add3A_565 = arith.addf %add3A_540, %get3A_564 : vector<16xf32>
        %add3A_566 = arith.constant 224 : i32
        %add3A_567 = arith.addi %mul3A_496, %add3A_566 : i32
        %get3A_568 = arith.index_cast %add3A_567 : i32 to index
        %get3A_569 = tpu.vector_load %arg15[%get3A_568] {strides = array<i32>} : memref<10000xf32, #tpu.memory_space<vmem>>, vector<16xf32>,
        %add3A_570 = arith.addf %add3A_545, %get3A_569 : vector<16xf32>
        %add3A_571 = arith.constant 240 : i32
        %add3A_572 = arith.addi %mul3A_496, %add3A_571 : i32
        %get3A_573 = arith.index_cast %add3A_572 : i32 to index
        %get3A_574 = tpu.vector_load %arg15[%get3A_573] {strides = array<i32>} : memref<10000xf32, #tpu.memory_space<vmem>>, vector<16xf32>,
        %add3A_575 = arith.addf %add3A_550, %get3A_574 : vector<16xf32>
        %add3A_576 = arith.constant 256 : i32
        %add3A_577 = arith.addi %mul3A_496, %add3A_576 : i32
        %get3A_578 = arith.index_cast %add3A_577 : i32 to index
        %get3A_579 = tpu.vector_load %arg15[%get3A_578] {strides = array<i32>} : memref<10000xf32, #tpu.memory_space<vmem>>, vector<16xf32>,
        %add3A_580 = arith.addf %add3A_555, %get3A_579 : vector<16xf32>
        %add3A_581 = arith.constant 272 : i32
        %add3A_582 = arith.addi %mul3A_496, %add3A_581 : i32
        %get3A_583 = arith.index_cast %add3A_582 : i32 to index
        %get3A_584 = tpu.vector_load %arg15[%get3A_583] {strides = array<i32>} : memref<10000xf32, #tpu.memory_space<vmem>>, vector<16xf32>,
        %add3A_585 = arith.addf %add3A_560, %get3A_584 : vector<16xf32>
        %add3A_586 = arith.constant 288 : i32
        %add3A_587 = arith.addi %mul3A_496, %add3A_586 : i32
        %get3A_588 = arith.index_cast %add3A_587 : i32 to index
        %get3A_589 = tpu.vector_load %arg15[%get3A_588] {strides = array<i32>} : memref<10000xf32, #tpu.memory_space<vmem>>, vector<16xf32>,
        %add3A_590 = arith.addf %add3A_565, %get3A_589 : vector<16xf32>
        %add3A_591 = arith.constant 304 : i32
        %add3A_592 = arith.addi %mul3A_496, %add3A_591 : i32
        %get3A_593 = arith.index_cast %add3A_592 : i32 to index
        %get3A_594 = tpu.vector_load %arg15[%get3A_593] {strides = array<i32>} : memref<10000xf32, #tpu.memory_space<vmem>>, vector<16xf32>,
        %add3A_595 = arith.addf %add3A_570, %get3A_594 : vector<16xf32>
        %add3A_596 = arith.constant 320 : i32
        %add3A_597 = arith.addi %mul3A_496, %add3A_596 : i32
        %get3A_598 = arith.index_cast %add3A_597 : i32 to index
        %get3A_599 = tpu.vector_load %arg15[%get3A_598] {strides = array<i32>} : memref<10000xf32, #tpu.memory_space<vmem>>, vector<16xf32>,
        %add3A_600 = arith.addf %add3A_575, %get3A_599 : vector<16xf32>
        %add3A_601 = arith.constant 336 : i32
        %add3A_602 = arith.addi %mul3A_496, %add3A_601 : i32
        %get3A_603 = arith.index_cast %add3A_602 : i32 to index
        %get3A_604 = tpu.vector_load %arg15[%get3A_603] {strides = array<i32>} : memref<10000xf32, #tpu.memory_space<vmem>>, vector<16xf32>,
        %add3A_605 = arith.addf %add3A_580, %get3A_604 : vector<16xf32>
        %add3A_606 = arith.constant 352 : i32
        %add3A_607 = arith.addi %mul3A_496, %add3A_606 : i32
        %get3A_608 = arith.index_cast %add3A_607 : i32 to index
        %get3A_609 = tpu.vector_load %arg15[%get3A_608] {strides = array<i32>} : memref<10000xf32, #tpu.memory_space<vmem>>, vector<16xf32>,
        %add3A_610 = arith.addf %add3A_585, %get3A_609 : vector<16xf32>
        %add3A_611 = arith.constant 368 : i32
        %add3A_612 = arith.addi %mul3A_496, %add3A_611 : i32
        %get3A_613 = arith.index_cast %add3A_612 : i32 to index
        %get3A_614 = tpu.vector_load %arg15[%get3A_613] {strides = array<i32>} : memref<10000xf32, #tpu.memory_space<vmem>>, vector<16xf32>,
        %add3A_615 = arith.addf %add3A_590, %get3A_614 : vector<16xf32>
        %add3A_616 = arith.constant 384 : i32
        %add3A_617 = arith.addi %mul3A_496, %add3A_616 : i32
        %get3A_618 = arith.index_cast %add3A_617 : i32 to index
        %get3A_619 = tpu.vector_load %arg15[%get3A_618] {strides = array<i32>} : memref<10000xf32, #tpu.memory_space<vmem>>, vector<16xf32>,
        %add3A_620 = arith.addf %add3A_595, %get3A_619 : vector<16xf32>
        scf.yield %add3A_600, %add3A_605, %add3A_610, %add3A_615, %add3A_620 : vector<16xf32>, vector<16xf32>, vector<16xf32>, vector<16xf32>, vector<16xf32>
      }
      %scan3A_408 = arith.constant 25 : i32
      %add3A_409 = arith.addf %scan3A_407#0, %scan3A_407#1 : vector<16xf32>
      %add3A_410 = arith.addf %scan3A_407#2, %scan3A_407#3 : vector<16xf32>
      %add3A_411 = arith.addf %add3A_409, %add3A_410 : vector<16xf32>
      %add3A_412 = arith.addf %add3A_411, %scan3A_407#4 : vector<16xf32>
      %add3A_413 = arith.addf %add3A_373, %add3A_412 : vector<16xf32>
      %sub3A_414 = arith.constant 80000 : i32
      %sub3A_415 = vector.broadcast %sub3A_414 : i32 to vector<16xi32>
      %sub3A_416 = arith.subi %gather3A, %sub3A_415 : vector<16xi32>
      %jit3A_417 = arith.constant 0 : i32
      %jit3A_418 = arith.constant 9999 : i32
      %max3A_419 = vector.broadcast %jit3A_417 : i32 to vector<16xi32>
      %max3A_420 = arith.maxsi %max3A_419, %sub3A_416 : vector<16xi32>
      %min3A_421 = vector.broadcast %jit3A_418 : i32 to vector<16xi32>
      %min3A_422 = arith.minsi %min3A_421, %max3A_420 : vector<16xi32>
      %gather3A_423 = tpu.vector_load_idx %arg15[%min3A_422] : memref<10000xf32, #tpu.memory_space<vmem>>[vector<16xi32>], vector<16xf32>,
      %ge3A_424 = arith.constant 80000 : i32
      %ge3A_425 = vector.broadcast %ge3A_424 : i32 to vector<16xi32>
      %ge3A_426 = arith.cmpi sge, %gather3A, %ge3A_425 : vector<16xi32>
      %lt3A_427 = arith.constant 90000 : i32
      %lt3A_428 = vector.broadcast %lt3A_427 : i32 to vector<16xi32>
      %lt3A_429 = arith.cmpi slt, %gather3A, %lt3A_428 : vector<16xi32>
      %and3A_430 = arith.andi %ge3A_426, %lt3A_429 : vector<16xi1>
      %select_n3A_431 = arith.select %and3A_430, %gather3A_423, %select_n3A_391 : vector<16xi1>, vector<16xf32>
      %lt3A_432 = arith.constant 31 : i32
      %lt3A_433 = arith.cmpi slt, %scan3A_78, %lt3A_432 : i32
      %convert_element_type3A_434 = arith.extui %lt3A_433 : i1 to i32
      %cond3A_435 = arith.constant 0 : i32
      %cond3A_436 = arith.cmpi ne, %convert_element_type3A_434, %cond3A_435 : i32
      scf.if %cond3A_436 {
        %add3A_489 = arith.constant 1 : i32
        %add3A_490 = arith.addi %add3A_81, %add3A_489 : i32
        %mul3A_491 = arith.constant 100000 : i32
        %mul3A_492 = arith.muli %add3A_490, %mul3A_491 : i32
        %add3A_493 = arith.constant 80000 : i32
        %add3A_494 = arith.addi %mul3A_492, %add3A_493 : i32
        %dma_start3A_495 = tpu.memref_slice %arg2[%add3A_494] : memref<102400000xf32, #tpu.memory_space<hbm>> -> memref<10000xf32, #tpu.memory_space<hbm>>
        %dma_start3A_496 = tpu.memref_slice %arg2[%add3A_494] : memref<102400000xf32, #tpu.memory_space<hbm>> -> memref<10000xf32, #tpu.memory_space<hbm>>
        tpu.enqueue_dma source(%dma_start3A_496 : memref<10000xf32, #tpu.memory_space<hbm>>) target(%arg15 : memref<10000xf32, #tpu.memory_space<vmem>>) target_semaphore(%arg25 : memref<!tpu.dma_semaphore, #tpu.memory_space<semaphore_mem>>)
      } else {
      }
      %dma_wait3A_437 = arith.constant 0 : i32
      %dma_wait3A_438 = tpu.memref_slice %arg2[%dma_wait3A_437] : memref<102400000xf32, #tpu.memory_space<hbm>> -> memref<10000xf32, #tpu.memory_space<hbm>>
      %dma_wait3A_439 = arith.constant 0 : i32
      %dma_wait3A_440 = tpu.memref_slice %arg2[%dma_wait3A_439] : memref<102400000xf32, #tpu.memory_space<hbm>> -> memref<10000xf32, #tpu.memory_space<hbm>>
      tpu.wait_dma2 semaphore(%arg26 : memref<!tpu.dma_semaphore, #tpu.memory_space<semaphore_mem>>) src(%dma_wait3A_440 : memref<10000xf32, #tpu.memory_space<hbm>>) dst(%arg16 : memref<10000xf32, #tpu.memory_space<vmem>>)
      %broadcast_in_dim3A_441 = arith.constant 0.000000e+00 : f32
      %broadcast_in_dim3A_442 = vector.broadcast %broadcast_in_dim3A_441 : f32 to vector<16xf32>
      %scan3A_443 = arith.constant 0 : i32
      %scan3A_444 = arith.constant 25 : i32
      %scan3A_445 = arith.addi %scan3A_443, %scan3A_444 : i32
      %scan3A_446 = arith.constant 1 : i32
      %scan3A_447:5 = scf.for %scan3A_489 = %scan3A_443 to %scan3A_445 step %scan3A_446 iter_args(%scan3A_490 = %broadcast_in_dim3A_442, %scan3A_491 = %broadcast_in_dim3A_442, %scan3A_492 = %broadcast_in_dim3A_442, %scan3A_493 = %broadcast_in_dim3A_442, %scan3A_494 = %broadcast_in_dim3A_442) -> (vector<16xf32>, vector<16xf32>, vector<16xf32>, vector<16xf32>, vector<16xf32>)  : i32 {
        %mul3A_495 = arith.constant 400 : i32
        %mul3A_496 = arith.muli %scan3A_489, %mul3A_495 : i32
        %add3A_497 = arith.constant 0 : i32
        %add3A_498 = arith.addi %mul3A_496, %add3A_497 : i32
        %get3A = arith.index_cast %add3A_498 : i32 to index
        %get3A_499 = tpu.vector_load %arg16[%get3A] {strides = array<i32>} : memref<10000xf32, #tpu.memory_space<vmem>>, vector<16xf32>,
        %add3A_500 = arith.addf %scan3A_490, %get3A_499 : vector<16xf32>
        %add3A_501 = arith.constant 16 : i32
        %add3A_502 = arith.addi %mul3A_496, %add3A_501 : i32
        %get3A_503 = arith.index_cast %add3A_502 : i32 to index
        %get3A_504 = tpu.vector_load %arg16[%get3A_503] {strides = array<i32>} : memref<10000xf32, #tpu.memory_space<vmem>>, vector<16xf32>,
        %add3A_505 = arith.addf %scan3A_491, %get3A_504 : vector<16xf32>
        %add3A_506 = arith.constant 32 : i32
        %add3A_507 = arith.addi %mul3A_496, %add3A_506 : i32
        %get3A_508 = arith.index_cast %add3A_507 : i32 to index
        %get3A_509 = tpu.vector_load %arg16[%get3A_508] {strides = array<i32>} : memref<10000xf32, #tpu.memory_space<vmem>>, vector<16xf32>,
        %add3A_510 = arith.addf %scan3A_492, %get3A_509 : vector<16xf32>
        %add3A_511 = arith.constant 48 : i32
        %add3A_512 = arith.addi %mul3A_496, %add3A_511 : i32
        %get3A_513 = arith.index_cast %add3A_512 : i32 to index
        %get3A_514 = tpu.vector_load %arg16[%get3A_513] {strides = array<i32>} : memref<10000xf32, #tpu.memory_space<vmem>>, vector<16xf32>,
        %add3A_515 = arith.addf %scan3A_493, %get3A_514 : vector<16xf32>
        %add3A_516 = arith.constant 64 : i32
        %add3A_517 = arith.addi %mul3A_496, %add3A_516 : i32
        %get3A_518 = arith.index_cast %add3A_517 : i32 to index
        %get3A_519 = tpu.vector_load %arg16[%get3A_518] {strides = array<i32>} : memref<10000xf32, #tpu.memory_space<vmem>>, vector<16xf32>,
        %add3A_520 = arith.addf %scan3A_494, %get3A_519 : vector<16xf32>
        %add3A_521 = arith.constant 80 : i32
        %add3A_522 = arith.addi %mul3A_496, %add3A_521 : i32
        %get3A_523 = arith.index_cast %add3A_522 : i32 to index
        %get3A_524 = tpu.vector_load %arg16[%get3A_523] {strides = array<i32>} : memref<10000xf32, #tpu.memory_space<vmem>>, vector<16xf32>,
        %add3A_525 = arith.addf %add3A_500, %get3A_524 : vector<16xf32>
        %add3A_526 = arith.constant 96 : i32
        %add3A_527 = arith.addi %mul3A_496, %add3A_526 : i32
        %get3A_528 = arith.index_cast %add3A_527 : i32 to index
        %get3A_529 = tpu.vector_load %arg16[%get3A_528] {strides = array<i32>} : memref<10000xf32, #tpu.memory_space<vmem>>, vector<16xf32>,
        %add3A_530 = arith.addf %add3A_505, %get3A_529 : vector<16xf32>
        %add3A_531 = arith.constant 112 : i32
        %add3A_532 = arith.addi %mul3A_496, %add3A_531 : i32
        %get3A_533 = arith.index_cast %add3A_532 : i32 to index
        %get3A_534 = tpu.vector_load %arg16[%get3A_533] {strides = array<i32>} : memref<10000xf32, #tpu.memory_space<vmem>>, vector<16xf32>,
        %add3A_535 = arith.addf %add3A_510, %get3A_534 : vector<16xf32>
        %add3A_536 = arith.constant 128 : i32
        %add3A_537 = arith.addi %mul3A_496, %add3A_536 : i32
        %get3A_538 = arith.index_cast %add3A_537 : i32 to index
        %get3A_539 = tpu.vector_load %arg16[%get3A_538] {strides = array<i32>} : memref<10000xf32, #tpu.memory_space<vmem>>, vector<16xf32>,
        %add3A_540 = arith.addf %add3A_515, %get3A_539 : vector<16xf32>
        %add3A_541 = arith.constant 144 : i32
        %add3A_542 = arith.addi %mul3A_496, %add3A_541 : i32
        %get3A_543 = arith.index_cast %add3A_542 : i32 to index
        %get3A_544 = tpu.vector_load %arg16[%get3A_543] {strides = array<i32>} : memref<10000xf32, #tpu.memory_space<vmem>>, vector<16xf32>,
        %add3A_545 = arith.addf %add3A_520, %get3A_544 : vector<16xf32>
        %add3A_546 = arith.constant 160 : i32
        %add3A_547 = arith.addi %mul3A_496, %add3A_546 : i32
        %get3A_548 = arith.index_cast %add3A_547 : i32 to index
        %get3A_549 = tpu.vector_load %arg16[%get3A_548] {strides = array<i32>} : memref<10000xf32, #tpu.memory_space<vmem>>, vector<16xf32>,
        %add3A_550 = arith.addf %add3A_525, %get3A_549 : vector<16xf32>
        %add3A_551 = arith.constant 176 : i32
        %add3A_552 = arith.addi %mul3A_496, %add3A_551 : i32
        %get3A_553 = arith.index_cast %add3A_552 : i32 to index
        %get3A_554 = tpu.vector_load %arg16[%get3A_553] {strides = array<i32>} : memref<10000xf32, #tpu.memory_space<vmem>>, vector<16xf32>,
        %add3A_555 = arith.addf %add3A_530, %get3A_554 : vector<16xf32>
        %add3A_556 = arith.constant 192 : i32
        %add3A_557 = arith.addi %mul3A_496, %add3A_556 : i32
        %get3A_558 = arith.index_cast %add3A_557 : i32 to index
        %get3A_559 = tpu.vector_load %arg16[%get3A_558] {strides = array<i32>} : memref<10000xf32, #tpu.memory_space<vmem>>, vector<16xf32>,
        %add3A_560 = arith.addf %add3A_535, %get3A_559 : vector<16xf32>
        %add3A_561 = arith.constant 208 : i32
        %add3A_562 = arith.addi %mul3A_496, %add3A_561 : i32
        %get3A_563 = arith.index_cast %add3A_562 : i32 to index
        %get3A_564 = tpu.vector_load %arg16[%get3A_563] {strides = array<i32>} : memref<10000xf32, #tpu.memory_space<vmem>>, vector<16xf32>,
        %add3A_565 = arith.addf %add3A_540, %get3A_564 : vector<16xf32>
        %add3A_566 = arith.constant 224 : i32
        %add3A_567 = arith.addi %mul3A_496, %add3A_566 : i32
        %get3A_568 = arith.index_cast %add3A_567 : i32 to index
        %get3A_569 = tpu.vector_load %arg16[%get3A_568] {strides = array<i32>} : memref<10000xf32, #tpu.memory_space<vmem>>, vector<16xf32>,
        %add3A_570 = arith.addf %add3A_545, %get3A_569 : vector<16xf32>
        %add3A_571 = arith.constant 240 : i32
        %add3A_572 = arith.addi %mul3A_496, %add3A_571 : i32
        %get3A_573 = arith.index_cast %add3A_572 : i32 to index
        %get3A_574 = tpu.vector_load %arg16[%get3A_573] {strides = array<i32>} : memref<10000xf32, #tpu.memory_space<vmem>>, vector<16xf32>,
        %add3A_575 = arith.addf %add3A_550, %get3A_574 : vector<16xf32>
        %add3A_576 = arith.constant 256 : i32
        %add3A_577 = arith.addi %mul3A_496, %add3A_576 : i32
        %get3A_578 = arith.index_cast %add3A_577 : i32 to index
        %get3A_579 = tpu.vector_load %arg16[%get3A_578] {strides = array<i32>} : memref<10000xf32, #tpu.memory_space<vmem>>, vector<16xf32>,
        %add3A_580 = arith.addf %add3A_555, %get3A_579 : vector<16xf32>
        %add3A_581 = arith.constant 272 : i32
        %add3A_582 = arith.addi %mul3A_496, %add3A_581 : i32
        %get3A_583 = arith.index_cast %add3A_582 : i32 to index
        %get3A_584 = tpu.vector_load %arg16[%get3A_583] {strides = array<i32>} : memref<10000xf32, #tpu.memory_space<vmem>>, vector<16xf32>,
        %add3A_585 = arith.addf %add3A_560, %get3A_584 : vector<16xf32>
        %add3A_586 = arith.constant 288 : i32
        %add3A_587 = arith.addi %mul3A_496, %add3A_586 : i32
        %get3A_588 = arith.index_cast %add3A_587 : i32 to index
        %get3A_589 = tpu.vector_load %arg16[%get3A_588] {strides = array<i32>} : memref<10000xf32, #tpu.memory_space<vmem>>, vector<16xf32>,
        %add3A_590 = arith.addf %add3A_565, %get3A_589 : vector<16xf32>
        %add3A_591 = arith.constant 304 : i32
        %add3A_592 = arith.addi %mul3A_496, %add3A_591 : i32
        %get3A_593 = arith.index_cast %add3A_592 : i32 to index
        %get3A_594 = tpu.vector_load %arg16[%get3A_593] {strides = array<i32>} : memref<10000xf32, #tpu.memory_space<vmem>>, vector<16xf32>,
        %add3A_595 = arith.addf %add3A_570, %get3A_594 : vector<16xf32>
        %add3A_596 = arith.constant 320 : i32
        %add3A_597 = arith.addi %mul3A_496, %add3A_596 : i32
        %get3A_598 = arith.index_cast %add3A_597 : i32 to index
        %get3A_599 = tpu.vector_load %arg16[%get3A_598] {strides = array<i32>} : memref<10000xf32, #tpu.memory_space<vmem>>, vector<16xf32>,
        %add3A_600 = arith.addf %add3A_575, %get3A_599 : vector<16xf32>
        %add3A_601 = arith.constant 336 : i32
        %add3A_602 = arith.addi %mul3A_496, %add3A_601 : i32
        %get3A_603 = arith.index_cast %add3A_602 : i32 to index
        %get3A_604 = tpu.vector_load %arg16[%get3A_603] {strides = array<i32>} : memref<10000xf32, #tpu.memory_space<vmem>>, vector<16xf32>,
        %add3A_605 = arith.addf %add3A_580, %get3A_604 : vector<16xf32>
        %add3A_606 = arith.constant 352 : i32
        %add3A_607 = arith.addi %mul3A_496, %add3A_606 : i32
        %get3A_608 = arith.index_cast %add3A_607 : i32 to index
        %get3A_609 = tpu.vector_load %arg16[%get3A_608] {strides = array<i32>} : memref<10000xf32, #tpu.memory_space<vmem>>, vector<16xf32>,
        %add3A_610 = arith.addf %add3A_585, %get3A_609 : vector<16xf32>
        %add3A_611 = arith.constant 368 : i32
        %add3A_612 = arith.addi %mul3A_496, %add3A_611 : i32
        %get3A_613 = arith.index_cast %add3A_612 : i32 to index
        %get3A_614 = tpu.vector_load %arg16[%get3A_613] {strides = array<i32>} : memref<10000xf32, #tpu.memory_space<vmem>>, vector<16xf32>,
        %add3A_615 = arith.addf %add3A_590, %get3A_614 : vector<16xf32>
        %add3A_616 = arith.constant 384 : i32
        %add3A_617 = arith.addi %mul3A_496, %add3A_616 : i32
        %get3A_618 = arith.index_cast %add3A_617 : i32 to index
        %get3A_619 = tpu.vector_load %arg16[%get3A_618] {strides = array<i32>} : memref<10000xf32, #tpu.memory_space<vmem>>, vector<16xf32>,
        %add3A_620 = arith.addf %add3A_595, %get3A_619 : vector<16xf32>
        scf.yield %add3A_600, %add3A_605, %add3A_610, %add3A_615, %add3A_620 : vector<16xf32>, vector<16xf32>, vector<16xf32>, vector<16xf32>, vector<16xf32>
      }
      %scan3A_448 = arith.constant 25 : i32
      %add3A_449 = arith.addf %scan3A_447#0, %scan3A_447#1 : vector<16xf32>
      %add3A_450 = arith.addf %scan3A_447#2, %scan3A_447#3 : vector<16xf32>
      %add3A_451 = arith.addf %add3A_449, %add3A_450 : vector<16xf32>
      %add3A_452 = arith.addf %add3A_451, %scan3A_447#4 : vector<16xf32>
      %add3A_453 = arith.addf %add3A_413, %add3A_452 : vector<16xf32>
      %sub3A_454 = arith.constant 90000 : i32
      %sub3A_455 = vector.broadcast %sub3A_454 : i32 to vector<16xi32>
      %sub3A_456 = arith.subi %gather3A, %sub3A_455 : vector<16xi32>
      %jit3A_457 = arith.constant 0 : i32
      %jit3A_458 = arith.constant 9999 : i32
      %max3A_459 = vector.broadcast %jit3A_457 : i32 to vector<16xi32>
      %max3A_460 = arith.maxsi %max3A_459, %sub3A_456 : vector<16xi32>
      %min3A_461 = vector.broadcast %jit3A_458 : i32 to vector<16xi32>
      %min3A_462 = arith.minsi %min3A_461, %max3A_460 : vector<16xi32>
      %gather3A_463 = tpu.vector_load_idx %arg16[%min3A_462] : memref<10000xf32, #tpu.memory_space<vmem>>[vector<16xi32>], vector<16xf32>,
      %ge3A_464 = arith.constant 90000 : i32
      %ge3A_465 = vector.broadcast %ge3A_464 : i32 to vector<16xi32>
      %ge3A_466 = arith.cmpi sge, %gather3A, %ge3A_465 : vector<16xi32>
      %lt3A_467 = arith.constant 100000 : i32
      %lt3A_468 = vector.broadcast %lt3A_467 : i32 to vector<16xi32>
      %lt3A_469 = arith.cmpi slt, %gather3A, %lt3A_468 : vector<16xi32>
      %and3A_470 = arith.andi %ge3A_466, %lt3A_469 : vector<16xi1>
      %select_n3A_471 = arith.select %and3A_470, %gather3A_463, %select_n3A_431 : vector<16xi1>, vector<16xf32>
      %lt3A_472 = arith.constant 31 : i32
      %lt3A_473 = arith.cmpi slt, %scan3A_78, %lt3A_472 : i32
      %convert_element_type3A_474 = arith.extui %lt3A_473 : i1 to i32
      %cond3A_475 = arith.constant 0 : i32
      %cond3A_476 = arith.cmpi ne, %convert_element_type3A_474, %cond3A_475 : i32
      scf.if %cond3A_476 {
        %add3A_489 = arith.constant 1 : i32
        %add3A_490 = arith.addi %add3A_81, %add3A_489 : i32
        %mul3A_491 = arith.constant 100000 : i32
        %mul3A_492 = arith.muli %add3A_490, %mul3A_491 : i32
        %add3A_493 = arith.constant 90000 : i32
        %add3A_494 = arith.addi %mul3A_492, %add3A_493 : i32
        %dma_start3A_495 = tpu.memref_slice %arg2[%add3A_494] : memref<102400000xf32, #tpu.memory_space<hbm>> -> memref<10000xf32, #tpu.memory_space<hbm>>
        %dma_start3A_496 = tpu.memref_slice %arg2[%add3A_494] : memref<102400000xf32, #tpu.memory_space<hbm>> -> memref<10000xf32, #tpu.memory_space<hbm>>
        tpu.enqueue_dma source(%dma_start3A_496 : memref<10000xf32, #tpu.memory_space<hbm>>) target(%arg16 : memref<10000xf32, #tpu.memory_space<vmem>>) target_semaphore(%arg26 : memref<!tpu.dma_semaphore, #tpu.memory_space<semaphore_mem>>)
      } else {
      }
      %select_n3A_477 = arith.select %ne3A_84, %add3A_453, %broadcast_in_dim3A_64 : vector<16xi1>, vector<16xf32>
      %add3A_478 = arith.addf %scan3A_79, %select_n3A_477 : vector<16xf32>
      %and3A_479 = arith.andi %ne3A_84, %eq3A_63 : vector<16xi1>
      %mul3A_480 = arith.constant 8.999990e-01 : f32
      %mul3A_481 = vector.broadcast %mul3A_480 : f32 to vector<16xf32>
      %mul3A_482 = arith.mulf %mul3A_481, %select_n3A_471 : vector<16xf32>
      %mul3A_483 = arith.constant 1.000020e-06 : f32
      %mul3A_484 = vector.broadcast %mul3A_483 : f32 to vector<16xf32>
      %mul3A_485 = arith.mulf %mul3A_484, %gather3A_113 : vector<16xf32>
      %sub3A_486 = arith.subf %mul3A_482, %mul3A_485 : vector<16xf32>
      %select_n3A_487 = arith.select %and3A_479, %sub3A_486, %broadcast_in_dim3A_64 : vector<16xi1>, vector<16xf32>
      %add3A_488 = arith.addf %scan3A_80, %select_n3A_487 : vector<16xf32>
      scf.yield %add3A_478, %add3A_488 : vector<16xf32>, vector<16xf32>
    }
    %scan3A_69 = arith.constant 32 : i32
    %mul3A_70 = arith.constant 1.000020e-06 : f32
    %mul3A_71 = vector.broadcast %mul3A_70 : f32 to vector<16xf32>
    %mul3A_72 = arith.mulf %mul3A_71, %scan3A_68#0 : vector<16xf32>
    %add3A_73 = arith.addf %mul3A_72, %scan3A_68#1 : vector<16xf32>
    %mul3A_74 = arith.constant -9.765625E-4 : f32
    %mul3A_75 = vector.broadcast %mul3A_74 : f32 to vector<16xf32>
    %mul3A_76 = arith.mulf %add3A_73, %mul3A_75 : vector<16xf32>
    %swap3A = arith.constant 0 : index
    %swap3A_77 = tpu.vector_load %arg6[%swap3A] {strides = array<i32>} : memref<16xf32, #tpu.memory_space<vmem>>, vector<16xf32>,
    tpu.vector_store %arg6[%swap3A], %mul3A_76 {strides = array<i32>} : memref<16xf32, #tpu.memory_space<vmem>>, vector<16xf32>,
    "tpu.region"() ({
      %run_scoped3A = tpu.sem_alloc : memref<!tpu.dma_semaphore, #tpu.memory_space<semaphore_mem>>
      %dma_start3A_78 = arith.constant 0 : i32
      %dma_start3A_79 = tpu.memref_slice %arg4[%add3A, %dma_start3A_78] : memref<32x16xf32, #tpu.memory_space<hbm>> -> memref<1x16xf32, #tpu.memory_space<hbm>>
      %dma_start3A_80 = tpu.memref_squeeze %dma_start3A_79 : memref<1x16xf32, #tpu.memory_space<hbm>> -> memref<16xf32, #tpu.memory_space<hbm>>
      %dma_start3A_81 = arith.constant 0 : i32
      %dma_start3A_82 = tpu.memref_slice %arg4[%add3A, %dma_start3A_81] : memref<32x16xf32, #tpu.memory_space<hbm>> -> memref<1x16xf32, #tpu.memory_space<hbm>>
      %dma_start3A_83 = tpu.memref_squeeze %dma_start3A_82 : memref<1x16xf32, #tpu.memory_space<hbm>> -> memref<16xf32, #tpu.memory_space<hbm>>
      tpu.enqueue_dma source(%arg6 : memref<16xf32, #tpu.memory_space<vmem>>) target(%dma_start3A_83 : memref<16xf32, #tpu.memory_space<hbm>>) target_semaphore(%run_scoped3A : memref<!tpu.dma_semaphore, #tpu.memory_space<semaphore_mem>>)
      %dma_wait3A = arith.constant 0 : i32
      %dma_wait3A_84 = tpu.memref_slice %arg4[%add3A, %dma_wait3A] : memref<32x16xf32, #tpu.memory_space<hbm>> -> memref<1x16xf32, #tpu.memory_space<hbm>>
      %dma_wait3A_85 = tpu.memref_squeeze %dma_wait3A_84 : memref<1x16xf32, #tpu.memory_space<hbm>> -> memref<16xf32, #tpu.memory_space<hbm>>
      %dma_wait3A_86 = arith.constant 0 : i32
      %dma_wait3A_87 = tpu.memref_slice %arg4[%add3A, %dma_wait3A_86] : memref<32x16xf32, #tpu.memory_space<hbm>> -> memref<1x16xf32, #tpu.memory_space<hbm>>
      %dma_wait3A_88 = tpu.memref_squeeze %dma_wait3A_87 : memref<1x16xf32, #tpu.memory_space<hbm>> -> memref<16xf32, #tpu.memory_space<hbm>>
      tpu.wait_dma2 semaphore(%run_scoped3A : memref<!tpu.dma_semaphore, #tpu.memory_space<semaphore_mem>>) src(%arg6 : memref<16xf32, #tpu.memory_space<vmem>>) dst(%dma_wait3A_88 : memref<16xf32, #tpu.memory_space<hbm>>)
      tpu.yield
    }) : () -> ()
    return
  }
}

</mosaic_0001>

<sc_bundles>
// kernel: kernel.3.cloned.1.call-start
scs
__scs_entry_jumppad:
0x0: {  	(pc) =	sbr.rel $0x88, $3  }
0x1: {  	(tag) =	ssettag $0x0;
	lr =	simm.s32 $0x1  }
0x2: {  	[smem:$0x3F9F] =	sst lr;
	_ =	strace $0xD0000000  }
0x3: {  	_ = 	snop  }
0x4: {  	_ = 	snop  }
0x5: {  	_ = 	snop  }
0x6: {  	_ = 	snop  }
0x7: {  	_ = 	snop  }
__scs_overlays_trampoline_lowered:
0x8: {  	[smem:$0x3FAE] =	sst s0  }
0x9: {  	[smem:$0x3FAF] =	sst s1  }
0xa: {  	[smem:$0x3FB0] =	sst s2  }
0xb: {  	[smem:$0x3FB1] =	sst s3  }
0xc: {  	[smem:$0x3FB2] =	sst s4  }
0xd: {  	[smem:$0x3FB3] =	sst s5  }
0xe: {  	[smem:$0x3FB4] =	sst s6  }
0xf: {  	[smem:$0x3FB5] =	sst s7  }
0x10: {  	[smem:$0x3FB6] =	sst s8  }
0x11: {  	[smem:$0x3FB7] =	sst s9;
	s0 =	simm.s32 @!p0 $0x0  }
0x12: {  	s1 =	sld [smem:$0x3F9D];
	s0 =	simm.s32 @p0 $0x1  }
0x13: {  	[smem:$0x3FB8] =	sst s0;
	s0 =	simm.s32 @!p1 $0x0  }
0x14: {  	s2 =	sld [smem:$0x3F9C];
	s0 =	simm.s32 @p1 $0x1  }
0x15: {  	[smem:$0x3FB9] =	sst s0;
	s0 =	simm.s32 @!p2 $0x0  }
0x16: {  	s3 =	sld [smem:$0x3FDB];
	s0 =	simm.s32 @p2 $0x1  }
0x17: {  	s4 =	simm.s32 $0x1BF5;
	[smem:$0x3FBB] =	sst s0  }
0x18: {  	s0 =	sld [smem:$0x3F9E];
	_ =	swait.ge [sflag:s4], $0x0  }
0x19: {  	s7 =	sld [smem:$0x3F9F]  }
0x1a: {  	s8 =	sadd.s32 $0xFFFFE003, lr  }
0x1b: {  	s9 =	sadd.s32 $0xFFFFFEF7, lr;
	s5 =	simm.s32 $0xFFFFFFFF;
	p2 =	slt.u32 s8, $0xFFFFF086  }
0x1c: {  	p1 =	slt.u32 s9, $0xF7A;
	s5 =	simm.s32 @!p2 $0x0  }
0x1d: {  	s5 =	simm.s32 @p1 $0x1;
	p0 =	seq.s32 s7, s2  }
0x1e: {  	s7 =	smul.u32 @!p0 $0xF7A, s2;
	p2 =	seq.s32 @!p0 s5, $0x0  }
0x1f: {  	s9 =	smul.u32 $0xF7A, s1;
	s8 =	simm.s32 @!p0 $0x1BF5;
	p2 =	por !p2, p0  }
0x20: {  	[sflag:s8] =	ssyncset.s32 @!p0 $0xFFFFF086;
	s6 =	sadd.s32 @!p0 s3, s7;
	s7 =	simm.s32 @!p0 $0x108  }
0x21: {  	s3 =	sadd.s32 s3, s9;
	s6 =	sadd.s32 @!p0 $0x88, s6;
	s7 =	simm.s32 @p2 $0x1082  }
0x22: {  	[simem:s7], [sflag:s8] =	dma.local @!p0 [hbm:s6], $0xF7A  }
0x23: {  	s9 =	sor.u32 $0xD0000000, s2;
	s6 =	simm.s32 $0x108;
	_ =	swait.ge @!p0 [sflag:s8], $0x0  }
0x24: {  	s3 =	sadd.s32 $0x88, s3;
	s6 =	simm.s32 @!p1 $0x1082;
	[sflag:s4] =	ssyncset.s32 $0xFFFFF086  }
0x25: {  	[simem:s6], [sflag:s4] =	dma.local [hbm:s3], $0xF7A  }
0x26: {  	[smem:$0x3F9F] =	sst s1;
	(tag) =	ssettag s2;
	_ =	strace s9  }
0x27: {  	s1 =	sld [smem:$0x3FAF]  }
0x28: {  	s2 =	sld [smem:$0x3FB0]  }
0x29: {  	s4 =	sld [smem:$0x3FB2]  }
0x2a: {  	p0 =	seq.s32 s5, $0x0;
	s5 =	sld [smem:$0x3FB3]  }
0x2b: {  	s6 =	sld [smem:$0x3FB4]  }
0x2c: {  	s7 =	sld [smem:$0x3FB5]  }
0x2d: {  	s3 =	simm.s32 $0x108;
	s8 =	sld [smem:$0x3FB6]  }
0x2e: {  	s3 =	simm.s32 @!p0 $0x1082;
	s9 =	sld [smem:$0x3FB7]  }
0x2f: {  	lr =	sadd.s32 s0, s3;
	s0 =	sld [smem:$0x3FAE]  }
0x30: {  	s3 =	sld [smem:$0x3FB1]  }
0x31: {  	[smem:$0x3FBA] =	sst s10  }
0x32: {  	s10 =	sld [smem:$0x3FB8];
	_ =	sdelay $0x3  }
0x33: {  	p0 =	seq.s32 s10, $0x1;
	s10 =	sld [smem:$0x3FBA];
	_ =	sdelay $0x3  }
0x34: {  	[smem:$0x3FBA] =	sst s10  }
0x35: {  	s10 =	sld [smem:$0x3FB9];
	_ =	sdelay $0x3  }
0x36: {  	p1 =	seq.s32 s10, $0x1;
	s10 =	sld [smem:$0x3FBA];
	_ =	sdelay $0x3  }
0x37: {  	[smem:$0x3FBA] =	sst s10  }
0x38: {  	s10 =	sld [smem:$0x3FBB]  }
0x39: {  	_ = 	snop;
	(pc) =	sbr.ind lr, $3  }
0x3a: {  	_ = 	snop  }
0x3b: {  	_ = 	snop  }
0x3c: {  	p2 =	seq.s32 s10, $0x1;
	s10 =	sld [smem:$0x3FBA]  }
0x3d: {  	_ =	shalt  }
0x3e: {  	_ =	shalt  }
0x3f: {  	_ =	shalt  }
0x40: {  	_ =	shalt  }
0x41: {  	_ =	shalt  }
0x42: {  	_ =	shalt  }
0x43: {  	_ =	shalt  }
0x44: {  	_ =	shalt  }
0x45: {  	_ =	shalt  }
0x46: {  	_ =	shalt  }
0x47: {  	_ =	shalt  }
0x48: {  	_ =	shalt  }
0x49: {  	_ =	shalt  }
0x4a: {  	_ =	shalt  }
0x4b: {  	_ =	shalt  }
0x4c: {  	_ =	shalt  }
0x4d: {  	_ =	shalt  }
0x4e: {  	_ =	shalt  }
0x4f: {  	_ =	shalt  }
0x50: {  	_ =	shalt  }
0x51: {  	_ =	shalt  }
0x52: {  	_ =	shalt  }
0x53: {  	_ =	shalt  }
0x54: {  	_ =	shalt  }
0x55: {  	_ =	shalt  }
0x56: {  	_ =	shalt  }
0x57: {  	_ =	shalt  }
0x58: {  	_ =	shalt  }
0x59: {  	_ =	shalt  }
0x5a: {  	_ =	shalt  }
0x5b: {  	_ =	shalt  }
0x5c: {  	_ =	shalt  }
0x5d: {  	_ =	shalt  }
0x5e: {  	_ =	shalt  }
0x5f: {  	_ =	shalt  }
0x60: {  	_ =	shalt  }
0x61: {  	_ =	shalt  }
0x62: {  	_ =	shalt  }
0x63: {  	_ =	shalt  }
0x64: {  	_ =	shalt  }
0x65: {  	_ =	shalt  }
0x66: {  	_ =	shalt  }
0x67: {  	_ =	shalt  }
0x68: {  	_ =	shalt  }
0x69: {  	_ =	shalt  }
0x6a: {  	_ =	shalt  }
0x6b: {  	_ =	shalt  }
0x6c: {  	_ =	shalt  }
0x6d: {  	_ =	shalt  }
0x6e: {  	_ =	shalt  }
0x6f: {  	_ =	shalt  }
0x70: {  	_ =	shalt  }
0x71: {  	_ =	shalt  }
0x72: {  	_ =	shalt  }
0x73: {  	_ =	shalt  }
0x74: {  	_ =	shalt  }
0x75: {  	_ =	shalt  }
0x76: {  	_ =	shalt  }
0x77: {  	_ =	shalt  }
0x78: {  	_ =	shalt  }
0x79: {  	_ =	shalt  }
0x7a: {  	_ =	shalt  }
0x7b: {  	_ =	shalt  }
0x7c: {  	_ =	shalt  }
0x7d: {  	_ =	shalt  }
0x7e: {  	_ =	shalt  }
0x7f: {  	_ =	shalt  }
0x80: {  	_ =	shalt  }
0x81: {  	_ =	shalt  }
0x82: {  	_ =	shalt  }
0x83: {  	_ =	shalt  }
0x84: {  	_ =	shalt  }
0x85: {  	_ =	shalt  }
0x86: {  	_ =	shalt  }
0x87: {  	_ =	shalt  }
.Lfunc_end0:
.L_simem_size_0:
called_computation_lowered:
.L_overlay_start_0:
0x88: {  	s2 =	sld [smem:$0x3FD9]  }
0x89: {  	s3 =	sld [smem:$0x3FFE];
	_ =	sdelay $0x1  }
0x8a: {  	s1 =	srdreg.scid  }
0x8b: {  	s0 =	sand.u32 $0x1, s1  }
0x8c: {  	s17 =	sshll.u32 s0, $0xA;
	s2 =	sadd.s32 s3, s2  }
0x8d: {  	s2 =	sadd.s32 s2, s17  }
0x8e: {  	[smem:$0x3FC6] =	sst s2  }
0x8f: {  	_ = 	snop  }
0x90: {  	s2 =	sld [smem:$0x3FC8];
	(tm) =	ssettm $0x1  }
0x91: {  	s18 =	sld [smem:$0x3FFB];
	_ =	sdelay $0x3  }
0x92: {  	_ =	strace s18  }
0x93: {  	s3 =	sld [smem:$0x3FFC];
	_ =	sdelay $0x3  }
0x94: {  	_ =	strace s3  }
0x95: {  	s3 =	sld [smem:$0x3FFD];
	_ =	sdelay $0x3  }
0x96: {  	_ =	strace s3  }
0x97: {  	_ =	strace $0x8FFFFFFF  }
0x98: {  	s19 =	sld [smem:$0x3FDB];
	_ =	sdelay $0x1  }
0x99: {  	s4 =	simm.s32 $_scs_section_size  }
0x9a: {  	s5 =	simm.s32 $_size__tile_overlayer_lowered;
	s6 =	simm.s32 $_tile_overlayer_lowered  }
0x9b: {  	s22 =	simm.s32 $0x1BFF;
	s21 =	sshll.u32 s6, $0x1;
	s3 =	sadd.s32 s4, s19  }
0x9c: {  	s7 =	simm.s32 $0x0;
	s20 =	sshll.u32 s5, $0x1;
	s5 =	sadd.s32 s21, s3  }
0x9d: {  	[timem:s7], [sflag:s22] =	dma.local [hbm:s5], s20  }
0x9e: {  	_ =	swait.ge [sflag:s22], s20  }
0x9f: {  	s4 =	ssub.s32 $0x0, s20;
	[sflag:s22] =	ssyncset.done $0x0  }
0xa0: {  	[sflag:s22] =	ssyncadd.s32 s4;
	_ =	sdelay $0x1  }
0xa1: {  	s23 =	simm.s32 $0x1B8B  }
0xa2: {  	_ =	swait.ge [sflag:s23], $0x1  }
0xa3: {  	[sflag:s23] =	ssyncset.done $0x0  }
0xa4: {  	s25 =	simm.s32 $0x1B8E;
	s24 =	sld [smem:$0x3FFE];
	[sflag:s23] =	ssyncadd.s32 $0xFFFFFFFF  }
0xa5: {  	s26 =	simm.s32 $execute0_lowered;
	[smem:$0x3FD2] =	sst s25  }
0xa6: {  	s5 =	sshll.u32 s26, $0x1;
	_ =	strace $0x80000046;
	[dreg:$0x1] =	wrdreg $0xFFFFFFFF  }
0xa7: {  	s28 =	simm.s32 $_size_execute0_lowered;
	s3 =	sadd.s32 s3, s5;
	[dreg:$0x0] =	wrdreg $0x0  }
0xa8: {  	s5 =	sshll.u32 s28, $0x1;
	[dreg:$0x2] =	wrdreg s3  }
0xa9: {  	[dreg:$0x3] =	wrdreg s5  }
0xaa: {  	[dreg:$0x4] =	wrdreg $0xC0  }
0xab: {  	_ =	task [dreg:s7], $0x5FFFF  }
0xac: {  	[dreg:$0x1] =	wrdreg $0xFFFFFFFF  }
0xad: {  	[dreg:$0x0] =	wrdreg $0x60  }
0xae: {  	[dreg:$0x2] =	wrdreg s24  }
0xaf: {  	[dreg:$0x3] =	wrdreg s2  }
0xb0: {  	[dreg:$0x4] =	wrdreg $0x9  }
0xb1: {  	_ =	task.clear_ibuf [dreg:s7], $0x5FFFF;
	_ =	strace $0x90000046  }
0xb2: {  	s29 =	simm.s32 $0x9;
	_ =	strace $0x80000048  }
0xb3: {  	_ =	swait.ge [sflag:s29], $0x1  }
0xb4: {  	[sflag:s29] =	ssyncadd.s32 $0xFFFFFFFF  }
0xb5: {  	_ =	strace $0x90000048  }
0xb6: {  	_ =	sfence  }
0xb7: {  	s30 =	sld [smem:$0x0];
	_ =	sdelay $0x2  }
0xb8: {  	s31 =	sshll.u32 s1, $0xD;
	s1 =	sshrl.u32 s1, $0x2  }
0xb9: {  	s3 =	sand.u32 $0x4000, s31;
	s1 =	sadd.s32 s1, s30  }
0xba: {  	s0 =	sor.u32 s3, s0;
	s1 =	sshll.u32 s1, $0x11  }
0xbb: {  	s0 =	sor.u32 s1, s0  }
0xbc: {  	s0 =	sadd.s32 $0x8F2B, s0  }
0xbd: {  	[sflag:s0] =	ssyncadd.remote.s32 $0x1  }
0xbe: {  	_ =	sfence.sel $0xFFFF  }
0xbf: {  	[dreg:$0x0] =	wrdreg $0xFFFFFFFF;
	(pc) =	sbr.abs _section_cstart, $3  }
0xc0: {  	[dreg:$0x1] =	wrdreg $0xFFFFFFFF  }
0xc1: {  	_ =	task.clear_ibuf [dreg:s7], $0x2FFFF;
	_ =	strace $0x9FFFFFFF  }
0xc2: {  	(tm) =	ssettm $0x7FFFFFFF  }
0xc3: {  	_ =	shalt  }
tec
execute0_lowered:
.L_overlay_start_1:
0x0: {  	(tag) =	ssettag $0x1  }
0x1: {  	s0 =	rddreg [dreg:$0x0];
	s1 =	srdreg.scid  }
0x2: {  	s2 =	stileid.u32;
	s6 =	rddreg [dreg:$0x1]  }
0x3: {  	s28 =	simm.s32 $0x13D00;
	s29 =	simm.s32 $0x16480;
	s30 =	simm.s32 $0x1  }
0x4: {  	s31 =	simm.s32 $0x2;
	s1 =	sand.u32 $0x1, s1;
	s3 =	sshll.u32 s2, $0x1  }
0x5: {  	s9 =	simm.s32 $0x8;
	s2 =	simm.s32 $0x0;
	s7 =	sor.u32 s1, s3  }
0x6: {  	[smem:$0x7FF] =	sst s2;
	s1 =	ssub.s32 $0x2, s1;
	s3 =	sadd.s32 $0xC38000, s0  }
0x7: {  	s4 =	smul.u32 $0x30D400, s7;
	_ =	strace $0x80000047;
	s8 =	sshll.u32 s7, $0x2  }
0x8: {  	s5 =	sshrl.u32 s1, $0x1;
	s24 =	sshll.u32 s7, $0x4;
	s6 =	sadd.s32 s6, s8  }
0x9: {  	s1 =	ssub.s32 s1, s5;
	s0 =	sadd.s32 s0, s24;
	[dreg:$0x4] =	wrdreg s6  }
0xa: {  	s16 =	sshrl.u32 s4, $0x3;
	[dreg:$0xe] =	wrdreg s0;
	s26 =	smax.u32 s1, $0x1  }
0xb: {  	s10 =	simm.s32 $0x9;
	s5 =	sadd.s32 s3, s16;
	[dreg:$0xf] =	wrdreg s26  }
0xc: {  	s11 =	simm.s32 $0xA;
	s17 =	sadd.s32 $0x4E2, s5;
	[dreg:$0x3] =	wrdreg s5  }
0xd: {  	s12 =	simm.s32 $0x0;
	s18 =	sadd.s32 $0x9C4, s5;
	[dreg:$0x5] =	wrdreg s17  }
0xe: {  	s24 =	simm.s32 $0xC680;
	s19 =	sadd.s32 $0xEA6, s5;
	[dreg:$0x6] =	wrdreg s18  }
0xf: {  	s8 =	simm.s32 $0x7;
	s20 =	sadd.s32 $0x1388, s5;
	[dreg:$0x7] =	wrdreg s19  }
0x10: {  	s4 =	sshll.u32 s7, $0x5;
	s21 =	sadd.s32 $0x186A, s5;
	[dreg:$0x8] =	wrdreg s20  }
0x11: {  	s1 =	simm.s32 $0x3;
	s22 =	sadd.s32 $0x1D4C, s5;
	[dreg:$0x9] =	wrdreg s21  }
0x12: {  	s0 =	simm.s32 $0x4;
	s23 =	sadd.s32 $0x222E, s5;
	[dreg:$0xa] =	wrdreg s22  }
0x13: {  	s6 =	simm.s32 $0x5;
	s25 =	sadd.s32 $0x2710, s5;
	[dreg:$0xb] =	wrdreg s23  }
0x14: {  	s7 =	simm.s32 $0x6;
	s5 =	sadd.s32 $0x2BF2, s5;
	[dreg:$0xc] =	wrdreg s25  }
0x15: {  	s26 =	simm.s32 $0x11580;
	[dreg:$0xd] =	wrdreg s5;
	s18 =	simm.s32 $0xB  }
0x16: {  	s19 =	simm.s32 $0x100;
	s20 =	simm.s32 $0x2880;
	s21 =	simm.s32 $0x5000  }
0x17: {  	vm0 =	vmmov $0x1;
	s22 =	simm.s32 $0x7780;
	s23 =	simm.s32 $0x9F00;
	s25 =	simm.s32 $0xEE00  }
.LBB2_1:
0x18: {  	s5 =	rddreg [dreg:$0x4]  }
0x19: {  	[tilespmem:s2], [sflag:$0xB] =	stream.linear.gather [hbm4b:s5+s2], $0x20, $0x38;
	[tilespmem:$0x18C00] =	vst v63  }
0x1a: {  	_ =	swait.ge [sflag:s18], $0x20  }
0x1b: {  	[sflag:s18] =	ssyncset.done $0x0  }
0x1c: {  	s13 =	rddreg [dreg:$0x3];
	[sflag:s18] =	ssyncadd.s32 $0xFFFFFFE0  }
0x1d: {  	[tilespmem:s19], [sflag:$0x1] =	stream.linear.gather [hbm4b:s13+s2], $0x2710, $0x38;
	[tilespmem:$0x18C00] =	vst v63  }
0x1e: {  	s14 =	rddreg [dreg:$0x5]  }
0x1f: {  	[tilespmem:s20], [sflag:$0x2] =	stream.linear.gather [hbm4b:s14+s2], $0x2710, $0x38;
	[tilespmem:$0x18C00] =	vst v63  }
0x20: {  	s15 =	rddreg [dreg:$0x6]  }
0x21: {  	[tilespmem:s21], [sflag:$0x3] =	stream.linear.gather [hbm4b:s15+s2], $0x2710, $0x38;
	[tilespmem:$0x18C00] =	vst v63  }
0x22: {  	s16 =	rddreg [dreg:$0x7]  }
0x23: {  	[tilespmem:s22], [sflag:$0x4] =	stream.linear.gather [hbm4b:s16+s2], $0x2710, $0x38;
	[tilespmem:$0x18C00] =	vst v63  }
0x24: {  	s17 =	rddreg [dreg:$0x8]  }
0x25: {  	[tilespmem:s23], [sflag:$0x5] =	stream.linear.gather [hbm4b:s17+s2], $0x2710, $0x38;
	[tilespmem:$0x18C00] =	vst v63  }
0x26: {  	s13 =	rddreg [dreg:$0x9]  }
0x27: {  	[tilespmem:s24], [sflag:$0x6] =	stream.linear.gather [hbm4b:s13+s2], $0x2710, $0x38;
	[tilespmem:$0x18C00] =	vst v63  }
0x28: {  	s14 =	rddreg [dreg:$0xa]  }
0x29: {  	[tilespmem:s25], [sflag:$0x7] =	stream.linear.gather [hbm4b:s14+s2], $0x2710, $0x38;
	[tilespmem:$0x18C00] =	vst v63  }
0x2a: {  	s15 =	rddreg [dreg:$0xb]  }
0x2b: {  	[tilespmem:s26], [sflag:$0x8] =	stream.linear.gather [hbm4b:s15+s2], $0x2710, $0x38;
	[tilespmem:$0x18C00] =	vst v63  }
0x2c: {  	s16 =	rddreg [dreg:$0xc]  }
0x2d: {  	[tilespmem:s28], [sflag:$0x9] =	stream.linear.gather [hbm4b:s16+s2], $0x2710, $0x38;
	[tilespmem:$0x18C00] =	vst v63  }
0x2e: {  	s17 =	rddreg [dreg:$0xd];
	s13 =	simm.s32 $0x0  }
0x2f: {  	v1 =	vimm.f32 $0.0e+00;
	v0 =	vimm.f32 $0.0e+00;
	v2 =	vimm.f32 $0.0e+00;
	[tilespmem:s29], [sflag:$0xA] =	stream.linear.gather [hbm4b:s17+s2], $0x2710, $0x38;
	[tilespmem:$0x18C00] =	vst v63  }
.LBB2_2:
0x30: {  	v3 =	vmov s13;
	_ =	sdelay $0x3  }
0x31: {  	s15 =	simm.s32 $0x0  }
0x32: {  	v3 =	vld.idx.msk [tilespmem:v3+s15+$0x0], $0xffff;
	_ =	swait.ge [sflag:s30], $0x2710  }
0x33: {  	[sflag:s30] =	ssyncset.done $0x0  }
0x34: {  	s14 =	simm.s32 $0x1C0;
	[sflag:s30] =	ssyncadd.s32 $0xFFFFD8F0  }
0x35: {  	v5 =	vld [tilespmem:s14+$0x80]  }
0x36: {  	v6 =	vld [tilespmem:s14+$0x90]  }
0x37: {  	v8 =	vld [tilespmem:s14+$0xA0]  }
0x38: {  	v12 =	vld [tilespmem:s14+$0x30]  }
0x39: {  	v9 =	vld [tilespmem:s14+$0x50]  }
0x3a: {  	v10 =	vld [tilespmem:s14+$0x60]  }
0x3b: {  	v4 =	vld [tilespmem:s14+$0xFFFFFF40]  }
0x3c: {  	v13 =	vld [tilespmem:s14+$0xFFFFFFE0]  }
0x3d: {  	v14 =	vld [tilespmem:s14+$0xFFFFFF90]  }
0x3e: {  	v7 =	vld [tilespmem:s14+$0xFFFFFFF0]  }
0x3f: {  	v11 =	vld [tilespmem:s14+$0x0]  }
0x40: {  	v15 =	vld [tilespmem:s14+$0xFFFFFFA0];
	v4 =	vadd.f32 v4, v1  }
0x41: {  	v16 =	vld [tilespmem:s14+$0xFFFFFFB0]  }
0x42: {  	v20 =	vld [tilespmem:s14+$0xFFFFFF50];
	v4 =	vadd.f32 v14, v4  }
0x43: {  	v22 =	vld [tilespmem:s14+$0xFFFFFF60]  }
0x44: {  	v17 =	vimm.f32 $0.0e+00;
	v21 =	vld [tilespmem:s14+$0xFFFFFF70];
	v23 =	vadd.f32 v13, v4  }
0x45: {  	s16 =	simm.s32 $0x190;
	v18 =	vimm.f32 $0.0e+00;
	v19 =	vld [tilespmem:s14+$0xFFFFFF80];
	v14 =	vimm.f32 $0.0e+00;
	v13 =	vimm.f32 $0.0e+00  }
.LBB2_3:
0x46: {  	p0 =	sne.s32 s16, $0x2580;
	s17 =	sand.u32 $0x3FF0, s15;
	v4 =	vld [tilespmem:s14+$0xFFFFFFD0];
	v12 =	vadd.f32 v12, v23;
	s15 =	smov.u32 s16  }
0x47: {  	v23 =	vld [tilespmem:s17+$0x180]  }
0x48: {  	v24 =	vld [tilespmem:s14+$0x10];
	v25 =	vadd.f32 v5, v12  }
0x49: {  	v5 =	vadd.f32 v20, v14;
	v12 =	vadd.f32 v22, v17;
	v14 =	vld [tilespmem:s14+$0x20]  }
0x4a: {  	v17 =	vadd.f32 v21, v18;
	v13 =	vadd.f32 v19, v13;
	v18 =	vld [tilespmem:s17+$0x200]  }
0x4b: {  	v5 =	vadd.f32 v15, v5;
	v12 =	vadd.f32 v16, v12;
	v15 =	vld [tilespmem:s14+$0x70]  }
0x4c: {  	v16 =	vadd.f32 v23, v17;
	v4 =	vadd.f32 v4, v13;
	v13 =	vld [tilespmem:s14+$0xB0]  }
0x4d: {  	v7 =	vadd.f32 v7, v5;
	v11 =	vadd.f32 v11, v12;
	s14 =	sadd.s32 $0x190, s14;
	v19 =	vld [tilespmem:s17+$0x280]  }
0x4e: {  	v5 =	vld [tilespmem:s14+$0x80];
	v12 =	vadd.f32 v24, v16;
	v4 =	vadd.f32 v14, v4  }
0x4f: {  	v9 =	vadd.f32 v9, v11;
	v16 =	vld [tilespmem:s14+$0x90];
	v7 =	vadd.f32 v18, v7  }
0x50: {  	v11 =	vld [tilespmem:s14+$0xA0];
	v10 =	vadd.f32 v10, v12;
	v4 =	vadd.f32 v15, v4  }
0x51: {  	v17 =	vadd.f32 v8, v9;
	v12 =	vld [tilespmem:s14+$0x30];
	v14 =	vadd.f32 v6, v7  }
0x52: {  	v9 =	vld [tilespmem:s14+$0x50];
	v18 =	vadd.f32 v13, v10;
	v13 =	vadd.f32 v19, v4  }
0x53: {  	v10 =	vld [tilespmem:s14+$0x60]  }
0x54: {  	v4 =	vld [tilespmem:s14+$0xFFFFFF40];
	v6 =	vmov v16  }
0x55: {  	v19 =	vld [tilespmem:s14+$0xFFFFFFE0];
	v8 =	vmov v11  }
0x56: {  	v21 =	vld [tilespmem:s14+$0xFFFFFF90]  }
0x57: {  	v7 =	vld [tilespmem:s14+$0xFFFFFFF0]  }
0x58: {  	v11 =	vld [tilespmem:s14+$0x0]  }
0x59: {  	v4 =	vadd.f32 v4, v25;
	v15 =	vld [tilespmem:s14+$0xFFFFFFA0]  }
.Ltmp0:
0x5a: {  	v16 =	vld [tilespmem:s14+$0xFFFFFFB0];
	(pc) =	sbr.rel @p0 .LBB2_3-.Ltmp0, $4  }
0x5b: {  	v20 =	vld [tilespmem:s14+$0xFFFFFF50];
	v4 =	vadd.f32 v21, v4  }
0x5c: {  	v22 =	vld [tilespmem:s14+$0xFFFFFF60]  }
0x5d: {  	v21 =	vld [tilespmem:s14+$0xFFFFFF70];
	v23 =	vadd.f32 v19, v4  }
0x5e: {  	s16 =	sadd.s32 $0x190, s16;
	v19 =	vld [tilespmem:s14+$0xFFFFFF80]  }
0x5f: {  	v24 =	vld [tilespmem:s14+$0xFFFFFFD0]  }
0x60: {  	vm1 =	vgt.s32 v3, $0x0;
	v26 =	vld [tilespmem:s14+$0x10]  }
0x61: {  	v27 =	vld [tilespmem:s14+$0x20];
	v4 =	vnsel vm1, $0x0, v3  }
0x62: {  	s16 =	sadd.s32 s4, s13;
	p0 =	seq.s32 s13, $0x1F;
	v29 =	vld [tilespmem:s14+$0x70];
	v4 =	vmin.u32 v4, $0x270F  }
0x63: {  	s15 =	sand.u32 $0x3FF0, s15;
	v30 =	vld [tilespmem:s14+$0xB0];
	s16 =	smul.u32 @!p0 $0x186A0, s16  }
0x64: {  	v25 =	vld [tilespmem:s15+$0x180]  }
0x65: {  	v28 =	vld [tilespmem:s15+$0x200];
	s14 =	sshrl.u32 @!p0 s16, $0x3  }
0x66: {  	v31 =	vld [tilespmem:s15+$0x280];
	s14 =	sadd.s32 @!p0 s3, s14  }
0x67: {  	s17 =	simm.s32 @!p0 $0x100;
	s16 =	simm.s32 @!p0 $0x0;
	s15 =	sadd.s32 @!p0 $0x30D4, s14;
	v32 =	vld.idx.msk [tilespmem:v4+s19+$0x0], $0xffff  }
0x68: {  	v4 =	vld.msk [tilespmem:s19+$0x0], $0xffff;
	[tilespmem:s17], [sflag:$0x1] =	stream.linear.gather @!p0 [hbm4b:s15+s16], $0x2710, $0x38  }
0x69: {  	v12 =	vadd.f32 v12, v23;
	_ =	swait.ge [sflag:s31], $0x2710  }
0x6a: {  	v14 =	vadd.f32 v20, v14;
	[sflag:s31] =	ssyncset.done $0x0  }
0x6b: {  	v17 =	vadd.f32 v22, v17;
	v20 =	vadd.f32 v5, v12;
	s15 =	simm.s32 $0x2940;
	[sflag:s31] =	ssyncadd.s32 $0xFFFFD8F0  }
0x6c: {  	v18 =	vadd.f32 v21, v18;
	v14 =	vadd.f32 v15, v14;
	v12 =	vld [tilespmem:s15+$0x80]  }
0x6d: {  	v15 =	vadd.f32 v16, v17;
	v5 =	vld [tilespmem:s15+$0x90]  }
0x6e: {  	v17 =	vadd.f32 v7, v14;
	v16 =	vadd.f32 v25, v18;
	v7 =	vld [tilespmem:s15+$0xA0]  }
0x6f: {  	v13 =	vadd.f32 v19, v13;
	v14 =	vld [tilespmem:s15+$0x30]  }
0x70: {  	v15 =	vadd.f32 v11, v15;
	v16 =	vadd.f32 v26, v16;
	v11 =	vld [tilespmem:s15+$0x50]  }
0x71: {  	v18 =	vadd.f32 v24, v13;
	v17 =	vadd.f32 v28, v17;
	v13 =	vld [tilespmem:s15+$0x60]  }
0x72: {  	v9 =	vadd.f32 v9, v15;
	v10 =	vadd.f32 v10, v16;
	v16 =	vld [tilespmem:s15+$0xFFFFFF40]  }
0x73: {  	v15 =	vadd.f32 v27, v18;
	v6 =	vadd.f32 v6, v17;
	v19 =	vld [tilespmem:s15+$0xFFFFFFE0]  }
0x74: {  	v8 =	vadd.f32 v8, v9;
	v22 =	vld [tilespmem:s15+$0xFFFFFF90];
	v9 =	vadd.f32 v30, v10  }
0x75: {  	v17 =	vadd.f32 v6, v20;
	v18 =	vld [tilespmem:s15+$0xFFFFFFB0]  }
0x76: {  	v6 =	vimm.f32 $0.0e+00;
	v21 =	vld [tilespmem:s15+$0xFFFFFF50];
	v10 =	vadd.f32 v29, v15;
	v9 =	vadd.f32 v9, v8  }
0x77: {  	v23 =	vld [tilespmem:s15+$0xFFFFFF60];
	v16 =	vadd.f32 v16, v6  }
0x78: {  	v24 =	vld [tilespmem:s15+$0xFFFFFF70];
	v10 =	vadd.f32 v31, v10;
	v9 =	vadd.f32 v9, v17  }
0x79: {  	v15 =	vld [tilespmem:s15+$0x0];
	v16 =	vadd.f32 v22, v16  }
0x7a: {  	vm1 =	vlt.u32 v3, $0x2710;
	v8 =	vld [tilespmem:s15+$0xFFFFFFF0];
	v9 =	vadd.f32 v9, v10  }
0x7b: {  	v20 =	vimm.f32 $0.0e+00;
	v17 =	vld [tilespmem:s15+$0xFFFFFFA0];
	v10 =	vnsel vm1, $0x0, v32;
	v25 =	vadd.f32 v19, v16  }
0x7c: {  	s16 =	simm.s32 $0x0;
	s17 =	simm.s32 $0x190;
	v22 =	vld [tilespmem:s15+$0xFFFFFF80];
	v9 =	vadd.f32 $0.0e+00, v9;
	v19 =	vimm.f32 $0.0e+00;
	v16 =	vimm.f32 $0.0e+00  }
.LBB2_5:
0x7d: {  	p1 =	sne.s32 s17, $0x2580;
	s5 =	sand.u32 $0x3FF0, s16;
	v26 =	vld [tilespmem:s15+$0xFFFFFFD0];
	v14 =	vadd.f32 v14, v25;
	s16 =	smov.u32 s17  }
0x7e: {  	v25 =	vld [tilespmem:s5+$0x2900]  }
0x7f: {  	v27 =	vld [tilespmem:s15+$0x10];
	v28 =	vadd.f32 v12, v14  }
0x80: {  	v6 =	vadd.f32 v21, v6;
	v12 =	vadd.f32 v23, v19;
	v14 =	vld [tilespmem:s15+$0x20]  }
0x81: {  	v19 =	vadd.f32 v24, v20;
	v16 =	vadd.f32 v22, v16;
	v20 =	vld [tilespmem:s5+$0x2980]  }
0x82: {  	v6 =	vadd.f32 v17, v6;
	v12 =	vadd.f32 v18, v12;
	v17 =	vld [tilespmem:s15+$0x70]  }
0x83: {  	v18 =	vadd.f32 v25, v19;
	v16 =	vadd.f32 v26, v16;
	v21 =	vld [tilespmem:s15+$0xB0]  }
0x84: {  	v6 =	vadd.f32 v8, v6;
	v8 =	vadd.f32 v15, v12;
	s15 =	sadd.s32 $0x190, s15;
	v15 =	vld [tilespmem:s5+$0x2A00]  }
0x85: {  	v12 =	vld [tilespmem:s15+$0x80];
	v18 =	vadd.f32 v27, v18;
	v14 =	vadd.f32 v14, v16  }
0x86: {  	v8 =	vadd.f32 v11, v8;
	v22 =	vld [tilespmem:s15+$0x90];
	v6 =	vadd.f32 v20, v6  }
0x87: {  	v23 =	vld [tilespmem:s15+$0xA0];
	v13 =	vadd.f32 v13, v18;
	v16 =	vadd.f32 v17, v14  }
0x88: {  	v19 =	vadd.f32 v7, v8;
	v14 =	vld [tilespmem:s15+$0x30];
	v6 =	vadd.f32 v5, v6  }
0x89: {  	v11 =	vld [tilespmem:s15+$0x50];
	v20 =	vadd.f32 v21, v13;
	v16 =	vadd.f32 v15, v16  }
0x8a: {  	v13 =	vld [tilespmem:s15+$0x60]  }
0x8b: {  	v17 =	vld [tilespmem:s15+$0xFFFFFF40];
	v5 =	vmov v22  }
0x8c: {  	v22 =	vld [tilespmem:s15+$0xFFFFFFE0];
	v7 =	vmov v23  }
0x8d: {  	v23 =	vld [tilespmem:s15+$0xFFFFFF90]  }
0x8e: {  	v8 =	vld [tilespmem:s15+$0xFFFFFFF0]  }
0x8f: {  	v15 =	vld [tilespmem:s15+$0x0]  }
0x90: {  	v24 =	vadd.f32 v17, v28;
	v17 =	vld [tilespmem:s15+$0xFFFFFFA0]  }
.Ltmp1:
0x91: {  	v18 =	vld [tilespmem:s15+$0xFFFFFFB0];
	(pc) =	sbr.rel @p1 .LBB2_5-.Ltmp1, $4  }
0x92: {  	v21 =	vld [tilespmem:s15+$0xFFFFFF50];
	v25 =	vadd.f32 v23, v24  }
0x93: {  	v23 =	vld [tilespmem:s15+$0xFFFFFF60]  }
0x94: {  	v24 =	vld [tilespmem:s15+$0xFFFFFF70];
	v25 =	vadd.f32 v22, v25  }
0x95: {  	s17 =	sadd.s32 $0x190, s17;
	v22 =	vld [tilespmem:s15+$0xFFFFFF80]  }
0x96: {  	v26 =	vld [tilespmem:s15+$0xFFFFFFD0];
	v27 =	vadd.s32 $0xFFFFD8F0, v3  }
0x97: {  	v29 =	vld [tilespmem:s15+$0x10];
	vm1 =	vgt.s32 v27, $0x0  }
0x98: {  	v31 =	vld [tilespmem:s15+$0x20];
	v30 =	vnsel vm1, $0x0, v27  }
0x99: {  	v33 =	vld [tilespmem:s15+$0x70];
	v30 =	vmin.u32 v30, $0x270F  }
0x9a: {  	s5 =	sand.u32 $0x3FF0, s16;
	v34 =	vld [tilespmem:s15+$0xB0]  }
0x9b: {  	v28 =	vld [tilespmem:s5+$0x2900]  }
0x9c: {  	v32 =	vld [tilespmem:s5+$0x2980]  }
0x9d: {  	s15 =	simm.s32 @!p0 $0x0;
	s16 =	simm.s32 @!p0 $0x2880;
	v35 =	vld [tilespmem:s5+$0x2A00];
	s5 =	sadd.s32 @!p0 $0x35B6, s14  }
0x9e: {  	v30 =	vld.idx.msk [tilespmem:v30+s20+$0x0], $0xffff;
	[tilespmem:s16], [sflag:$0x2] =	stream.linear.gather @!p0 [hbm4b:s5+s15], $0x2710, $0x38  }
0x9f: {  	_ =	swait.ge [sflag:s1], $0x2710  }
0xa0: {  	v14 =	vadd.f32 v14, v25;
	v6 =	vadd.f32 v21, v6;
	[sflag:s1] =	ssyncset.done $0x0  }
0xa1: {  	v19 =	vadd.f32 v23, v19;
	v20 =	vadd.f32 v24, v20;
	s15 =	simm.s32 $0x50C0;
	[sflag:s1] =	ssyncadd.s32 $0xFFFFD8F0  }
0xa2: {  	v21 =	vadd.f32 v12, v14;
	v12 =	vadd.f32 v17, v6;
	v14 =	vld [tilespmem:s15+$0x80]  }
0xa3: {  	v17 =	vadd.f32 v18, v19;
	v18 =	vadd.f32 v28, v20;
	v6 =	vld [tilespmem:s15+$0x90]  }
0xa4: {  	v16 =	vadd.f32 v22, v16;
	v12 =	vadd.f32 v8, v12;
	v8 =	vld [tilespmem:s15+$0xA0]  }
0xa5: {  	v17 =	vadd.f32 v15, v17;
	v18 =	vadd.f32 v29, v18;
	v15 =	vld [tilespmem:s15+$0x30]  }
0xa6: {  	v16 =	vadd.f32 v26, v16;
	v19 =	vadd.f32 v32, v12;
	v12 =	vld [tilespmem:s15+$0x50]  }
0xa7: {  	v11 =	vadd.f32 v11, v17;
	v17 =	vadd.f32 v13, v18;
	v13 =	vld [tilespmem:s15+$0x60]  }
0xa8: {  	v16 =	vadd.f32 v31, v16;
	v5 =	vadd.f32 v5, v19;
	v18 =	vld [tilespmem:s15+$0xFFFFFF40]  }
0xa9: {  	v7 =	vadd.f32 v7, v11;
	v11 =	vadd.f32 v34, v17;
	v19 =	vld [tilespmem:s15+$0xFFFFFFE0]  }
0xaa: {  	v16 =	vadd.f32 v33, v16;
	v20 =	vld [tilespmem:s15+$0xFFFFFF90]  }
0xab: {  	v17 =	vadd.f32 v5, v21;
	v23 =	vld [tilespmem:s15+$0xFFFFFF60];
	v21 =	vadd.f32 v11, v7  }
0xac: {  	v16 =	vadd.f32 v35, v16;
	v5 =	vimm.f32 $0.0e+00;
	v24 =	vld [tilespmem:s15+$0xFFFFFF70]  }
0xad: {  	v7 =	vld [tilespmem:s15+$0xFFFFFFF0];
	v21 =	vadd.f32 v21, v17;
	v22 =	vadd.f32 v18, v5  }
0xae: {  	v11 =	vld [tilespmem:s15+$0x0]  }
0xaf: {  	v17 =	vld [tilespmem:s15+$0xFFFFFFA0];
	v16 =	vadd.f32 v21, v16;
	v20 =	vadd.f32 v20, v22  }
0xb0: {  	vm1 =	vlt.u32 v27, $0x2710;
	v18 =	vld [tilespmem:s15+$0xFFFFFFB0]  }
0xb1: {  	v10 =	vsel vm1, v30, v10;
	v21 =	vld [tilespmem:s15+$0xFFFFFF50];
	v9 =	vadd.f32 v16, v9;
	v25 =	vadd.f32 v19, v20  }
0xb2: {  	s17 =	simm.s32 $0x190;
	s16 =	simm.s32 $0x0;
	v22 =	vld [tilespmem:s15+$0xFFFFFF80];
	v16 =	vimm.f32 $0.0e+00;
	v19 =	vimm.f32 $0.0e+00;
	v20 =	vimm.f32 $0.0e+00  }
.LBB2_7:
0xb3: {  	p1 =	sne.s32 s17, $0x2580;
	s5 =	sand.u32 $0x3FF0, s16;
	v26 =	vld [tilespmem:s15+$0xFFFFFFD0];
	v15 =	vadd.f32 v15, v25;
	s16 =	smov.u32 s17  }
0xb4: {  	v25 =	vld [tilespmem:s5+$0x5080]  }
0xb5: {  	v27 =	vld [tilespmem:s15+$0x10];
	v28 =	vadd.f32 v14, v15  }
0xb6: {  	v5 =	vadd.f32 v21, v5;
	v14 =	vadd.f32 v23, v19;
	v15 =	vld [tilespmem:s15+$0x20]  }
0xb7: {  	v19 =	vadd.f32 v24, v20;
	v16 =	vadd.f32 v22, v16;
	v20 =	vld [tilespmem:s5+$0x5100]  }
0xb8: {  	v5 =	vadd.f32 v17, v5;
	v14 =	vadd.f32 v18, v14;
	v17 =	vld [tilespmem:s15+$0x70]  }
0xb9: {  	v18 =	vadd.f32 v25, v19;
	v16 =	vadd.f32 v26, v16;
	v21 =	vld [tilespmem:s15+$0xB0]  }
0xba: {  	v5 =	vadd.f32 v7, v5;
	v7 =	vadd.f32 v11, v14;
	s15 =	sadd.s32 $0x190, s15;
	v11 =	vld [tilespmem:s5+$0x5180]  }
0xbb: {  	v14 =	vld [tilespmem:s15+$0x80];
	v18 =	vadd.f32 v27, v18;
	v15 =	vadd.f32 v15, v16  }
0xbc: {  	v7 =	vadd.f32 v12, v7;
	v22 =	vld [tilespmem:s15+$0x90];
	v5 =	vadd.f32 v20, v5  }
0xbd: {  	v23 =	vld [tilespmem:s15+$0xA0];
	v13 =	vadd.f32 v13, v18;
	v16 =	vadd.f32 v17, v15  }
0xbe: {  	v19 =	vadd.f32 v8, v7;
	v15 =	vld [tilespmem:s15+$0x30];
	v5 =	vadd.f32 v6, v5  }
0xbf: {  	v12 =	vld [tilespmem:s15+$0x50];
	v20 =	vadd.f32 v21, v13;
	v16 =	vadd.f32 v11, v16  }
0xc0: {  	v13 =	vld [tilespmem:s15+$0x60]  }
0xc1: {  	v17 =	vld [tilespmem:s15+$0xFFFFFF40];
	v6 =	vmov v22  }
0xc2: {  	v22 =	vld [tilespmem:s15+$0xFFFFFFE0];
	v8 =	vmov v23  }
0xc3: {  	v23 =	vld [tilespmem:s15+$0xFFFFFF90]  }
0xc4: {  	v7 =	vld [tilespmem:s15+$0xFFFFFFF0]  }
0xc5: {  	v11 =	vld [tilespmem:s15+$0x0]  }
0xc6: {  	v24 =	vadd.f32 v17, v28;
	v17 =	vld [tilespmem:s15+$0xFFFFFFA0]  }
.Ltmp2:
0xc7: {  	v18 =	vld [tilespmem:s15+$0xFFFFFFB0];
	(pc) =	sbr.rel @p1 .LBB2_7-.Ltmp2, $4  }
0xc8: {  	v21 =	vld [tilespmem:s15+$0xFFFFFF50];
	v25 =	vadd.f32 v23, v24  }
0xc9: {  	v23 =	vld [tilespmem:s15+$0xFFFFFF60]  }
0xca: {  	v24 =	vld [tilespmem:s15+$0xFFFFFF70];
	v25 =	vadd.f32 v22, v25  }
0xcb: {  	s17 =	sadd.s32 $0x190, s17;
	v22 =	vld [tilespmem:s15+$0xFFFFFF80]  }
0xcc: {  	v26 =	vld [tilespmem:s15+$0xFFFFFFD0];
	v27 =	vadd.s32 $0xFFFFB1E0, v3  }
0xcd: {  	v29 =	vld [tilespmem:s15+$0x10];
	vm1 =	vgt.s32 v27, $0x0  }
0xce: {  	v31 =	vld [tilespmem:s15+$0x20];
	v30 =	vnsel vm1, $0x0, v27  }
0xcf: {  	v33 =	vld [tilespmem:s15+$0x70];
	v30 =	vmin.u32 v30, $0x270F  }
0xd0: {  	s5 =	sand.u32 $0x3FF0, s16;
	v34 =	vld [tilespmem:s15+$0xB0]  }
0xd1: {  	v28 =	vld [tilespmem:s5+$0x5080]  }
0xd2: {  	v32 =	vld [tilespmem:s5+$0x5100]  }
0xd3: {  	s15 =	simm.s32 @!p0 $0x0;
	s16 =	simm.s32 @!p0 $0x5000;
	v35 =	vld [tilespmem:s5+$0x5180];
	s5 =	sadd.s32 @!p0 $0x3A98, s14  }
0xd4: {  	v30 =	vld.idx.msk [tilespmem:v30+s21+$0x0], $0xffff;
	[tilespmem:s16], [sflag:$0x3] =	stream.linear.gather @!p0 [hbm4b:s5+s15], $0x2710, $0x38  }
0xd5: {  	_ =	swait.ge [sflag:s0], $0x2710  }
0xd6: {  	v15 =	vadd.f32 v15, v25;
	v5 =	vadd.f32 v21, v5;
	[sflag:s0] =	ssyncset.done $0x0  }
0xd7: {  	v19 =	vadd.f32 v23, v19;
	v20 =	vadd.f32 v24, v20;
	s15 =	simm.s32 $0x7840;
	[sflag:s0] =	ssyncadd.s32 $0xFFFFD8F0  }
0xd8: {  	v21 =	vadd.f32 v14, v15;
	v15 =	vadd.f32 v17, v5;
	v14 =	vld [tilespmem:s15+$0x80]  }
0xd9: {  	v17 =	vadd.f32 v18, v19;
	v18 =	vadd.f32 v28, v20;
	v5 =	vld [tilespmem:s15+$0x90]  }
0xda: {  	v16 =	vadd.f32 v22, v16;
	v19 =	vadd.f32 v7, v15;
	v7 =	vld [tilespmem:s15+$0xA0]  }
0xdb: {  	v17 =	vadd.f32 v11, v17;
	v18 =	vadd.f32 v29, v18;
	v15 =	vld [tilespmem:s15+$0x30]  }
0xdc: {  	v16 =	vadd.f32 v26, v16;
	v19 =	vadd.f32 v32, v19;
	v11 =	vld [tilespmem:s15+$0x50]  }
0xdd: {  	v12 =	vadd.f32 v12, v17;
	v17 =	vadd.f32 v13, v18;
	v13 =	vld [tilespmem:s15+$0x60]  }
0xde: {  	v16 =	vadd.f32 v31, v16;
	v6 =	vadd.f32 v6, v19;
	v18 =	vld [tilespmem:s15+$0xFFFFFF40]  }
0xdf: {  	v8 =	vadd.f32 v8, v12;
	v12 =	vadd.f32 v34, v17;
	v19 =	vld [tilespmem:s15+$0xFFFFFFE0]  }
0xe0: {  	v16 =	vadd.f32 v33, v16;
	v20 =	vld [tilespmem:s15+$0xFFFFFF90]  }
0xe1: {  	v17 =	vadd.f32 v6, v21;
	v23 =	vld [tilespmem:s15+$0xFFFFFF60];
	v21 =	vadd.f32 v12, v8  }
0xe2: {  	v16 =	vadd.f32 v35, v16;
	v6 =	vimm.f32 $0.0e+00;
	v24 =	vld [tilespmem:s15+$0xFFFFFF70]  }
0xe3: {  	v8 =	vld [tilespmem:s15+$0xFFFFFFF0];
	v21 =	vadd.f32 v21, v17;
	v22 =	vadd.f32 v18, v6  }
0xe4: {  	v12 =	vld [tilespmem:s15+$0x0]  }
0xe5: {  	v17 =	vld [tilespmem:s15+$0xFFFFFFA0];
	v16 =	vadd.f32 v21, v16;
	v20 =	vadd.f32 v20, v22  }
0xe6: {  	vm1 =	vlt.u32 v27, $0x2710;
	v18 =	vld [tilespmem:s15+$0xFFFFFFB0]  }
0xe7: {  	v10 =	vsel vm1, v30, v10;
	v21 =	vld [tilespmem:s15+$0xFFFFFF50];
	v9 =	vadd.f32 v16, v9;
	v25 =	vadd.f32 v19, v20  }
0xe8: {  	s17 =	simm.s32 $0x190;
	s16 =	simm.s32 $0x0;
	v22 =	vld [tilespmem:s15+$0xFFFFFF80];
	v16 =	vimm.f32 $0.0e+00;
	v19 =	vimm.f32 $0.0e+00;
	v20 =	vimm.f32 $0.0e+00  }
.LBB2_9:
0xe9: {  	p1 =	sne.s32 s17, $0x2580;
	s5 =	sand.u32 $0x3FF0, s16;
	v26 =	vld [tilespmem:s15+$0xFFFFFFD0];
	v15 =	vadd.f32 v15, v25;
	s16 =	smov.u32 s17  }
0xea: {  	v25 =	vld [tilespmem:s5+$0x7800]  }
0xeb: {  	v27 =	vld [tilespmem:s15+$0x10];
	v28 =	vadd.f32 v14, v15  }
0xec: {  	v6 =	vadd.f32 v21, v6;
	v14 =	vadd.f32 v23, v19;
	v15 =	vld [tilespmem:s15+$0x20]  }
0xed: {  	v19 =	vadd.f32 v24, v20;
	v16 =	vadd.f32 v22, v16;
	v20 =	vld [tilespmem:s5+$0x7880]  }
0xee: {  	v6 =	vadd.f32 v17, v6;
	v14 =	vadd.f32 v18, v14;
	v17 =	vld [tilespmem:s15+$0x70]  }
0xef: {  	v18 =	vadd.f32 v25, v19;
	v16 =	vadd.f32 v26, v16;
	v21 =	vld [tilespmem:s15+$0xB0]  }
0xf0: {  	v6 =	vadd.f32 v8, v6;
	v8 =	vadd.f32 v12, v14;
	s15 =	sadd.s32 $0x190, s15;
	v12 =	vld [tilespmem:s5+$0x7900]  }
0xf1: {  	v14 =	vld [tilespmem:s15+$0x80];
	v18 =	vadd.f32 v27, v18;
	v15 =	vadd.f32 v15, v16  }
0xf2: {  	v8 =	vadd.f32 v11, v8;
	v22 =	vld [tilespmem:s15+$0x90];
	v6 =	vadd.f32 v20, v6  }
0xf3: {  	v23 =	vld [tilespmem:s15+$0xA0];
	v13 =	vadd.f32 v13, v18;
	v16 =	vadd.f32 v17, v15  }
0xf4: {  	v19 =	vadd.f32 v7, v8;
	v15 =	vld [tilespmem:s15+$0x30];
	v6 =	vadd.f32 v5, v6  }
0xf5: {  	v11 =	vld [tilespmem:s15+$0x50];
	v20 =	vadd.f32 v21, v13;
	v16 =	vadd.f32 v12, v16  }
0xf6: {  	v13 =	vld [tilespmem:s15+$0x60]  }
0xf7: {  	v17 =	vld [tilespmem:s15+$0xFFFFFF40];
	v5 =	vmov v22  }
0xf8: {  	v22 =	vld [tilespmem:s15+$0xFFFFFFE0];
	v7 =	vmov v23  }
0xf9: {  	v23 =	vld [tilespmem:s15+$0xFFFFFF90]  }
0xfa: {  	v8 =	vld [tilespmem:s15+$0xFFFFFFF0]  }
0xfb: {  	v12 =	vld [tilespmem:s15+$0x0]  }
0xfc: {  	v24 =	vadd.f32 v17, v28;
	v17 =	vld [tilespmem:s15+$0xFFFFFFA0]  }
.Ltmp3:
0xfd: {  	v18 =	vld [tilespmem:s15+$0xFFFFFFB0];
	(pc) =	sbr.rel @p1 .LBB2_9-.Ltmp3, $4  }
0xfe: {  	v21 =	vld [tilespmem:s15+$0xFFFFFF50];
	v25 =	vadd.f32 v23, v24  }
0xff: {  	v23 =	vld [tilespmem:s15+$0xFFFFFF60]  }
0x100: {  	v24 =	vld [tilespmem:s15+$0xFFFFFF70];
	v25 =	vadd.f32 v22, v25  }
0x101: {  	s17 =	sadd.s32 $0x190, s17;
	v22 =	vld [tilespmem:s15+$0xFFFFFF80]  }
0x102: {  	v26 =	vld [tilespmem:s15+$0xFFFFFFD0];
	v27 =	vadd.s32 $0xFFFF8AD0, v3  }
0x103: {  	v29 =	vld [tilespmem:s15+$0x10];
	vm1 =	vgt.s32 v27, $0x0  }
0x104: {  	v31 =	vld [tilespmem:s15+$0x20];
	v30 =	vnsel vm1, $0x0, v27  }
0x105: {  	v33 =	vld [tilespmem:s15+$0x70];
	v30 =	vmin.u32 v30, $0x270F  }
0x106: {  	s5 =	sand.u32 $0x3FF0, s16;
	v34 =	vld [tilespmem:s15+$0xB0]  }
0x107: {  	v28 =	vld [tilespmem:s5+$0x7800]  }
0x108: {  	v32 =	vld [tilespmem:s5+$0x7880]  }
0x109: {  	s15 =	simm.s32 @!p0 $0x0;
	s16 =	simm.s32 @!p0 $0x7780;
	v35 =	vld [tilespmem:s5+$0x7900];
	s5 =	sadd.s32 @!p0 $0x3F7A, s14  }
0x10a: {  	v30 =	vld.idx.msk [tilespmem:v30+s22+$0x0], $0xffff;
	[tilespmem:s16], [sflag:$0x4] =	stream.linear.gather @!p0 [hbm4b:s5+s15], $0x2710, $0x38  }
0x10b: {  	_ =	swait.ge [sflag:s6], $0x2710  }
0x10c: {  	v15 =	vadd.f32 v15, v25;
	v6 =	vadd.f32 v21, v6;
	[sflag:s6] =	ssyncset.done $0x0  }
0x10d: {  	v19 =	vadd.f32 v23, v19;
	v20 =	vadd.f32 v24, v20;
	s15 =	simm.s32 $0x9FC0;
	[sflag:s6] =	ssyncadd.s32 $0xFFFFD8F0  }
0x10e: {  	v21 =	vadd.f32 v14, v15;
	v15 =	vadd.f32 v17, v6;
	v14 =	vld [tilespmem:s15+$0x80]  }
0x10f: {  	v17 =	vadd.f32 v18, v19;
	v18 =	vadd.f32 v28, v20;
	v6 =	vld [tilespmem:s15+$0x90]  }
0x110: {  	v16 =	vadd.f32 v22, v16;
	v19 =	vadd.f32 v8, v15;
	v8 =	vld [tilespmem:s15+$0xA0]  }
0x111: {  	v17 =	vadd.f32 v12, v17;
	v18 =	vadd.f32 v29, v18;
	v15 =	vld [tilespmem:s15+$0x30]  }
0x112: {  	v16 =	vadd.f32 v26, v16;
	v19 =	vadd.f32 v32, v19;
	v12 =	vld [tilespmem:s15+$0x50]  }
0x113: {  	v11 =	vadd.f32 v11, v17;
	v17 =	vadd.f32 v13, v18;
	v13 =	vld [tilespmem:s15+$0x60]  }
0x114: {  	v16 =	vadd.f32 v31, v16;
	v5 =	vadd.f32 v5, v19;
	v18 =	vld [tilespmem:s15+$0xFFFFFF40]  }
0x115: {  	v7 =	vadd.f32 v7, v11;
	v11 =	vadd.f32 v34, v17;
	v19 =	vld [tilespmem:s15+$0xFFFFFFE0]  }
0x116: {  	v16 =	vadd.f32 v33, v16;
	v20 =	vld [tilespmem:s15+$0xFFFFFF90]  }
0x117: {  	v17 =	vadd.f32 v5, v21;
	v23 =	vld [tilespmem:s15+$0xFFFFFF60];
	v21 =	vadd.f32 v11, v7  }
0x118: {  	v16 =	vadd.f32 v35, v16;
	v5 =	vimm.f32 $0.0e+00;
	v24 =	vld [tilespmem:s15+$0xFFFFFF70]  }
0x119: {  	v7 =	vld [tilespmem:s15+$0xFFFFFFF0];
	v21 =	vadd.f32 v21, v17;
	v22 =	vadd.f32 v18, v5  }
0x11a: {  	v11 =	vld [tilespmem:s15+$0x0]  }
0x11b: {  	v17 =	vld [tilespmem:s15+$0xFFFFFFA0];
	v16 =	vadd.f32 v21, v16;
	v20 =	vadd.f32 v20, v22  }
0x11c: {  	vm1 =	vlt.u32 v27, $0x2710;
	v18 =	vld [tilespmem:s15+$0xFFFFFFB0]  }
0x11d: {  	v10 =	vsel vm1, v30, v10;
	v21 =	vld [tilespmem:s15+$0xFFFFFF50];
	v9 =	vadd.f32 v16, v9;
	v25 =	vadd.f32 v19, v20  }
0x11e: {  	s17 =	simm.s32 $0x190;
	s16 =	simm.s32 $0x0;
	v22 =	vld [tilespmem:s15+$0xFFFFFF80];
	v16 =	vimm.f32 $0.0e+00;
	v19 =	vimm.f32 $0.0e+00;
	v20 =	vimm.f32 $0.0e+00  }
.LBB2_11:
0x11f: {  	p1 =	sne.s32 s17, $0x2580;
	s5 =	sand.u32 $0x3FF0, s16;
	v26 =	vld [tilespmem:s15+$0xFFFFFFD0];
	v15 =	vadd.f32 v15, v25;
	s16 =	smov.u32 s17  }
0x120: {  	v25 =	vld [tilespmem:s5+$0x9F80]  }
0x121: {  	v27 =	vld [tilespmem:s15+$0x10];
	v28 =	vadd.f32 v14, v15  }
0x122: {  	v5 =	vadd.f32 v21, v5;
	v14 =	vadd.f32 v23, v19;
	v15 =	vld [tilespmem:s15+$0x20]  }
0x123: {  	v19 =	vadd.f32 v24, v20;
	v16 =	vadd.f32 v22, v16;
	v20 =	vld [tilespmem:s5+$0xA000]  }
0x124: {  	v5 =	vadd.f32 v17, v5;
	v14 =	vadd.f32 v18, v14;
	v17 =	vld [tilespmem:s15+$0x70]  }
0x125: {  	v18 =	vadd.f32 v25, v19;
	v16 =	vadd.f32 v26, v16;
	v21 =	vld [tilespmem:s15+$0xB0]  }
0x126: {  	v5 =	vadd.f32 v7, v5;
	v7 =	vadd.f32 v11, v14;
	s15 =	sadd.s32 $0x190, s15;
	v11 =	vld [tilespmem:s5+$0xA080]  }
0x127: {  	v14 =	vld [tilespmem:s15+$0x80];
	v18 =	vadd.f32 v27, v18;
	v15 =	vadd.f32 v15, v16  }
0x128: {  	v7 =	vadd.f32 v12, v7;
	v22 =	vld [tilespmem:s15+$0x90];
	v5 =	vadd.f32 v20, v5  }
0x129: {  	v23 =	vld [tilespmem:s15+$0xA0];
	v13 =	vadd.f32 v13, v18;
	v16 =	vadd.f32 v17, v15  }
0x12a: {  	v19 =	vadd.f32 v8, v7;
	v15 =	vld [tilespmem:s15+$0x30];
	v5 =	vadd.f32 v6, v5  }
0x12b: {  	v12 =	vld [tilespmem:s15+$0x50];
	v20 =	vadd.f32 v21, v13;
	v16 =	vadd.f32 v11, v16  }
0x12c: {  	v13 =	vld [tilespmem:s15+$0x60]  }
0x12d: {  	v17 =	vld [tilespmem:s15+$0xFFFFFF40];
	v6 =	vmov v22  }
0x12e: {  	v22 =	vld [tilespmem:s15+$0xFFFFFFE0];
	v8 =	vmov v23  }
0x12f: {  	v23 =	vld [tilespmem:s15+$0xFFFFFF90]  }
0x130: {  	v7 =	vld [tilespmem:s15+$0xFFFFFFF0]  }
0x131: {  	v11 =	vld [tilespmem:s15+$0x0]  }
0x132: {  	v24 =	vadd.f32 v17, v28;
	v17 =	vld [tilespmem:s15+$0xFFFFFFA0]  }
.Ltmp4:
0x133: {  	v18 =	vld [tilespmem:s15+$0xFFFFFFB0];
	(pc) =	sbr.rel @p1 .LBB2_11-.Ltmp4, $4  }
0x134: {  	v21 =	vld [tilespmem:s15+$0xFFFFFF50];
	v25 =	vadd.f32 v23, v24  }
0x135: {  	v23 =	vld [tilespmem:s15+$0xFFFFFF60]  }
0x136: {  	v24 =	vld [tilespmem:s15+$0xFFFFFF70];
	v25 =	vadd.f32 v22, v25  }
0x137: {  	s17 =	sadd.s32 $0x190, s17;
	v22 =	vld [tilespmem:s15+$0xFFFFFF80]  }
0x138: {  	v26 =	vld [tilespmem:s15+$0xFFFFFFD0];
	v27 =	vadd.s32 $0xFFFF63C0, v3  }
0x139: {  	v29 =	vld [tilespmem:s15+$0x10];
	vm1 =	vgt.s32 v27, $0x0  }
0x13a: {  	v31 =	vld [tilespmem:s15+$0x20];
	v30 =	vnsel vm1, $0x0, v27  }
0x13b: {  	v33 =	vld [tilespmem:s15+$0x70];
	v30 =	vmin.u32 v30, $0x270F  }
0x13c: {  	s5 =	sand.u32 $0x3FF0, s16;
	v34 =	vld [tilespmem:s15+$0xB0]  }
0x13d: {  	v28 =	vld [tilespmem:s5+$0x9F80]  }
0x13e: {  	v32 =	vld [tilespmem:s5+$0xA000]  }
0x13f: {  	s15 =	simm.s32 @!p0 $0x0;
	s16 =	simm.s32 @!p0 $0x9F00;
	v35 =	vld [tilespmem:s5+$0xA080];
	s5 =	sadd.s32 @!p0 $0x445C, s14  }
0x140: {  	v30 =	vld.idx.msk [tilespmem:v30+s23+$0x0], $0xffff;
	[tilespmem:s16], [sflag:$0x5] =	stream.linear.gather @!p0 [hbm4b:s5+s15], $0x2710, $0x38  }
0x141: {  	_ =	swait.ge [sflag:s7], $0x2710  }
0x142: {  	v15 =	vadd.f32 v15, v25;
	v5 =	vadd.f32 v21, v5;
	[sflag:s7] =	ssyncset.done $0x0  }
0x143: {  	v19 =	vadd.f32 v23, v19;
	v20 =	vadd.f32 v24, v20;
	s15 =	simm.s32 $0xC740;
	[sflag:s7] =	ssyncadd.s32 $0xFFFFD8F0  }
0x144: {  	v21 =	vadd.f32 v14, v15;
	v15 =	vadd.f32 v17, v5;
	v14 =	vld [tilespmem:s15+$0x80]  }
0x145: {  	v17 =	vadd.f32 v18, v19;
	v18 =	vadd.f32 v28, v20;
	v5 =	vld [tilespmem:s15+$0x90]  }
0x146: {  	v16 =	vadd.f32 v22, v16;
	v19 =	vadd.f32 v7, v15;
	v7 =	vld [tilespmem:s15+$0xA0]  }
0x147: {  	v17 =	vadd.f32 v11, v17;
	v18 =	vadd.f32 v29, v18;
	v15 =	vld [tilespmem:s15+$0x30]  }
0x148: {  	v16 =	vadd.f32 v26, v16;
	v19 =	vadd.f32 v32, v19;
	v11 =	vld [tilespmem:s15+$0x50]  }
0x149: {  	v12 =	vadd.f32 v12, v17;
	v17 =	vadd.f32 v13, v18;
	v13 =	vld [tilespmem:s15+$0x60]  }
0x14a: {  	v16 =	vadd.f32 v31, v16;
	v6 =	vadd.f32 v6, v19;
	v18 =	vld [tilespmem:s15+$0xFFFFFF40]  }
0x14b: {  	v8 =	vadd.f32 v8, v12;
	v12 =	vadd.f32 v34, v17;
	v19 =	vld [tilespmem:s15+$0xFFFFFFE0]  }
0x14c: {  	v16 =	vadd.f32 v33, v16;
	v20 =	vld [tilespmem:s15+$0xFFFFFF90]  }
0x14d: {  	v17 =	vadd.f32 v6, v21;
	v23 =	vld [tilespmem:s15+$0xFFFFFF60];
	v21 =	vadd.f32 v12, v8  }
0x14e: {  	v16 =	vadd.f32 v35, v16;
	v6 =	vimm.f32 $0.0e+00;
	v24 =	vld [tilespmem:s15+$0xFFFFFF70]  }
0x14f: {  	v8 =	vld [tilespmem:s15+$0xFFFFFFF0];
	v21 =	vadd.f32 v21, v17;
	v22 =	vadd.f32 v18, v6  }
0x150: {  	v12 =	vld [tilespmem:s15+$0x0]  }
0x151: {  	v17 =	vld [tilespmem:s15+$0xFFFFFFA0];
	v16 =	vadd.f32 v21, v16;
	v20 =	vadd.f32 v20, v22  }
0x152: {  	vm1 =	vlt.u32 v27, $0x2710;
	v18 =	vld [tilespmem:s15+$0xFFFFFFB0]  }
0x153: {  	v10 =	vsel vm1, v30, v10;
	v21 =	vld [tilespmem:s15+$0xFFFFFF50];
	v9 =	vadd.f32 v16, v9;
	v25 =	vadd.f32 v19, v20  }
0x154: {  	s17 =	simm.s32 $0x190;
	s16 =	simm.s32 $0x0;
	v22 =	vld [tilespmem:s15+$0xFFFFFF80];
	v16 =	vimm.f32 $0.0e+00;
	v19 =	vimm.f32 $0.0e+00;
	v20 =	vimm.f32 $0.0e+00  }
.LBB2_13:
0x155: {  	p1 =	sne.s32 s17, $0x2580;
	s5 =	sand.u32 $0x3FF0, s16;
	v26 =	vld [tilespmem:s15+$0xFFFFFFD0];
	v15 =	vadd.f32 v15, v25;
	s16 =	smov.u32 s17  }
0x156: {  	v25 =	vld [tilespmem:s5+$0xC700]  }
0x157: {  	v27 =	vld [tilespmem:s15+$0x10];
	v28 =	vadd.f32 v14, v15  }
0x158: {  	v6 =	vadd.f32 v21, v6;
	v14 =	vadd.f32 v23, v19;
	v15 =	vld [tilespmem:s15+$0x20]  }
0x159: {  	v19 =	vadd.f32 v24, v20;
	v16 =	vadd.f32 v22, v16;
	v20 =	vld [tilespmem:s5+$0xC780]  }
0x15a: {  	v6 =	vadd.f32 v17, v6;
	v14 =	vadd.f32 v18, v14;
	v17 =	vld [tilespmem:s15+$0x70]  }
0x15b: {  	v18 =	vadd.f32 v25, v19;
	v16 =	vadd.f32 v26, v16;
	v21 =	vld [tilespmem:s15+$0xB0]  }
0x15c: {  	v6 =	vadd.f32 v8, v6;
	v8 =	vadd.f32 v12, v14;
	s15 =	sadd.s32 $0x190, s15;
	v12 =	vld [tilespmem:s5+$0xC800]  }
0x15d: {  	v14 =	vld [tilespmem:s15+$0x80];
	v18 =	vadd.f32 v27, v18;
	v15 =	vadd.f32 v15, v16  }
0x15e: {  	v8 =	vadd.f32 v11, v8;
	v22 =	vld [tilespmem:s15+$0x90];
	v6 =	vadd.f32 v20, v6  }
0x15f: {  	v23 =	vld [tilespmem:s15+$0xA0];
	v13 =	vadd.f32 v13, v18;
	v16 =	vadd.f32 v17, v15  }
0x160: {  	v19 =	vadd.f32 v7, v8;
	v15 =	vld [tilespmem:s15+$0x30];
	v6 =	vadd.f32 v5, v6  }
0x161: {  	v11 =	vld [tilespmem:s15+$0x50];
	v20 =	vadd.f32 v21, v13;
	v16 =	vadd.f32 v12, v16  }
0x162: {  	v13 =	vld [tilespmem:s15+$0x60]  }
0x163: {  	v17 =	vld [tilespmem:s15+$0xFFFFFF40];
	v5 =	vmov v22  }
0x164: {  	v22 =	vld [tilespmem:s15+$0xFFFFFFE0];
	v7 =	vmov v23  }
0x165: {  	v23 =	vld [tilespmem:s15+$0xFFFFFF90]  }
0x166: {  	v8 =	vld [tilespmem:s15+$0xFFFFFFF0]  }
0x167: {  	v12 =	vld [tilespmem:s15+$0x0]  }
0x168: {  	v24 =	vadd.f32 v17, v28;
	v17 =	vld [tilespmem:s15+$0xFFFFFFA0]  }
.Ltmp5:
0x169: {  	v18 =	vld [tilespmem:s15+$0xFFFFFFB0];
	(pc) =	sbr.rel @p1 .LBB2_13-.Ltmp5, $4  }
0x16a: {  	v21 =	vld [tilespmem:s15+$0xFFFFFF50];
	v25 =	vadd.f32 v23, v24  }
0x16b: {  	v23 =	vld [tilespmem:s15+$0xFFFFFF60]  }
0x16c: {  	v24 =	vld [tilespmem:s15+$0xFFFFFF70];
	v25 =	vadd.f32 v22, v25  }
0x16d: {  	s17 =	sadd.s32 $0x190, s17;
	v22 =	vld [tilespmem:s15+$0xFFFFFF80]  }
0x16e: {  	v26 =	vld [tilespmem:s15+$0xFFFFFFD0];
	v27 =	vadd.s32 $0xFFFF3CB0, v3  }
0x16f: {  	v29 =	vld [tilespmem:s15+$0x10];
	vm1 =	vgt.s32 v27, $0x0  }
0x170: {  	v31 =	vld [tilespmem:s15+$0x20];
	v30 =	vnsel vm1, $0x0, v27  }
0x171: {  	v33 =	vld [tilespmem:s15+$0x70];
	v30 =	vmin.u32 v30, $0x270F  }
0x172: {  	s5 =	sand.u32 $0x3FF0, s16;
	v34 =	vld [tilespmem:s15+$0xB0]  }
0x173: {  	v28 =	vld [tilespmem:s5+$0xC700]  }
0x174: {  	v32 =	vld [tilespmem:s5+$0xC780]  }
0x175: {  	s15 =	simm.s32 @!p0 $0x0;
	s16 =	simm.s32 @!p0 $0xC680;
	v35 =	vld [tilespmem:s5+$0xC800];
	s5 =	sadd.s32 @!p0 $0x493E, s14  }
0x176: {  	v30 =	vld.idx.msk [tilespmem:v30+s24+$0x0], $0xffff;
	[tilespmem:s16], [sflag:$0x6] =	stream.linear.gather @!p0 [hbm4b:s5+s15], $0x2710, $0x38  }
0x177: {  	_ =	swait.ge [sflag:s8], $0x2710  }
0x178: {  	v15 =	vadd.f32 v15, v25;
	v6 =	vadd.f32 v21, v6;
	[sflag:s8] =	ssyncset.done $0x0  }
0x179: {  	v19 =	vadd.f32 v23, v19;
	v20 =	vadd.f32 v24, v20;
	s15 =	simm.s32 $0xEEC0;
	[sflag:s8] =	ssyncadd.s32 $0xFFFFD8F0  }
0x17a: {  	v21 =	vadd.f32 v14, v15;
	v15 =	vadd.f32 v17, v6;
	v14 =	vld [tilespmem:s15+$0x80]  }
0x17b: {  	v17 =	vadd.f32 v18, v19;
	v18 =	vadd.f32 v28, v20;
	v6 =	vld [tilespmem:s15+$0x90]  }
0x17c: {  	v16 =	vadd.f32 v22, v16;
	v19 =	vadd.f32 v8, v15;
	v8 =	vld [tilespmem:s15+$0xA0]  }
0x17d: {  	v17 =	vadd.f32 v12, v17;
	v18 =	vadd.f32 v29, v18;
	v15 =	vld [tilespmem:s15+$0x30]  }
0x17e: {  	v16 =	vadd.f32 v26, v16;
	v19 =	vadd.f32 v32, v19;
	v12 =	vld [tilespmem:s15+$0x50]  }
0x17f: {  	v11 =	vadd.f32 v11, v17;
	v17 =	vadd.f32 v13, v18;
	v13 =	vld [tilespmem:s15+$0x60]  }
0x180: {  	v16 =	vadd.f32 v31, v16;
	v5 =	vadd.f32 v5, v19;
	v18 =	vld [tilespmem:s15+$0xFFFFFF40]  }
0x181: {  	v7 =	vadd.f32 v7, v11;
	v11 =	vadd.f32 v34, v17;
	v19 =	vld [tilespmem:s15+$0xFFFFFFE0]  }
0x182: {  	v16 =	vadd.f32 v33, v16;
	v20 =	vld [tilespmem:s15+$0xFFFFFF90]  }
0x183: {  	v17 =	vadd.f32 v5, v21;
	v23 =	vld [tilespmem:s15+$0xFFFFFF60];
	v21 =	vadd.f32 v11, v7  }
0x184: {  	v16 =	vadd.f32 v35, v16;
	v5 =	vimm.f32 $0.0e+00;
	v24 =	vld [tilespmem:s15+$0xFFFFFF70]  }
0x185: {  	v7 =	vld [tilespmem:s15+$0xFFFFFFF0];
	v21 =	vadd.f32 v21, v17;
	v22 =	vadd.f32 v18, v5  }
0x186: {  	v11 =	vld [tilespmem:s15+$0x0]  }
0x187: {  	v17 =	vld [tilespmem:s15+$0xFFFFFFA0];
	v16 =	vadd.f32 v21, v16;
	v20 =	vadd.f32 v20, v22  }
0x188: {  	vm1 =	vlt.u32 v27, $0x2710;
	v18 =	vld [tilespmem:s15+$0xFFFFFFB0]  }
0x189: {  	v10 =	vsel vm1, v30, v10;
	v21 =	vld [tilespmem:s15+$0xFFFFFF50];
	v9 =	vadd.f32 v16, v9;
	v25 =	vadd.f32 v19, v20  }
0x18a: {  	s17 =	simm.s32 $0x190;
	s16 =	simm.s32 $0x0;
	v22 =	vld [tilespmem:s15+$0xFFFFFF80];
	v16 =	vimm.f32 $0.0e+00;
	v19 =	vimm.f32 $0.0e+00;
	v20 =	vimm.f32 $0.0e+00  }
.LBB2_15:
0x18b: {  	p1 =	sne.s32 s17, $0x2580;
	s5 =	sand.u32 $0x3FF0, s16;
	v26 =	vld [tilespmem:s15+$0xFFFFFFD0];
	v15 =	vadd.f32 v15, v25;
	s16 =	smov.u32 s17  }
0x18c: {  	v25 =	vld [tilespmem:s5+$0xEE80]  }
0x18d: {  	v27 =	vld [tilespmem:s15+$0x10];
	v28 =	vadd.f32 v14, v15  }
0x18e: {  	v5 =	vadd.f32 v21, v5;
	v14 =	vadd.f32 v23, v19;
	v15 =	vld [tilespmem:s15+$0x20]  }
0x18f: {  	v19 =	vadd.f32 v24, v20;
	v16 =	vadd.f32 v22, v16;
	v20 =	vld [tilespmem:s5+$0xEF00]  }
0x190: {  	v5 =	vadd.f32 v17, v5;
	v14 =	vadd.f32 v18, v14;
	v17 =	vld [tilespmem:s15+$0x70]  }
0x191: {  	v18 =	vadd.f32 v25, v19;
	v16 =	vadd.f32 v26, v16;
	v21 =	vld [tilespmem:s15+$0xB0]  }
0x192: {  	v5 =	vadd.f32 v7, v5;
	v7 =	vadd.f32 v11, v14;
	s15 =	sadd.s32 $0x190, s15;
	v11 =	vld [tilespmem:s5+$0xEF80]  }
0x193: {  	v14 =	vld [tilespmem:s15+$0x80];
	v18 =	vadd.f32 v27, v18;
	v15 =	vadd.f32 v15, v16  }
0x194: {  	v7 =	vadd.f32 v12, v7;
	v22 =	vld [tilespmem:s15+$0x90];
	v5 =	vadd.f32 v20, v5  }
0x195: {  	v23 =	vld [tilespmem:s15+$0xA0];
	v13 =	vadd.f32 v13, v18;
	v16 =	vadd.f32 v17, v15  }
0x196: {  	v19 =	vadd.f32 v8, v7;
	v15 =	vld [tilespmem:s15+$0x30];
	v5 =	vadd.f32 v6, v5  }
0x197: {  	v12 =	vld [tilespmem:s15+$0x50];
	v20 =	vadd.f32 v21, v13;
	v16 =	vadd.f32 v11, v16  }
0x198: {  	v13 =	vld [tilespmem:s15+$0x60]  }
0x199: {  	v17 =	vld [tilespmem:s15+$0xFFFFFF40];
	v6 =	vmov v22  }
0x19a: {  	v22 =	vld [tilespmem:s15+$0xFFFFFFE0];
	v8 =	vmov v23  }
0x19b: {  	v23 =	vld [tilespmem:s15+$0xFFFFFF90]  }
0x19c: {  	v7 =	vld [tilespmem:s15+$0xFFFFFFF0]  }
0x19d: {  	v11 =	vld [tilespmem:s15+$0x0]  }
0x19e: {  	v24 =	vadd.f32 v17, v28;
	v17 =	vld [tilespmem:s15+$0xFFFFFFA0]  }
.Ltmp6:
0x19f: {  	v18 =	vld [tilespmem:s15+$0xFFFFFFB0];
	(pc) =	sbr.rel @p1 .LBB2_15-.Ltmp6, $4  }
0x1a0: {  	v21 =	vld [tilespmem:s15+$0xFFFFFF50];
	v25 =	vadd.f32 v23, v24  }
0x1a1: {  	v23 =	vld [tilespmem:s15+$0xFFFFFF60]  }
0x1a2: {  	v24 =	vld [tilespmem:s15+$0xFFFFFF70];
	v25 =	vadd.f32 v22, v25  }
0x1a3: {  	s17 =	sadd.s32 $0x190, s17;
	v22 =	vld [tilespmem:s15+$0xFFFFFF80]  }
0x1a4: {  	v26 =	vld [tilespmem:s15+$0xFFFFFFD0];
	v27 =	vadd.s32 $0xFFFF15A0, v3  }
0x1a5: {  	v29 =	vld [tilespmem:s15+$0x10];
	vm1 =	vgt.s32 v27, $0x0  }
0x1a6: {  	v31 =	vld [tilespmem:s15+$0x20];
	v30 =	vnsel vm1, $0x0, v27  }
0x1a7: {  	v33 =	vld [tilespmem:s15+$0x70];
	v30 =	vmin.u32 v30, $0x270F  }
0x1a8: {  	s5 =	sand.u32 $0x3FF0, s16;
	v34 =	vld [tilespmem:s15+$0xB0]  }
0x1a9: {  	v28 =	vld [tilespmem:s5+$0xEE80]  }
0x1aa: {  	v32 =	vld [tilespmem:s5+$0xEF00]  }
0x1ab: {  	s15 =	simm.s32 @!p0 $0x0;
	s16 =	simm.s32 @!p0 $0xEE00;
	v35 =	vld [tilespmem:s5+$0xEF80];
	s5 =	sadd.s32 @!p0 $0x4E20, s14  }
0x1ac: {  	v30 =	vld.idx.msk [tilespmem:v30+s25+$0x0], $0xffff;
	[tilespmem:s16], [sflag:$0x7] =	stream.linear.gather @!p0 [hbm4b:s5+s15], $0x2710, $0x38  }
0x1ad: {  	_ =	swait.ge [sflag:s9], $0x2710  }
0x1ae: {  	v15 =	vadd.f32 v15, v25;
	v5 =	vadd.f32 v21, v5;
	[sflag:s9] =	ssyncset.done $0x0  }
0x1af: {  	v19 =	vadd.f32 v23, v19;
	v20 =	vadd.f32 v24, v20;
	s15 =	simm.s32 $0x11640;
	[sflag:s9] =	ssyncadd.s32 $0xFFFFD8F0  }
0x1b0: {  	v21 =	vadd.f32 v14, v15;
	v15 =	vadd.f32 v17, v5;
	v14 =	vld [tilespmem:s15+$0x80]  }
0x1b1: {  	v17 =	vadd.f32 v18, v19;
	v18 =	vadd.f32 v28, v20;
	v5 =	vld [tilespmem:s15+$0x90]  }
0x1b2: {  	v16 =	vadd.f32 v22, v16;
	v19 =	vadd.f32 v7, v15;
	v7 =	vld [tilespmem:s15+$0xA0]  }
0x1b3: {  	v17 =	vadd.f32 v11, v17;
	v18 =	vadd.f32 v29, v18;
	v15 =	vld [tilespmem:s15+$0x30]  }
0x1b4: {  	v16 =	vadd.f32 v26, v16;
	v19 =	vadd.f32 v32, v19;
	v11 =	vld [tilespmem:s15+$0x50]  }
0x1b5: {  	v12 =	vadd.f32 v12, v17;
	v17 =	vadd.f32 v13, v18;
	v13 =	vld [tilespmem:s15+$0x60]  }
0x1b6: {  	v16 =	vadd.f32 v31, v16;
	v6 =	vadd.f32 v6, v19;
	v18 =	vld [tilespmem:s15+$0xFFFFFF40]  }
0x1b7: {  	v8 =	vadd.f32 v8, v12;
	v12 =	vadd.f32 v34, v17;
	v19 =	vld [tilespmem:s15+$0xFFFFFFE0]  }
0x1b8: {  	v16 =	vadd.f32 v33, v16;
	v20 =	vld [tilespmem:s15+$0xFFFFFF90]  }
0x1b9: {  	v17 =	vadd.f32 v6, v21;
	v23 =	vld [tilespmem:s15+$0xFFFFFF60];
	v21 =	vadd.f32 v12, v8  }
0x1ba: {  	v16 =	vadd.f32 v35, v16;
	v6 =	vimm.f32 $0.0e+00;
	v24 =	vld [tilespmem:s15+$0xFFFFFF70]  }
0x1bb: {  	v8 =	vld [tilespmem:s15+$0xFFFFFFF0];
	v21 =	vadd.f32 v21, v17;
	v22 =	vadd.f32 v18, v6  }
0x1bc: {  	v12 =	vld [tilespmem:s15+$0x0]  }
0x1bd: {  	v17 =	vld [tilespmem:s15+$0xFFFFFFA0];
	v16 =	vadd.f32 v21, v16;
	v20 =	vadd.f32 v20, v22  }
0x1be: {  	vm1 =	vlt.u32 v27, $0x2710;
	v18 =	vld [tilespmem:s15+$0xFFFFFFB0]  }
0x1bf: {  	v10 =	vsel vm1, v30, v10;
	v21 =	vld [tilespmem:s15+$0xFFFFFF50];
	v9 =	vadd.f32 v16, v9;
	v25 =	vadd.f32 v19, v20  }
0x1c0: {  	s17 =	simm.s32 $0x190;
	s16 =	simm.s32 $0x0;
	v22 =	vld [tilespmem:s15+$0xFFFFFF80];
	v16 =	vimm.f32 $0.0e+00;
	v19 =	vimm.f32 $0.0e+00;
	v20 =	vimm.f32 $0.0e+00  }
.LBB2_17:
0x1c1: {  	p1 =	sne.s32 s17, $0x2580;
	s5 =	sand.u32 $0x3FF0, s16;
	v26 =	vld [tilespmem:s15+$0xFFFFFFD0];
	v15 =	vadd.f32 v15, v25;
	s16 =	smov.u32 s17  }
0x1c2: {  	v25 =	vld [tilespmem:s5+$0x11600]  }
0x1c3: {  	v27 =	vld [tilespmem:s15+$0x10];
	v28 =	vadd.f32 v14, v15  }
0x1c4: {  	v6 =	vadd.f32 v21, v6;
	v14 =	vadd.f32 v23, v19;
	v15 =	vld [tilespmem:s15+$0x20]  }
0x1c5: {  	v19 =	vadd.f32 v24, v20;
	v16 =	vadd.f32 v22, v16;
	v20 =	vld [tilespmem:s5+$0x11680]  }
0x1c6: {  	v6 =	vadd.f32 v17, v6;
	v14 =	vadd.f32 v18, v14;
	v17 =	vld [tilespmem:s15+$0x70]  }
0x1c7: {  	v18 =	vadd.f32 v25, v19;
	v16 =	vadd.f32 v26, v16;
	v21 =	vld [tilespmem:s15+$0xB0]  }
0x1c8: {  	v6 =	vadd.f32 v8, v6;
	v8 =	vadd.f32 v12, v14;
	s15 =	sadd.s32 $0x190, s15;
	v12 =	vld [tilespmem:s5+$0x11700]  }
0x1c9: {  	v14 =	vld [tilespmem:s15+$0x80];
	v18 =	vadd.f32 v27, v18;
	v15 =	vadd.f32 v15, v16  }
0x1ca: {  	v8 =	vadd.f32 v11, v8;
	v22 =	vld [tilespmem:s15+$0x90];
	v6 =	vadd.f32 v20, v6  }
0x1cb: {  	v23 =	vld [tilespmem:s15+$0xA0];
	v13 =	vadd.f32 v13, v18;
	v16 =	vadd.f32 v17, v15  }
0x1cc: {  	v19 =	vadd.f32 v7, v8;
	v15 =	vld [tilespmem:s15+$0x30];
	v6 =	vadd.f32 v5, v6  }
0x1cd: {  	v11 =	vld [tilespmem:s15+$0x50];
	v20 =	vadd.f32 v21, v13;
	v16 =	vadd.f32 v12, v16  }
0x1ce: {  	v13 =	vld [tilespmem:s15+$0x60]  }
0x1cf: {  	v17 =	vld [tilespmem:s15+$0xFFFFFF40];
	v5 =	vmov v22  }
0x1d0: {  	v22 =	vld [tilespmem:s15+$0xFFFFFFE0];
	v7 =	vmov v23  }
0x1d1: {  	v23 =	vld [tilespmem:s15+$0xFFFFFF90]  }
0x1d2: {  	v8 =	vld [tilespmem:s15+$0xFFFFFFF0]  }
0x1d3: {  	v12 =	vld [tilespmem:s15+$0x0]  }
0x1d4: {  	v24 =	vadd.f32 v17, v28;
	v17 =	vld [tilespmem:s15+$0xFFFFFFA0]  }
.Ltmp7:
0x1d5: {  	v18 =	vld [tilespmem:s15+$0xFFFFFFB0];
	(pc) =	sbr.rel @p1 .LBB2_17-.Ltmp7, $4  }
0x1d6: {  	v21 =	vld [tilespmem:s15+$0xFFFFFF50];
	v25 =	vadd.f32 v23, v24  }
0x1d7: {  	v23 =	vld [tilespmem:s15+$0xFFFFFF60]  }
0x1d8: {  	v24 =	vld [tilespmem:s15+$0xFFFFFF70];
	v25 =	vadd.f32 v22, v25  }
0x1d9: {  	s17 =	sadd.s32 $0x190, s17;
	v22 =	vld [tilespmem:s15+$0xFFFFFF80]  }
0x1da: {  	v26 =	vld [tilespmem:s15+$0xFFFFFFD0];
	v27 =	vadd.s32 $0xFFFEEE90, v3  }
0x1db: {  	v29 =	vld [tilespmem:s15+$0x10];
	vm1 =	vgt.s32 v27, $0x0  }
0x1dc: {  	v31 =	vld [tilespmem:s15+$0x20];
	v30 =	vnsel vm1, $0x0, v27  }
0x1dd: {  	v33 =	vld [tilespmem:s15+$0x70];
	v30 =	vmin.u32 v30, $0x270F  }
0x1de: {  	s5 =	sand.u32 $0x3FF0, s16;
	v34 =	vld [tilespmem:s15+$0xB0]  }
0x1df: {  	v28 =	vld [tilespmem:s5+$0x11600]  }
0x1e0: {  	v32 =	vld [tilespmem:s5+$0x11680]  }
0x1e1: {  	s15 =	simm.s32 @!p0 $0x0;
	s16 =	simm.s32 @!p0 $0x11580;
	v35 =	vld [tilespmem:s5+$0x11700];
	s5 =	sadd.s32 @!p0 $0x5302, s14  }
0x1e2: {  	v30 =	vld.idx.msk [tilespmem:v30+s26+$0x0], $0xffff;
	[tilespmem:s16], [sflag:$0x8] =	stream.linear.gather @!p0 [hbm4b:s5+s15], $0x2710, $0x38  }
0x1e3: {  	_ =	swait.ge [sflag:s10], $0x2710  }
0x1e4: {  	v15 =	vadd.f32 v15, v25;
	v6 =	vadd.f32 v21, v6;
	[sflag:s10] =	ssyncset.done $0x0  }
0x1e5: {  	v19 =	vadd.f32 v23, v19;
	v20 =	vadd.f32 v24, v20;
	s15 =	simm.s32 $0x13DC0;
	[sflag:s10] =	ssyncadd.s32 $0xFFFFD8F0  }
0x1e6: {  	v15 =	vadd.f32 v14, v15;
	v17 =	vadd.f32 v17, v6;
	v14 =	vld [tilespmem:s15+$0x80]  }
0x1e7: {  	v18 =	vadd.f32 v18, v19;
	v19 =	vadd.f32 v28, v20;
	v6 =	vld [tilespmem:s15+$0x90]  }
0x1e8: {  	v17 =	vadd.f32 v8, v17;
	v20 =	vadd.f32 v22, v16;
	v8 =	vld [tilespmem:s15+$0xA0]  }
0x1e9: {  	v18 =	vadd.f32 v12, v18;
	v19 =	vadd.f32 v29, v19;
	v16 =	vld [tilespmem:s15+$0x30]  }
0x1ea: {  	v17 =	vadd.f32 v32, v17;
	v20 =	vadd.f32 v26, v20;
	v12 =	vld [tilespmem:s15+$0x50]  }
0x1eb: {  	v18 =	vadd.f32 v11, v18;
	v13 =	vadd.f32 v13, v19;
	v11 =	vld [tilespmem:s15+$0x60]  }
0x1ec: {  	v5 =	vadd.f32 v5, v17;
	v19 =	vadd.f32 v31, v20;
	v20 =	vld [tilespmem:s15+$0xFFFFFF40]  }
0x1ed: {  	v7 =	vadd.f32 v7, v18;
	v13 =	vadd.f32 v34, v13;
	v22 =	vld [tilespmem:s15+$0xFFFFFFE0]  }
0x1ee: {  	v17 =	vadd.f32 v33, v19;
	v23 =	vld [tilespmem:s15+$0xFFFFFF90]  }
0x1ef: {  	v5 =	vadd.f32 v5, v15;
	v15 =	vld [tilespmem:s15+$0x0];
	v7 =	vadd.f32 v13, v7  }
0x1f0: {  	v18 =	vld [tilespmem:s15+$0xFFFFFFA0];
	v21 =	vadd.f32 v35, v17;
	v17 =	vimm.f32 $0.0e+00  }
0x1f1: {  	v19 =	vld [tilespmem:s15+$0xFFFFFFB0];
	v5 =	vadd.f32 v7, v5;
	v7 =	vadd.f32 v20, v17  }
0x1f2: {  	v24 =	vld [tilespmem:s15+$0xFFFFFF70]  }
0x1f3: {  	v13 =	vld [tilespmem:s15+$0xFFFFFFF0];
	v20 =	vadd.f32 v23, v7  }
0x1f4: {  	vm1 =	vlt.u32 v27, $0x2710;
	v5 =	vadd.f32 v5, v21;
	v21 =	vld [tilespmem:s15+$0xFFFFFF50]  }
0x1f5: {  	v23 =	vld [tilespmem:s15+$0xFFFFFF60];
	v7 =	vsel vm1, v30, v10;
	v10 =	vimm.f32 $0.0e+00;
	v25 =	vadd.f32 v22, v20  }
0x1f6: {  	s17 =	simm.s32 $0x190;
	s16 =	simm.s32 $0x0;
	v5 =	vadd.f32 v5, v9;
	v9 =	vimm.f32 $0.0e+00;
	v22 =	vld [tilespmem:s15+$0xFFFFFF80];
	v20 =	vimm.f32 $0.0e+00  }
.LBB2_19:
0x1f7: {  	p1 =	sne.s32 s17, $0x2580;
	s5 =	sand.u32 $0x3FF0, s16;
	v26 =	vld [tilespmem:s15+$0xFFFFFFD0];
	v16 =	vadd.f32 v16, v25;
	s16 =	smov.u32 s17  }
0x1f8: {  	v25 =	vld [tilespmem:s5+$0x13D80]  }
0x1f9: {  	v27 =	vld [tilespmem:s15+$0x10];
	v28 =	vadd.f32 v14, v16  }
0x1fa: {  	v14 =	vadd.f32 v21, v17;
	v9 =	vadd.f32 v23, v9;
	v16 =	vld [tilespmem:s15+$0x20]  }
0x1fb: {  	v17 =	vadd.f32 v24, v20;
	v10 =	vadd.f32 v22, v10;
	v20 =	vld [tilespmem:s5+$0x13E00]  }
0x1fc: {  	v14 =	vadd.f32 v18, v14;
	v9 =	vadd.f32 v19, v9;
	v18 =	vld [tilespmem:s15+$0x70]  }
0x1fd: {  	v17 =	vadd.f32 v25, v17;
	v10 =	vadd.f32 v26, v10;
	v19 =	vld [tilespmem:s15+$0xB0]  }
0x1fe: {  	v13 =	vadd.f32 v13, v14;
	v9 =	vadd.f32 v15, v9;
	s15 =	sadd.s32 $0x190, s15;
	v15 =	vld [tilespmem:s5+$0x13E80]  }
0x1ff: {  	v14 =	vld [tilespmem:s15+$0x80];
	v17 =	vadd.f32 v27, v17;
	v10 =	vadd.f32 v16, v10  }
0x200: {  	v9 =	vadd.f32 v12, v9;
	v21 =	vld [tilespmem:s15+$0x90];
	v13 =	vadd.f32 v20, v13  }
0x201: {  	v22 =	vld [tilespmem:s15+$0xA0];
	v11 =	vadd.f32 v11, v17;
	v10 =	vadd.f32 v18, v10  }
0x202: {  	v9 =	vadd.f32 v8, v9;
	v16 =	vld [tilespmem:s15+$0x30];
	v17 =	vadd.f32 v6, v13  }
0x203: {  	v12 =	vld [tilespmem:s15+$0x50];
	v20 =	vadd.f32 v19, v11;
	v10 =	vadd.f32 v15, v10  }
0x204: {  	v11 =	vld [tilespmem:s15+$0x60]  }
0x205: {  	v18 =	vld [tilespmem:s15+$0xFFFFFF40];
	v6 =	vmov v21  }
0x206: {  	v25 =	vld [tilespmem:s15+$0xFFFFFFE0];
	v8 =	vmov v22  }
0x207: {  	v22 =	vld [tilespmem:s15+$0xFFFFFF90]  }
0x208: {  	v13 =	vld [tilespmem:s15+$0xFFFFFFF0]  }
0x209: {  	v15 =	vld [tilespmem:s15+$0x0]  }
0x20a: {  	v23 =	vadd.f32 v18, v28;
	v18 =	vld [tilespmem:s15+$0xFFFFFFA0]  }
.Ltmp8:
0x20b: {  	v19 =	vld [tilespmem:s15+$0xFFFFFFB0];
	(pc) =	sbr.rel @p1 .LBB2_19-.Ltmp8, $4  }
0x20c: {  	v21 =	vld [tilespmem:s15+$0xFFFFFF50];
	v22 =	vadd.f32 v22, v23  }
0x20d: {  	v23 =	vld [tilespmem:s15+$0xFFFFFF60]  }
0x20e: {  	v24 =	vld [tilespmem:s15+$0xFFFFFF70];
	v25 =	vadd.f32 v25, v22  }
0x20f: {  	s17 =	sadd.s32 $0x190, s17;
	v22 =	vld [tilespmem:s15+$0xFFFFFF80]  }
0x210: {  	v26 =	vld [tilespmem:s15+$0xFFFFFFD0];
	v27 =	vadd.s32 $0xFFFEC780, v3  }
0x211: {  	v29 =	vld [tilespmem:s15+$0x10];
	vm1 =	vgt.s32 v27, $0x0  }
0x212: {  	v31 =	vld [tilespmem:s15+$0x20];
	v30 =	vnsel vm1, $0x0, v27  }
0x213: {  	v33 =	vld [tilespmem:s15+$0x70];
	v30 =	vmin.u32 v30, $0x270F  }
0x214: {  	s5 =	sand.u32 $0x3FF0, s16;
	v34 =	vld [tilespmem:s15+$0xB0]  }
0x215: {  	v28 =	vld [tilespmem:s5+$0x13D80]  }
0x216: {  	v32 =	vld [tilespmem:s5+$0x13E00]  }
0x217: {  	s15 =	simm.s32 @!p0 $0x0;
	s16 =	simm.s32 @!p0 $0x13D00;
	v35 =	vld [tilespmem:s5+$0x13E80];
	s5 =	sadd.s32 @!p0 $0x57E4, s14  }
0x218: {  	v30 =	vld.idx.msk [tilespmem:v30+s28+$0x0], $0xffff;
	[tilespmem:s16], [sflag:$0x9] =	stream.linear.gather @!p0 [hbm4b:s5+s15], $0x2710, $0x38  }
0x219: {  	_ =	swait.ge [sflag:s11], $0x2710  }
0x21a: {  	v16 =	vadd.f32 v16, v25;
	v17 =	vadd.f32 v21, v17;
	[sflag:s11] =	ssyncset.done $0x0  }
0x21b: {  	v9 =	vadd.f32 v23, v9;
	v20 =	vadd.f32 v24, v20;
	s15 =	simm.s32 $0x16540;
	[sflag:s11] =	ssyncadd.s32 $0xFFFFD8F0  }
0x21c: {  	v16 =	vadd.f32 v14, v16;
	v17 =	vadd.f32 v18, v17;
	v14 =	vld [tilespmem:s15+$0x80]  }
0x21d: {  	v18 =	vadd.f32 v19, v9;
	v19 =	vadd.f32 v28, v20;
	v9 =	vld [tilespmem:s15+$0x90]  }
0x21e: {  	v13 =	vadd.f32 v13, v17;
	v20 =	vadd.f32 v22, v10;
	v10 =	vld [tilespmem:s15+$0xA0]  }
0x21f: {  	v17 =	vadd.f32 v15, v18;
	v18 =	vadd.f32 v29, v19;
	v15 =	vld [tilespmem:s15+$0x30]  }
0x220: {  	v19 =	vadd.f32 v26, v20;
	v20 =	vadd.f32 v32, v13;
	v13 =	vld [tilespmem:s15+$0x50]  }
0x221: {  	v12 =	vadd.f32 v12, v17;
	v17 =	vadd.f32 v11, v18;
	v11 =	vld [tilespmem:s15+$0x60]  }
0x222: {  	v18 =	vadd.f32 v31, v19;
	v6 =	vadd.f32 v6, v20;
	v19 =	vld [tilespmem:s15+$0xFFFFFF40]  }
0x223: {  	v8 =	vadd.f32 v8, v12;
	v12 =	vadd.f32 v34, v17;
	v20 =	vld [tilespmem:s15+$0xFFFFFFE0]  }
0x224: {  	v17 =	vadd.f32 v33, v18;
	v22 =	vld [tilespmem:s15+$0xFFFFFF90]  }
0x225: {  	v6 =	vadd.f32 v6, v16;
	v23 =	vld [tilespmem:s15+$0xFFFFFF60];
	v18 =	vadd.f32 v12, v8  }
0x226: {  	v16 =	vimm.f32 $0.0e+00;
	v24 =	vld [tilespmem:s15+$0xFFFFFF70];
	v21 =	vadd.f32 v35, v17  }
0x227: {  	v8 =	vld [tilespmem:s15+$0xFFFFFFF0];
	v6 =	vadd.f32 v18, v6;
	v19 =	vadd.f32 v19, v16  }
0x228: {  	v12 =	vld [tilespmem:s15+$0x0]  }
0x229: {  	v17 =	vld [tilespmem:s15+$0xFFFFFFB0];
	v6 =	vadd.f32 v6, v21;
	v19 =	vadd.f32 v22, v19  }
0x22a: {  	vm1 =	vlt.u32 v27, $0x2710;
	v18 =	vld [tilespmem:s15+$0xFFFFFFA0]  }
0x22b: {  	v21 =	vld [tilespmem:s15+$0xFFFFFF50];
	v5 =	vadd.f32 v6, v5;
	v6 =	vsel vm1, v30, v7;
	v25 =	vadd.f32 v20, v19  }
0x22c: {  	s17 =	simm.s32 $0x190;
	s16 =	simm.s32 $0x0;
	v22 =	vld [tilespmem:s15+$0xFFFFFF80];
	v7 =	vimm.f32 $0.0e+00;
	v19 =	vimm.f32 $0.0e+00;
	v20 =	vimm.f32 $0.0e+00  }
.LBB2_21:
0x22d: {  	p1 =	sne.s32 s17, $0x2580;
	s5 =	sand.u32 $0x3FF0, s16;
	v26 =	vld [tilespmem:s15+$0xFFFFFFD0];
	v15 =	vadd.f32 v15, v25;
	s16 =	smov.u32 s17  }
0x22e: {  	v25 =	vld [tilespmem:s5+$0x16500]  }
0x22f: {  	v27 =	vld [tilespmem:s15+$0x10];
	v28 =	vadd.f32 v14, v15  }
0x230: {  	v14 =	vadd.f32 v21, v16;
	v15 =	vadd.f32 v23, v19;
	v16 =	vld [tilespmem:s15+$0x20]  }
0x231: {  	v19 =	vadd.f32 v24, v20;
	v7 =	vadd.f32 v22, v7;
	v20 =	vld [tilespmem:s5+$0x16580]  }
0x232: {  	v14 =	vadd.f32 v18, v14;
	v15 =	vadd.f32 v17, v15;
	v17 =	vld [tilespmem:s15+$0x70]  }
0x233: {  	v18 =	vadd.f32 v25, v19;
	v7 =	vadd.f32 v26, v7;
	v21 =	vld [tilespmem:s15+$0xB0]  }
0x234: {  	v8 =	vadd.f32 v8, v14;
	v12 =	vadd.f32 v12, v15;
	s15 =	sadd.s32 $0x190, s15;
	v22 =	vld [tilespmem:s5+$0x16600]  }
0x235: {  	v14 =	vld [tilespmem:s15+$0x80];
	v15 =	vadd.f32 v27, v18;
	v7 =	vadd.f32 v16, v7  }
0x236: {  	v12 =	vadd.f32 v13, v12;
	v18 =	vld [tilespmem:s15+$0x90];
	v8 =	vadd.f32 v20, v8  }
0x237: {  	v23 =	vld [tilespmem:s15+$0xA0];
	v11 =	vadd.f32 v11, v15;
	v7 =	vadd.f32 v17, v7  }
0x238: {  	v19 =	vadd.f32 v10, v12;
	v15 =	vld [tilespmem:s15+$0x30];
	v16 =	vadd.f32 v9, v8  }
0x239: {  	v13 =	vld [tilespmem:s15+$0x50];
	v20 =	vadd.f32 v21, v11;
	v7 =	vadd.f32 v22, v7  }
0x23a: {  	v11 =	vld [tilespmem:s15+$0x60]  }
0x23b: {  	v17 =	vld [tilespmem:s15+$0xFFFFFF40];
	v9 =	vmov v18  }
0x23c: {  	v22 =	vld [tilespmem:s15+$0xFFFFFFE0];
	v10 =	vmov v23  }
0x23d: {  	v23 =	vld [tilespmem:s15+$0xFFFFFF90]  }
0x23e: {  	v8 =	vld [tilespmem:s15+$0xFFFFFFF0]  }
0x23f: {  	v12 =	vld [tilespmem:s15+$0x0]  }
0x240: {  	v24 =	vadd.f32 v17, v28;
	v18 =	vld [tilespmem:s15+$0xFFFFFFA0]  }
.Ltmp9:
0x241: {  	v17 =	vld [tilespmem:s15+$0xFFFFFFB0];
	(pc) =	sbr.rel @p1 .LBB2_21-.Ltmp9, $4  }
0x242: {  	v21 =	vld [tilespmem:s15+$0xFFFFFF50];
	v25 =	vadd.f32 v23, v24  }
0x243: {  	v23 =	vld [tilespmem:s15+$0xFFFFFF60]  }
0x244: {  	v24 =	vld [tilespmem:s15+$0xFFFFFF70];
	v25 =	vadd.f32 v22, v25  }
0x245: {  	s17 =	sadd.s32 $0x190, s17;
	v22 =	vld [tilespmem:s15+$0xFFFFFF80]  }
0x246: {  	s5 =	sand.u32 $0x3FF0, s16  }
0x247: {  	v26 =	vld [tilespmem:s5+$0x16500]  }
0x248: {  	v27 =	vld [tilespmem:s15+$0xFFFFFFD0]  }
0x249: {  	v15 =	vadd.f32 v15, v25;
	v48 =	vld [tilespmem:s15+$0x10];
	v16 =	vadd.f32 v21, v16  }
0x24a: {  	v50 =	vadd.s32 $0xFFFEA070, v3;
	v49 =	vld [tilespmem:s5+$0x16580];
	v19 =	vadd.f32 v23, v19;
	v20 =	vadd.f32 v24, v20  }
0x24b: {  	vm1 =	vgt.s32 v50, $0x0;
	v14 =	vadd.f32 v14, v15;
	v51 =	vadd.f32 v18, v16  }
0x24c: {  	v52 =	vld [tilespmem:s15+$0x20];
	v54 =	vnsel vm1, $0x0, v50;
	v17 =	vadd.f32 v17, v19;
	v53 =	vadd.f32 v26, v20  }
0x24d: {  	v55 =	vld [tilespmem:s15+$0xB0];
	v56 =	vmin.u32 v54, $0x270F;
	v7 =	vadd.f32 v22, v7;
	v8 =	vadd.f32 v8, v51  }
0x24e: {  	v57 =	vld [tilespmem:s15+$0x70];
	v12 =	vadd.f32 v12, v17;
	v58 =	vadd.f32 v48, v53  }
0x24f: {  	v7 =	vadd.f32 v27, v7;
	v8 =	vadd.f32 v49, v8  }
0x250: {  	v12 =	vadd.f32 v13, v12;
	v11 =	vadd.f32 v11, v58  }
0x251: {  	v59 =	vld [tilespmem:s5+$0x16600];
	v7 =	vadd.f32 v52, v7;
	v8 =	vadd.f32 v9, v8  }
0x252: {  	v62 =	vld.idx.msk [tilespmem:v56+s29+$0x0], $0xffff;
	v60 =	vadd.f32 v10, v12;
	v61 =	vadd.f32 v55, v11  }
0x253: {  	v7 =	vadd.f32 v57, v7  }
0x254: {  	v8 =	vadd.f32 v8, v14;
	v9 =	vadd.f32 v61, v60  }
0x255: {  	s15 =	simm.s32 @!p0 $0x16480  }
0x256: {  	s13 =	sadd.s32 $0x1, s13;
	s5 =	sadd.s32 @!p0 $0x5CC6, s14;
	s14 =	simm.s32 @!p0 $0x0;
	vm1 =	vlt.u32 v50, $0x2710;
	v7 =	vadd.f32 v59, v7;
	v8 =	vadd.f32 v9, v8  }
0x257: {  	[tilespmem:s15], [sflag:$0xA] =	stream.linear.gather @!p0 [hbm4b:s5+s14], $0x2710, $0x38;
	v6 =	vsel vm1, v62, v6;
	[tilespmem:$0x18C00] =	vst v63  }
0x258: {  	v4 =	vmul.f32 $-1.000020010e-06, v4;
	p0 =	sne.s32 s13, $0x20;
	v6 =	vmul.f32 $8.999990220e-01, v6;
	v7 =	vadd.f32 v8, v7  }
.Ltmp10:
0x259: {  	_ = 	snop;
	(pc) =	sbr.rel @p0 .LBB2_2-.Ltmp10, $4  }
0x25a: {  	vm1 =	vne.s32 v3, $0x0;
	v3 =	vadd.f32 v4, v6;
	v5 =	vadd.f32 v7, v5  }
0x25b: {  	vm2 =	vmand vm1, vm0  }
0x25c: {  	v3 =	vnsel vm2, $0x0, v3;
	v63 =	vnsel vm1, $0x0, v5  }
0x25d: {  	v0 =	vadd.f32 v3, v0;
	v2 =	vadd.f32 v63, v2  }
0x25e: {  	_ = 	snop  }
0x25f: {  	v1 =	vmul.f32 $1.000020010e-06, v2;
	_ =	sdelay $0x1  }
0x260: {  	v0 =	vadd.f32 v0, v1;
	_ =	sdelay $0x1  }
0x261: {  	v0 =	vmul.f32 $-9.765625000e-04, v0;
	_ =	sdelay $0x1  }
0x262: {  	s5 =	rddreg [dreg:$0xe];
	s13 =	simm.s32 $0x80;
	[tilespmem:$0x80] =	vst v0  }
0x263: {  	[hbm4b:s5+s2] =	stream.linear.scatter [tilespmem:s13], [sflag:$0xB], $0x80, $0x38;
	[tilespmem:$0x18C00] =	vst v63  }
0x264: {  	_ =	swait.ge [sflag:s18], $0x80  }
0x265: {  	s12 =	sadd.s32 $0x1, s12;
	s17 =	rddreg [dreg:$0xf]  }
0x266: {  	p0 =	sne.s32 s12, s17  }
.Ltmp11:
0x267: {  	_ = 	snop;
	(pc) =	sbr.rel @p0 .LBB2_1-.Ltmp11, $3  }
0x268: {  	_ =	sdelay $0x1  }
0x269: {  	[sflag:s18] =	ssyncset.done $0x0  }
0x26a: {  	[sflag:s18] =	ssyncadd.s32 $0xFFFFFF80  }
0x26b: {  	_ =	sfence.sel $0x180000  }
0x26c: {  	[bflag:$0x0] =	sbarrier.arrive $0xFFFF  }
0x26d: {  	_ =	strace $0x90000047  }
0x26e: {  	s0 =	stileid.u32;
	[bflag:$0x2] =	sbarrier.arrive $0xFFFF  }
0x26f: {  	p0 =	sne.s32 s0, $0x0;
	s0 =	rddreg [dreg:$0x2]  }
0x270: {  	s0 =	sadd.s32 @!p0 $0x100000, s0  }
0x271: {  	[sflag:s0] =	ssyncadd.tile.s32 @!p0 $0x1;
	_ =	shalt  }
.Lfunc_end2:
_tile_overlayer_lowered:
.L_overlay_start_2:
0x272: {  	(tag) =	ssettag $0x2  }
0x273: {  	s0 =	rddreg [dreg:$0x0];
	s2 =	stileid.u32  }
0x274: {  	s1 =	rddreg [dreg:$0x1];
	p0 =	sne.s32 s2, $0x0  }
0x275: {  	s3 =	rddreg [dreg:$0x2];
	[bflag:$0x3] =	sbarrier.arrive $0xFFFF;
	s2 =	simm.s32 @!p0 $0x1C0B  }
0x276: {  	[timem:s3], [sflag:s2] =	dma.local @!p0 [hbm:s0], s1  }
0x277: {  	s0 =	simm.s32 @!p0 $0xB  }
0x278: {  	_ =	swait.ge @!p0 [sflag:s0], s1  }
0x279: {  	s1 =	ssub.s32 @!p0 $0x0, s1;
	[sflag:s0] =	ssyncset.done @!p0 $0x0  }
0x27a: {  	[sflag:s0] =	ssyncadd.s32 @!p0 s1  }
0x27b: {  	[bflag:$0x3] =	sbarrier.arrive $0xFFFF  }
0x27c: {  	_ =	shalt  }

</sc_bundles>
